<compile_context>
chip_gen: v7x
topology: tpu7x:2x2x1
jax: 0.10.2.dev20260603
libtpu: 0.0.44.dev20260713+nightly
codegen_flags: <defaults>
</compile_context>

<pallas_src>
import functools

import jax
import jax.numpy as jnp
from jax import lax
from jax.experimental import pallas as pl
from jax.experimental.pallas import tpu as pltpu
from jax.experimental.pallas import tpu_sc as plsc

LEN = 128
NW = 32


def kernel(x):
    T, C, H, W = x.shape
    chunks = LEN * C
    per_w = chunks // NW
    a, b = 2 * (T - 1), 2 * (LEN - 1)

    mesh = plsc.VectorSubcoreMesh(core_axis_name="c", subcore_axis_name="s")

    @functools.partial(
        pl.kernel,
        out_type=jax.ShapeDtypeStruct((LEN, C, H, W), x.dtype),
        mesh=mesh,
        scratch_types=[
            pltpu.VMEM((2, H, W), x.dtype),
            pltpu.SemaphoreType.DMA,
            pltpu.SemaphoreType.DMA,
            pltpu.SemaphoreType.DMA,
            pltpu.SemaphoreType.DMA,
        ],
    )
    def k(x_hbm, out_hbm, buf, si0, si1, so0, so1):
        wid = lax.axis_index("s") * 2 + lax.axis_index("c")
        base = wid * per_w
        sin = (si0, si1)
        sout = (so0, so1)

        def start_in(q, slot):
            o = base + q
            frame = o // C
            ch = o % C
            src = (frame * a + (LEN - 1)) // b
            return pltpu.async_copy(x_hbm.at[src, ch], buf.at[slot], sin[slot])

        def start_out(q, slot):
            o = base + q
            return pltpu.async_copy(buf.at[slot], out_hbm.at[o // C, o % C], sout[slot])

        in_cp = [None, None]
        out_cp = [None, None]
        in_cp[0] = start_in(0, 0)
        for q in range(per_w):
            slot = q % 2
            nxt = (q + 1) % 2
            if q + 1 < per_w:
                if q >= 1:
                    out_cp[nxt].wait()
                in_cp[nxt] = start_in(q + 1, nxt)
            in_cp[slot].wait()
            out_cp[slot] = start_out(q, slot)
        out_cp[0].wait()
        out_cp[1].wait()

    return k(x)

# --- scband reference (transcript-rebuilt; emitter-appended) ---
"""Pipeline reference for scband-resize-video-to-length-17033840295984 (READ-ONLY COPY).

The authoritative reference and input builder live on the scoring server;
editing this copy changes nothing except your own understanding.
"""

import jax, jax.numpy as jnp
import numpy as np

LENGTH = 128


def setup_inputs(seed: int = 0) -> dict:
    key = jax.random.key(seed)
    x = jax.random.normal(key, (300, 3, 224, 224), dtype=jnp.float32)
    return {"x": x}


def reference(x):
    T = x.shape[0]
    frame_idxs = jnp.linspace(0.0, T - 1, LENGTH)
    frame_idxs = jnp.clip(jnp.round(frame_idxs), 0, T - 1).astype(jnp.int32)
    out = jnp.take(x, frame_idxs, axis=0)
    return out

if __name__ == "__main__":
    import jax
    _d = setup_inputs()
    print(jax.jit(kernel)(*tuple(_d.values())))

</pallas_src>

<mosaic_0001>
#map = affine_map<(d0, d1) -> (0, 0, 0, 0)>
module attributes {stable_mosaic.version = 14 : i64} {
  func.func @k(%arg0: i32, %arg1: i32, %arg2: memref<300x3x224x224xf32, #tpu.memory_space<hbm>>, %arg3: memref<128x3x224x224xf32, #tpu.memory_space<hbm>>, %arg4: memref<2x224x224xf32, #tpu.memory_space<vmem>>, %arg5: memref<!tpu.dma_semaphore, #tpu.memory_space<semaphore_mem>>, %arg6: memref<!tpu.dma_semaphore, #tpu.memory_space<semaphore_mem>>, %arg7: memref<!tpu.dma_semaphore, #tpu.memory_space<semaphore_mem>>, %arg8: memref<!tpu.dma_semaphore, #tpu.memory_space<semaphore_mem>>) attributes {dimension_semantics = [#tpu.dimension_semantics<core_parallel>, #tpu.dimension_semantics<subcore_parallel>], iteration_bounds = array<i64: 2, 16>, scalar_prefetch = 0 : i64, scratch_operands = 5 : i64, tpu.core_type = #tpu.core_type<sc_vector_subcore>, window_params = [{transform_indices = #map}, {transform_indices = #map}]} {
    %mul3A = arith.constant 2 : i32
    %mul3A_0 = arith.muli %arg1, %mul3A : i32
    %add3A = arith.addi %mul3A_0, %arg0 : i32
    %mul3A_1 = arith.constant 12 : i32
    %mul3A_2 = arith.muli %add3A, %mul3A_1 : i32
    %add3A_3 = arith.constant 0 : i32
    %add3A_4 = arith.addi %mul3A_2, %add3A_3 : i32
    %jit3A = arith.constant 3 : i32
    %div3A = arith.divsi %add3A_4, %jit3A : i32
    %sign3A = arith.constant 0 : i32
    %sign3A_5 = arith.cmpi sgt, %add3A_4, %sign3A : i32
    %sign3A_6 = arith.extui %sign3A_5 : i1 to i32
    %sign3A_7 = arith.constant 0 : i32
    %sign3A_8 = arith.cmpi slt, %add3A_4, %sign3A_7 : i32
    %sign3A_9 = arith.extui %sign3A_8 : i1 to i32
    %sign3A_10 = arith.subi %sign3A_6, %sign3A_9 : i32
    %sign3A_11 = arith.constant 0 : i32
    %sign3A_12 = arith.cmpi sgt, %jit3A, %sign3A_11 : i32
    %sign3A_13 = arith.extui %sign3A_12 : i1 to i32
    %sign3A_14 = arith.constant 0 : i32
    %sign3A_15 = arith.cmpi slt, %jit3A, %sign3A_14 : i32
    %sign3A_16 = arith.extui %sign3A_15 : i1 to i32
    %sign3A_17 = arith.subi %sign3A_13, %sign3A_16 : i32
    %ne3A = arith.cmpi ne, %sign3A_10, %sign3A_17 : i32
    %rem3A = arith.remsi %add3A_4, %jit3A : i32
    %ne3A_18 = arith.constant 0 : i32
    %ne3A_19 = arith.cmpi ne, %rem3A, %ne3A_18 : i32
    %and3A = arith.andi %ne3A, %ne3A_19 : i1
    %sub3A = arith.constant 1 : i32
    %sub3A_20 = arith.subi %div3A, %sub3A : i32
    %select_n3A = arith.select %and3A, %sub3A_20, %div3A : i32
    %jit3A_21 = arith.constant 3 : i32
    %eq3A = arith.constant 0 : i32
    %eq3A_22 = arith.cmpi eq, %jit3A_21, %eq3A : i32
    %jit3A_23 = arith.constant 1 : i32
    %select_n3A_24 = arith.select %eq3A_22, %jit3A_23, %jit3A_21 : i32
    %rem3A_25 = arith.remsi %add3A_4, %select_n3A_24 : i32
    %ne3A_26 = arith.constant 0 : i32
    %ne3A_27 = arith.cmpi ne, %rem3A_25, %ne3A_26 : i32
    %lt3A = arith.constant 0 : i32
    %lt3A_28 = arith.cmpi slt, %rem3A_25, %lt3A : i32
    %lt3A_29 = arith.constant 0 : i32
    %lt3A_30 = arith.cmpi slt, %select_n3A_24, %lt3A_29 : i32
    %ne3A_31 = arith.xori %lt3A_28, %lt3A_30 : i1
    %and3A_32 = arith.andi %ne3A_31, %ne3A_27 : i1
    %add3A_33 = arith.addi %rem3A_25, %select_n3A_24 : i32
    %select_n3A_34 = arith.select %and3A_32, %add3A_33, %rem3A_25 : i32
    %mul3A_35 = arith.constant 598 : i32
    %mul3A_36 = arith.muli %select_n3A, %mul3A_35 : i32
    %add3A_37 = arith.constant 127 : i32
    %add3A_38 = arith.addi %mul3A_36, %add3A_37 : i32
    %jit3A_39 = arith.constant 254 : i32
    %div3A_40 = arith.divsi %add3A_38, %jit3A_39 : i32
    %sign3A_41 = arith.constant 0 : i32
    %sign3A_42 = arith.cmpi sgt, %add3A_38, %sign3A_41 : i32
    %sign3A_43 = arith.extui %sign3A_42 : i1 to i32
    %sign3A_44 = arith.constant 0 : i32
    %sign3A_45 = arith.cmpi slt, %add3A_38, %sign3A_44 : i32
    %sign3A_46 = arith.extui %sign3A_45 : i1 to i32
    %sign3A_47 = arith.subi %sign3A_43, %sign3A_46 : i32
    %sign3A_48 = arith.constant 0 : i32
    %sign3A_49 = arith.cmpi sgt, %jit3A_39, %sign3A_48 : i32
    %sign3A_50 = arith.extui %sign3A_49 : i1 to i32
    %sign3A_51 = arith.constant 0 : i32
    %sign3A_52 = arith.cmpi slt, %jit3A_39, %sign3A_51 : i32
    %sign3A_53 = arith.extui %sign3A_52 : i1 to i32
    %sign3A_54 = arith.subi %sign3A_50, %sign3A_53 : i32
    %ne3A_55 = arith.cmpi ne, %sign3A_47, %sign3A_54 : i32
    %rem3A_56 = arith.remsi %add3A_38, %jit3A_39 : i32
    %ne3A_57 = arith.constant 0 : i32
    %ne3A_58 = arith.cmpi ne, %rem3A_56, %ne3A_57 : i32
    %and3A_59 = arith.andi %ne3A_55, %ne3A_58 : i1
    %sub3A_60 = arith.constant 1 : i32
    %sub3A_61 = arith.subi %div3A_40, %sub3A_60 : i32
    %select_n3A_62 = arith.select %and3A_59, %sub3A_61, %div3A_40 : i32
    %dma_start3A = arith.constant 0 : i32
    %dma_start3A_63 = arith.constant 0 : i32
    %dma_start3A_64 = arith.constant 0 : i32
    %dma_start3A_65 = tpu.memref_slice %arg4[%dma_start3A, %dma_start3A_63, %dma_start3A_64] : memref<2x224x224xf32, #tpu.memory_space<vmem>> -> memref<1x224x224xf32, #tpu.memory_space<vmem>>
    %dma_start3A_66 = tpu.memref_squeeze %dma_start3A_65 : memref<1x224x224xf32, #tpu.memory_space<vmem>> -> memref<224x224xf32, #tpu.memory_space<vmem>>
    %dma_start3A_67 = arith.constant 0 : i32
    %dma_start3A_68 = arith.constant 0 : i32
    %dma_start3A_69 = tpu.memref_slice %arg2[%select_n3A_62, %select_n3A_34, %dma_start3A_67, %dma_start3A_68] : memref<300x3x224x224xf32, #tpu.memory_space<hbm>> -> memref<1x1x224x224xf32, #tpu.memory_space<hbm>>
    %dma_start3A_70 = tpu.memref_squeeze %dma_start3A_69 : memref<1x1x224x224xf32, #tpu.memory_space<hbm>> -> memref<224x224xf32, #tpu.memory_space<hbm>>
    %dma_start3A_71 = arith.constant 0 : i32
    %dma_start3A_72 = arith.constant 0 : i32
    %dma_start3A_73 = tpu.memref_slice %arg4[%dma_start3A, %dma_start3A_71, %dma_start3A_72] : memref<2x224x224xf32, #tpu.memory_space<vmem>> -> memref<1x224x224xf32, #tpu.memory_space<vmem>>
    %dma_start3A_74 = tpu.memref_squeeze %dma_start3A_73 : memref<1x224x224xf32, #tpu.memory_space<vmem>> -> memref<224x224xf32, #tpu.memory_space<vmem>>
    %dma_start3A_75 = arith.constant 0 : i32
    %dma_start3A_76 = arith.constant 0 : i32
    %dma_start3A_77 = tpu.memref_slice %arg2[%select_n3A_62, %select_n3A_34, %dma_start3A_75, %dma_start3A_76] : memref<300x3x224x224xf32, #tpu.memory_space<hbm>> -> memref<1x1x224x224xf32, #tpu.memory_space<hbm>>
    %dma_start3A_78 = tpu.memref_squeeze %dma_start3A_77 : memref<1x1x224x224xf32, #tpu.memory_space<hbm>> -> memref<224x224xf32, #tpu.memory_space<hbm>>
    tpu.enqueue_dma source(%dma_start3A_78 : memref<224x224xf32, #tpu.memory_space<hbm>>) target(%dma_start3A_74 : memref<224x224xf32, #tpu.memory_space<vmem>>) target_semaphore(%arg5 : memref<!tpu.dma_semaphore, #tpu.memory_space<semaphore_mem>>)
    %add3A_79 = arith.constant 1 : i32
    %add3A_80 = arith.addi %mul3A_2, %add3A_79 : i32
    %jit3A_81 = arith.constant 3 : i32
    %div3A_82 = arith.divsi %add3A_80, %jit3A_81 : i32
    %sign3A_83 = arith.constant 0 : i32
    %sign3A_84 = arith.cmpi sgt, %add3A_80, %sign3A_83 : i32
    %sign3A_85 = arith.extui %sign3A_84 : i1 to i32
    %sign3A_86 = arith.constant 0 : i32
    %sign3A_87 = arith.cmpi slt, %add3A_80, %sign3A_86 : i32
    %sign3A_88 = arith.extui %sign3A_87 : i1 to i32
    %sign3A_89 = arith.subi %sign3A_85, %sign3A_88 : i32
    %sign3A_90 = arith.constant 0 : i32
    %sign3A_91 = arith.cmpi sgt, %jit3A_81, %sign3A_90 : i32
    %sign3A_92 = arith.extui %sign3A_91 : i1 to i32
    %sign3A_93 = arith.constant 0 : i32
    %sign3A_94 = arith.cmpi slt, %jit3A_81, %sign3A_93 : i32
    %sign3A_95 = arith.extui %sign3A_94 : i1 to i32
    %sign3A_96 = arith.subi %sign3A_92, %sign3A_95 : i32
    %ne3A_97 = arith.cmpi ne, %sign3A_89, %sign3A_96 : i32
    %rem3A_98 = arith.remsi %add3A_80, %jit3A_81 : i32
    %ne3A_99 = arith.constant 0 : i32
    %ne3A_100 = arith.cmpi ne, %rem3A_98, %ne3A_99 : i32
    %and3A_101 = arith.andi %ne3A_97, %ne3A_100 : i1
    %sub3A_102 = arith.constant 1 : i32
    %sub3A_103 = arith.subi %div3A_82, %sub3A_102 : i32
    %select_n3A_104 = arith.select %and3A_101, %sub3A_103, %div3A_82 : i32
    %jit3A_105 = arith.constant 3 : i32
    %eq3A_106 = arith.constant 0 : i32
    %eq3A_107 = arith.cmpi eq, %jit3A_105, %eq3A_106 : i32
    %jit3A_108 = arith.constant 1 : i32
    %select_n3A_109 = arith.select %eq3A_107, %jit3A_108, %jit3A_105 : i32
    %rem3A_110 = arith.remsi %add3A_80, %select_n3A_109 : i32
    %ne3A_111 = arith.constant 0 : i32
    %ne3A_112 = arith.cmpi ne, %rem3A_110, %ne3A_111 : i32
    %lt3A_113 = arith.constant 0 : i32
    %lt3A_114 = arith.cmpi slt, %rem3A_110, %lt3A_113 : i32
    %lt3A_115 = arith.constant 0 : i32
    %lt3A_116 = arith.cmpi slt, %select_n3A_109, %lt3A_115 : i32
    %ne3A_117 = arith.xori %lt3A_114, %lt3A_116 : i1
    %and3A_118 = arith.andi %ne3A_117, %ne3A_112 : i1
    %add3A_119 = arith.addi %rem3A_110, %select_n3A_109 : i32
    %select_n3A_120 = arith.select %and3A_118, %add3A_119, %rem3A_110 : i32
    %mul3A_121 = arith.constant 598 : i32
    %mul3A_122 = arith.muli %select_n3A_104, %mul3A_121 : i32
    %add3A_123 = arith.constant 127 : i32
    %add3A_124 = arith.addi %mul3A_122, %add3A_123 : i32
    %jit3A_125 = arith.constant 254 : i32
    %div3A_126 = arith.divsi %add3A_124, %jit3A_125 : i32
    %sign3A_127 = arith.constant 0 : i32
    %sign3A_128 = arith.cmpi sgt, %add3A_124, %sign3A_127 : i32
    %sign3A_129 = arith.extui %sign3A_128 : i1 to i32
    %sign3A_130 = arith.constant 0 : i32
    %sign3A_131 = arith.cmpi slt, %add3A_124, %sign3A_130 : i32
    %sign3A_132 = arith.extui %sign3A_131 : i1 to i32
    %sign3A_133 = arith.subi %sign3A_129, %sign3A_132 : i32
    %sign3A_134 = arith.constant 0 : i32
    %sign3A_135 = arith.cmpi sgt, %jit3A_125, %sign3A_134 : i32
    %sign3A_136 = arith.extui %sign3A_135 : i1 to i32
    %sign3A_137 = arith.constant 0 : i32
    %sign3A_138 = arith.cmpi slt, %jit3A_125, %sign3A_137 : i32
    %sign3A_139 = arith.extui %sign3A_138 : i1 to i32
    %sign3A_140 = arith.subi %sign3A_136, %sign3A_139 : i32
    %ne3A_141 = arith.cmpi ne, %sign3A_133, %sign3A_140 : i32
    %rem3A_142 = arith.remsi %add3A_124, %jit3A_125 : i32
    %ne3A_143 = arith.constant 0 : i32
    %ne3A_144 = arith.cmpi ne, %rem3A_142, %ne3A_143 : i32
    %and3A_145 = arith.andi %ne3A_141, %ne3A_144 : i1
    %sub3A_146 = arith.constant 1 : i32
    %sub3A_147 = arith.subi %div3A_126, %sub3A_146 : i32
    %select_n3A_148 = arith.select %and3A_145, %sub3A_147, %div3A_126 : i32
    %dma_start3A_149 = arith.constant 1 : i32
    %dma_start3A_150 = arith.constant 0 : i32
    %dma_start3A_151 = arith.constant 0 : i32
    %dma_start3A_152 = tpu.memref_slice %arg4[%dma_start3A_149, %dma_start3A_150, %dma_start3A_151] : memref<2x224x224xf32, #tpu.memory_space<vmem>> -> memref<1x224x224xf32, #tpu.memory_space<vmem>>
    %dma_start3A_153 = tpu.memref_squeeze %dma_start3A_152 : memref<1x224x224xf32, #tpu.memory_space<vmem>> -> memref<224x224xf32, #tpu.memory_space<vmem>>
    %dma_start3A_154 = arith.constant 0 : i32
    %dma_start3A_155 = arith.constant 0 : i32
    %dma_start3A_156 = tpu.memref_slice %arg2[%select_n3A_148, %select_n3A_120, %dma_start3A_154, %dma_start3A_155] : memref<300x3x224x224xf32, #tpu.memory_space<hbm>> -> memref<1x1x224x224xf32, #tpu.memory_space<hbm>>
    %dma_start3A_157 = tpu.memref_squeeze %dma_start3A_156 : memref<1x1x224x224xf32, #tpu.memory_space<hbm>> -> memref<224x224xf32, #tpu.memory_space<hbm>>
    %dma_start3A_158 = arith.constant 0 : i32
    %dma_start3A_159 = arith.constant 0 : i32
    %dma_start3A_160 = tpu.memref_slice %arg4[%dma_start3A_149, %dma_start3A_158, %dma_start3A_159] : memref<2x224x224xf32, #tpu.memory_space<vmem>> -> memref<1x224x224xf32, #tpu.memory_space<vmem>>
    %dma_start3A_161 = tpu.memref_squeeze %dma_start3A_160 : memref<1x224x224xf32, #tpu.memory_space<vmem>> -> memref<224x224xf32, #tpu.memory_space<vmem>>
    %dma_start3A_162 = arith.constant 0 : i32
    %dma_start3A_163 = arith.constant 0 : i32
    %dma_start3A_164 = tpu.memref_slice %arg2[%select_n3A_148, %select_n3A_120, %dma_start3A_162, %dma_start3A_163] : memref<300x3x224x224xf32, #tpu.memory_space<hbm>> -> memref<1x1x224x224xf32, #tpu.memory_space<hbm>>
    %dma_start3A_165 = tpu.memref_squeeze %dma_start3A_164 : memref<1x1x224x224xf32, #tpu.memory_space<hbm>> -> memref<224x224xf32, #tpu.memory_space<hbm>>
    tpu.enqueue_dma source(%dma_start3A_165 : memref<224x224xf32, #tpu.memory_space<hbm>>) target(%dma_start3A_161 : memref<224x224xf32, #tpu.memory_space<vmem>>) target_semaphore(%arg6 : memref<!tpu.dma_semaphore, #tpu.memory_space<semaphore_mem>>)
    %dma_wait3A = arith.constant 0 : i32
    %dma_wait3A_166 = arith.constant 0 : i32
    %dma_wait3A_167 = arith.constant 0 : i32
    %dma_wait3A_168 = tpu.memref_slice %arg4[%dma_wait3A, %dma_wait3A_166, %dma_wait3A_167] : memref<2x224x224xf32, #tpu.memory_space<vmem>> -> memref<1x224x224xf32, #tpu.memory_space<vmem>>
    %dma_wait3A_169 = tpu.memref_squeeze %dma_wait3A_168 : memref<1x224x224xf32, #tpu.memory_space<vmem>> -> memref<224x224xf32, #tpu.memory_space<vmem>>
    %dma_wait3A_170 = arith.constant 0 : i32
    %dma_wait3A_171 = arith.constant 0 : i32
    %dma_wait3A_172 = tpu.memref_slice %arg2[%select_n3A_62, %select_n3A_34, %dma_wait3A_170, %dma_wait3A_171] : memref<300x3x224x224xf32, #tpu.memory_space<hbm>> -> memref<1x1x224x224xf32, #tpu.memory_space<hbm>>
    %dma_wait3A_173 = tpu.memref_squeeze %dma_wait3A_172 : memref<1x1x224x224xf32, #tpu.memory_space<hbm>> -> memref<224x224xf32, #tpu.memory_space<hbm>>
    %dma_wait3A_174 = arith.constant 0 : i32
    %dma_wait3A_175 = arith.constant 0 : i32
    %dma_wait3A_176 = tpu.memref_slice %arg4[%dma_wait3A, %dma_wait3A_174, %dma_wait3A_175] : memref<2x224x224xf32, #tpu.memory_space<vmem>> -> memref<1x224x224xf32, #tpu.memory_space<vmem>>
    %dma_wait3A_177 = tpu.memref_squeeze %dma_wait3A_176 : memref<1x224x224xf32, #tpu.memory_space<vmem>> -> memref<224x224xf32, #tpu.memory_space<vmem>>
    %dma_wait3A_178 = arith.constant 0 : i32
    %dma_wait3A_179 = arith.constant 0 : i32
    %dma_wait3A_180 = tpu.memref_slice %arg2[%select_n3A_62, %select_n3A_34, %dma_wait3A_178, %dma_wait3A_179] : memref<300x3x224x224xf32, #tpu.memory_space<hbm>> -> memref<1x1x224x224xf32, #tpu.memory_space<hbm>>
    %dma_wait3A_181 = tpu.memref_squeeze %dma_wait3A_180 : memref<1x1x224x224xf32, #tpu.memory_space<hbm>> -> memref<224x224xf32, #tpu.memory_space<hbm>>
    tpu.wait_dma2 semaphore(%arg5 : memref<!tpu.dma_semaphore, #tpu.memory_space<semaphore_mem>>) src(%dma_wait3A_181 : memref<224x224xf32, #tpu.memory_space<hbm>>) dst(%dma_wait3A_177 : memref<224x224xf32, #tpu.memory_space<vmem>>)
    %add3A_182 = arith.constant 0 : i32
    %add3A_183 = arith.addi %mul3A_2, %add3A_182 : i32
    %jit3A_184 = arith.constant 3 : i32
    %div3A_185 = arith.divsi %add3A_183, %jit3A_184 : i32
    %sign3A_186 = arith.constant 0 : i32
    %sign3A_187 = arith.cmpi sgt, %add3A_183, %sign3A_186 : i32
    %sign3A_188 = arith.extui %sign3A_187 : i1 to i32
    %sign3A_189 = arith.constant 0 : i32
    %sign3A_190 = arith.cmpi slt, %add3A_183, %sign3A_189 : i32
    %sign3A_191 = arith.extui %sign3A_190 : i1 to i32
    %sign3A_192 = arith.subi %sign3A_188, %sign3A_191 : i32
    %sign3A_193 = arith.constant 0 : i32
    %sign3A_194 = arith.cmpi sgt, %jit3A_184, %sign3A_193 : i32
    %sign3A_195 = arith.extui %sign3A_194 : i1 to i32
    %sign3A_196 = arith.constant 0 : i32
    %sign3A_197 = arith.cmpi slt, %jit3A_184, %sign3A_196 : i32
    %sign3A_198 = arith.extui %sign3A_197 : i1 to i32
    %sign3A_199 = arith.subi %sign3A_195, %sign3A_198 : i32
    %ne3A_200 = arith.cmpi ne, %sign3A_192, %sign3A_199 : i32
    %rem3A_201 = arith.remsi %add3A_183, %jit3A_184 : i32
    %ne3A_202 = arith.constant 0 : i32
    %ne3A_203 = arith.cmpi ne, %rem3A_201, %ne3A_202 : i32
    %and3A_204 = arith.andi %ne3A_200, %ne3A_203 : i1
    %sub3A_205 = arith.constant 1 : i32
    %sub3A_206 = arith.subi %div3A_185, %sub3A_205 : i32
    %select_n3A_207 = arith.select %and3A_204, %sub3A_206, %div3A_185 : i32
    %jit3A_208 = arith.constant 3 : i32
    %eq3A_209 = arith.constant 0 : i32
    %eq3A_210 = arith.cmpi eq, %jit3A_208, %eq3A_209 : i32
    %jit3A_211 = arith.constant 1 : i32
    %select_n3A_212 = arith.select %eq3A_210, %jit3A_211, %jit3A_208 : i32
    %rem3A_213 = arith.remsi %add3A_183, %select_n3A_212 : i32
    %ne3A_214 = arith.constant 0 : i32
    %ne3A_215 = arith.cmpi ne, %rem3A_213, %ne3A_214 : i32
    %lt3A_216 = arith.constant 0 : i32
    %lt3A_217 = arith.cmpi slt, %rem3A_213, %lt3A_216 : i32
    %lt3A_218 = arith.constant 0 : i32
    %lt3A_219 = arith.cmpi slt, %select_n3A_212, %lt3A_218 : i32
    %ne3A_220 = arith.xori %lt3A_217, %lt3A_219 : i1
    %and3A_221 = arith.andi %ne3A_220, %ne3A_215 : i1
    %add3A_222 = arith.addi %rem3A_213, %select_n3A_212 : i32
    %select_n3A_223 = arith.select %and3A_221, %add3A_222, %rem3A_213 : i32
    %dma_start3A_224 = arith.constant 0 : i32
    %dma_start3A_225 = arith.constant 0 : i32
    %dma_start3A_226 = arith.constant 0 : i32
    %dma_start3A_227 = tpu.memref_slice %arg4[%dma_start3A_224, %dma_start3A_225, %dma_start3A_226] : memref<2x224x224xf32, #tpu.memory_space<vmem>> -> memref<1x224x224xf32, #tpu.memory_space<vmem>>
    %dma_start3A_228 = tpu.memref_squeeze %dma_start3A_227 : memref<1x224x224xf32, #tpu.memory_space<vmem>> -> memref<224x224xf32, #tpu.memory_space<vmem>>
    %dma_start3A_229 = arith.constant 0 : i32
    %dma_start3A_230 = arith.constant 0 : i32
    %dma_start3A_231 = tpu.memref_slice %arg3[%select_n3A_207, %select_n3A_223, %dma_start3A_229, %dma_start3A_230] : memref<128x3x224x224xf32, #tpu.memory_space<hbm>> -> memref<1x1x224x224xf32, #tpu.memory_space<hbm>>
    %dma_start3A_232 = tpu.memref_squeeze %dma_start3A_231 : memref<1x1x224x224xf32, #tpu.memory_space<hbm>> -> memref<224x224xf32, #tpu.memory_space<hbm>>
    %dma_start3A_233 = arith.constant 0 : i32
    %dma_start3A_234 = arith.constant 0 : i32
    %dma_start3A_235 = tpu.memref_slice %arg3[%select_n3A_207, %select_n3A_223, %dma_start3A_233, %dma_start3A_234] : memref<128x3x224x224xf32, #tpu.memory_space<hbm>> -> memref<1x1x224x224xf32, #tpu.memory_space<hbm>>
    %dma_start3A_236 = tpu.memref_squeeze %dma_start3A_235 : memref<1x1x224x224xf32, #tpu.memory_space<hbm>> -> memref<224x224xf32, #tpu.memory_space<hbm>>
    %dma_start3A_237 = arith.constant 0 : i32
    %dma_start3A_238 = arith.constant 0 : i32
    %dma_start3A_239 = tpu.memref_slice %arg4[%dma_start3A_224, %dma_start3A_237, %dma_start3A_238] : memref<2x224x224xf32, #tpu.memory_space<vmem>> -> memref<1x224x224xf32, #tpu.memory_space<vmem>>
    %dma_start3A_240 = tpu.memref_squeeze %dma_start3A_239 : memref<1x224x224xf32, #tpu.memory_space<vmem>> -> memref<224x224xf32, #tpu.memory_space<vmem>>
    tpu.enqueue_dma source(%dma_start3A_240 : memref<224x224xf32, #tpu.memory_space<vmem>>) target(%dma_start3A_236 : memref<224x224xf32, #tpu.memory_space<hbm>>) target_semaphore(%arg7 : memref<!tpu.dma_semaphore, #tpu.memory_space<semaphore_mem>>)
    %dma_wait3A_241 = arith.constant 0 : i32
    %dma_wait3A_242 = arith.constant 0 : i32
    %dma_wait3A_243 = arith.constant 0 : i32
    %dma_wait3A_244 = tpu.memref_slice %arg4[%dma_wait3A_241, %dma_wait3A_242, %dma_wait3A_243] : memref<2x224x224xf32, #tpu.memory_space<vmem>> -> memref<1x224x224xf32, #tpu.memory_space<vmem>>
    %dma_wait3A_245 = tpu.memref_squeeze %dma_wait3A_244 : memref<1x224x224xf32, #tpu.memory_space<vmem>> -> memref<224x224xf32, #tpu.memory_space<vmem>>
    %dma_wait3A_246 = arith.constant 0 : i32
    %dma_wait3A_247 = arith.constant 0 : i32
    %dma_wait3A_248 = tpu.memref_slice %arg3[%select_n3A_207, %select_n3A_223, %dma_wait3A_246, %dma_wait3A_247] : memref<128x3x224x224xf32, #tpu.memory_space<hbm>> -> memref<1x1x224x224xf32, #tpu.memory_space<hbm>>
    %dma_wait3A_249 = tpu.memref_squeeze %dma_wait3A_248 : memref<1x1x224x224xf32, #tpu.memory_space<hbm>> -> memref<224x224xf32, #tpu.memory_space<hbm>>
    %dma_wait3A_250 = arith.constant 0 : i32
    %dma_wait3A_251 = arith.constant 0 : i32
    %dma_wait3A_252 = tpu.memref_slice %arg3[%select_n3A_207, %select_n3A_223, %dma_wait3A_250, %dma_wait3A_251] : memref<128x3x224x224xf32, #tpu.memory_space<hbm>> -> memref<1x1x224x224xf32, #tpu.memory_space<hbm>>
    %dma_wait3A_253 = tpu.memref_squeeze %dma_wait3A_252 : memref<1x1x224x224xf32, #tpu.memory_space<hbm>> -> memref<224x224xf32, #tpu.memory_space<hbm>>
    %dma_wait3A_254 = arith.constant 0 : i32
    %dma_wait3A_255 = arith.constant 0 : i32
    %dma_wait3A_256 = tpu.memref_slice %arg4[%dma_wait3A_241, %dma_wait3A_254, %dma_wait3A_255] : memref<2x224x224xf32, #tpu.memory_space<vmem>> -> memref<1x224x224xf32, #tpu.memory_space<vmem>>
    %dma_wait3A_257 = tpu.memref_squeeze %dma_wait3A_256 : memref<1x224x224xf32, #tpu.memory_space<vmem>> -> memref<224x224xf32, #tpu.memory_space<vmem>>
    tpu.wait_dma2 semaphore(%arg7 : memref<!tpu.dma_semaphore, #tpu.memory_space<semaphore_mem>>) src(%dma_wait3A_257 : memref<224x224xf32, #tpu.memory_space<vmem>>) dst(%dma_wait3A_253 : memref<224x224xf32, #tpu.memory_space<hbm>>)
    %add3A_258 = arith.constant 2 : i32
    %add3A_259 = arith.addi %mul3A_2, %add3A_258 : i32
    %jit3A_260 = arith.constant 3 : i32
    %div3A_261 = arith.divsi %add3A_259, %jit3A_260 : i32
    %sign3A_262 = arith.constant 0 : i32
    %sign3A_263 = arith.cmpi sgt, %add3A_259, %sign3A_262 : i32
    %sign3A_264 = arith.extui %sign3A_263 : i1 to i32
    %sign3A_265 = arith.constant 0 : i32
    %sign3A_266 = arith.cmpi slt, %add3A_259, %sign3A_265 : i32
    %sign3A_267 = arith.extui %sign3A_266 : i1 to i32
    %sign3A_268 = arith.subi %sign3A_264, %sign3A_267 : i32
    %sign3A_269 = arith.constant 0 : i32
    %sign3A_270 = arith.cmpi sgt, %jit3A_260, %sign3A_269 : i32
    %sign3A_271 = arith.extui %sign3A_270 : i1 to i32
    %sign3A_272 = arith.constant 0 : i32
    %sign3A_273 = arith.cmpi slt, %jit3A_260, %sign3A_272 : i32
    %sign3A_274 = arith.extui %sign3A_273 : i1 to i32
    %sign3A_275 = arith.subi %sign3A_271, %sign3A_274 : i32
    %ne3A_276 = arith.cmpi ne, %sign3A_268, %sign3A_275 : i32
    %rem3A_277 = arith.remsi %add3A_259, %jit3A_260 : i32
    %ne3A_278 = arith.constant 0 : i32
    %ne3A_279 = arith.cmpi ne, %rem3A_277, %ne3A_278 : i32
    %and3A_280 = arith.andi %ne3A_276, %ne3A_279 : i1
    %sub3A_281 = arith.constant 1 : i32
    %sub3A_282 = arith.subi %div3A_261, %sub3A_281 : i32
    %select_n3A_283 = arith.select %and3A_280, %sub3A_282, %div3A_261 : i32
    %jit3A_284 = arith.constant 3 : i32
    %eq3A_285 = arith.constant 0 : i32
    %eq3A_286 = arith.cmpi eq, %jit3A_284, %eq3A_285 : i32
    %jit3A_287 = arith.constant 1 : i32
    %select_n3A_288 = arith.select %eq3A_286, %jit3A_287, %jit3A_284 : i32
    %rem3A_289 = arith.remsi %add3A_259, %select_n3A_288 : i32
    %ne3A_290 = arith.constant 0 : i32
    %ne3A_291 = arith.cmpi ne, %rem3A_289, %ne3A_290 : i32
    %lt3A_292 = arith.constant 0 : i32
    %lt3A_293 = arith.cmpi slt, %rem3A_289, %lt3A_292 : i32
    %lt3A_294 = arith.constant 0 : i32
    %lt3A_295 = arith.cmpi slt, %select_n3A_288, %lt3A_294 : i32
    %ne3A_296 = arith.xori %lt3A_293, %lt3A_295 : i1
    %and3A_297 = arith.andi %ne3A_296, %ne3A_291 : i1
    %add3A_298 = arith.addi %rem3A_289, %select_n3A_288 : i32
    %select_n3A_299 = arith.select %and3A_297, %add3A_298, %rem3A_289 : i32
    %mul3A_300 = arith.constant 598 : i32
    %mul3A_301 = arith.muli %select_n3A_283, %mul3A_300 : i32
    %add3A_302 = arith.constant 127 : i32
    %add3A_303 = arith.addi %mul3A_301, %add3A_302 : i32
    %jit3A_304 = arith.constant 254 : i32
    %div3A_305 = arith.divsi %add3A_303, %jit3A_304 : i32
    %sign3A_306 = arith.constant 0 : i32
    %sign3A_307 = arith.cmpi sgt, %add3A_303, %sign3A_306 : i32
    %sign3A_308 = arith.extui %sign3A_307 : i1 to i32
    %sign3A_309 = arith.constant 0 : i32
    %sign3A_310 = arith.cmpi slt, %add3A_303, %sign3A_309 : i32
    %sign3A_311 = arith.extui %sign3A_310 : i1 to i32
    %sign3A_312 = arith.subi %sign3A_308, %sign3A_311 : i32
    %sign3A_313 = arith.constant 0 : i32
    %sign3A_314 = arith.cmpi sgt, %jit3A_304, %sign3A_313 : i32
    %sign3A_315 = arith.extui %sign3A_314 : i1 to i32
    %sign3A_316 = arith.constant 0 : i32
    %sign3A_317 = arith.cmpi slt, %jit3A_304, %sign3A_316 : i32
    %sign3A_318 = arith.extui %sign3A_317 : i1 to i32
    %sign3A_319 = arith.subi %sign3A_315, %sign3A_318 : i32
    %ne3A_320 = arith.cmpi ne, %sign3A_312, %sign3A_319 : i32
    %rem3A_321 = arith.remsi %add3A_303, %jit3A_304 : i32
    %ne3A_322 = arith.constant 0 : i32
    %ne3A_323 = arith.cmpi ne, %rem3A_321, %ne3A_322 : i32
    %and3A_324 = arith.andi %ne3A_320, %ne3A_323 : i1
    %sub3A_325 = arith.constant 1 : i32
    %sub3A_326 = arith.subi %div3A_305, %sub3A_325 : i32
    %select_n3A_327 = arith.select %and3A_324, %sub3A_326, %div3A_305 : i32
    %dma_start3A_328 = arith.constant 0 : i32
    %dma_start3A_329 = arith.constant 0 : i32
    %dma_start3A_330 = arith.constant 0 : i32
    %dma_start3A_331 = tpu.memref_slice %arg4[%dma_start3A_328, %dma_start3A_329, %dma_start3A_330] : memref<2x224x224xf32, #tpu.memory_space<vmem>> -> memref<1x224x224xf32, #tpu.memory_space<vmem>>
    %dma_start3A_332 = tpu.memref_squeeze %dma_start3A_331 : memref<1x224x224xf32, #tpu.memory_space<vmem>> -> memref<224x224xf32, #tpu.memory_space<vmem>>
    %dma_start3A_333 = arith.constant 0 : i32
    %dma_start3A_334 = arith.constant 0 : i32
    %dma_start3A_335 = tpu.memref_slice %arg2[%select_n3A_327, %select_n3A_299, %dma_start3A_333, %dma_start3A_334] : memref<300x3x224x224xf32, #tpu.memory_space<hbm>> -> memref<1x1x224x224xf32, #tpu.memory_space<hbm>>
    %dma_start3A_336 = tpu.memref_squeeze %dma_start3A_335 : memref<1x1x224x224xf32, #tpu.memory_space<hbm>> -> memref<224x224xf32, #tpu.memory_space<hbm>>
    %dma_start3A_337 = arith.constant 0 : i32
    %dma_start3A_338 = arith.constant 0 : i32
    %dma_start3A_339 = tpu.memref_slice %arg4[%dma_start3A_328, %dma_start3A_337, %dma_start3A_338] : memref<2x224x224xf32, #tpu.memory_space<vmem>> -> memref<1x224x224xf32, #tpu.memory_space<vmem>>
    %dma_start3A_340 = tpu.memref_squeeze %dma_start3A_339 : memref<1x224x224xf32, #tpu.memory_space<vmem>> -> memref<224x224xf32, #tpu.memory_space<vmem>>
    %dma_start3A_341 = arith.constant 0 : i32
    %dma_start3A_342 = arith.constant 0 : i32
    %dma_start3A_343 = tpu.memref_slice %arg2[%select_n3A_327, %select_n3A_299, %dma_start3A_341, %dma_start3A_342] : memref<300x3x224x224xf32, #tpu.memory_space<hbm>> -> memref<1x1x224x224xf32, #tpu.memory_space<hbm>>
    %dma_start3A_344 = tpu.memref_squeeze %dma_start3A_343 : memref<1x1x224x224xf32, #tpu.memory_space<hbm>> -> memref<224x224xf32, #tpu.memory_space<hbm>>
    tpu.enqueue_dma source(%dma_start3A_344 : memref<224x224xf32, #tpu.memory_space<hbm>>) target(%dma_start3A_340 : memref<224x224xf32, #tpu.memory_space<vmem>>) target_semaphore(%arg5 : memref<!tpu.dma_semaphore, #tpu.memory_space<semaphore_mem>>)
    %dma_wait3A_345 = arith.constant 1 : i32
    %dma_wait3A_346 = arith.constant 0 : i32
    %dma_wait3A_347 = arith.constant 0 : i32
    %dma_wait3A_348 = tpu.memref_slice %arg4[%dma_wait3A_345, %dma_wait3A_346, %dma_wait3A_347] : memref<2x224x224xf32, #tpu.memory_space<vmem>> -> memref<1x224x224xf32, #tpu.memory_space<vmem>>
    %dma_wait3A_349 = tpu.memref_squeeze %dma_wait3A_348 : memref<1x224x224xf32, #tpu.memory_space<vmem>> -> memref<224x224xf32, #tpu.memory_space<vmem>>
    %dma_wait3A_350 = arith.constant 0 : i32
    %dma_wait3A_351 = arith.constant 0 : i32
    %dma_wait3A_352 = tpu.memref_slice %arg2[%select_n3A_148, %select_n3A_120, %dma_wait3A_350, %dma_wait3A_351] : memref<300x3x224x224xf32, #tpu.memory_space<hbm>> -> memref<1x1x224x224xf32, #tpu.memory_space<hbm>>
    %dma_wait3A_353 = tpu.memref_squeeze %dma_wait3A_352 : memref<1x1x224x224xf32, #tpu.memory_space<hbm>> -> memref<224x224xf32, #tpu.memory_space<hbm>>
    %dma_wait3A_354 = arith.constant 0 : i32
    %dma_wait3A_355 = arith.constant 0 : i32
    %dma_wait3A_356 = tpu.memref_slice %arg4[%dma_wait3A_345, %dma_wait3A_354, %dma_wait3A_355] : memref<2x224x224xf32, #tpu.memory_space<vmem>> -> memref<1x224x224xf32, #tpu.memory_space<vmem>>
    %dma_wait3A_357 = tpu.memref_squeeze %dma_wait3A_356 : memref<1x224x224xf32, #tpu.memory_space<vmem>> -> memref<224x224xf32, #tpu.memory_space<vmem>>
    %dma_wait3A_358 = arith.constant 0 : i32
    %dma_wait3A_359 = arith.constant 0 : i32
    %dma_wait3A_360 = tpu.memref_slice %arg2[%select_n3A_148, %select_n3A_120, %dma_wait3A_358, %dma_wait3A_359] : memref<300x3x224x224xf32, #tpu.memory_space<hbm>> -> memref<1x1x224x224xf32, #tpu.memory_space<hbm>>
    %dma_wait3A_361 = tpu.memref_squeeze %dma_wait3A_360 : memref<1x1x224x224xf32, #tpu.memory_space<hbm>> -> memref<224x224xf32, #tpu.memory_space<hbm>>
    tpu.wait_dma2 semaphore(%arg6 : memref<!tpu.dma_semaphore, #tpu.memory_space<semaphore_mem>>) src(%dma_wait3A_361 : memref<224x224xf32, #tpu.memory_space<hbm>>) dst(%dma_wait3A_357 : memref<224x224xf32, #tpu.memory_space<vmem>>)
    %add3A_362 = arith.constant 1 : i32
    %add3A_363 = arith.addi %mul3A_2, %add3A_362 : i32
    %jit3A_364 = arith.constant 3 : i32
    %div3A_365 = arith.divsi %add3A_363, %jit3A_364 : i32
    %sign3A_366 = arith.constant 0 : i32
    %sign3A_367 = arith.cmpi sgt, %add3A_363, %sign3A_366 : i32
    %sign3A_368 = arith.extui %sign3A_367 : i1 to i32
    %sign3A_369 = arith.constant 0 : i32
    %sign3A_370 = arith.cmpi slt, %add3A_363, %sign3A_369 : i32
    %sign3A_371 = arith.extui %sign3A_370 : i1 to i32
    %sign3A_372 = arith.subi %sign3A_368, %sign3A_371 : i32
    %sign3A_373 = arith.constant 0 : i32
    %sign3A_374 = arith.cmpi sgt, %jit3A_364, %sign3A_373 : i32
    %sign3A_375 = arith.extui %sign3A_374 : i1 to i32
    %sign3A_376 = arith.constant 0 : i32
    %sign3A_377 = arith.cmpi slt, %jit3A_364, %sign3A_376 : i32
    %sign3A_378 = arith.extui %sign3A_377 : i1 to i32
    %sign3A_379 = arith.subi %sign3A_375, %sign3A_378 : i32
    %ne3A_380 = arith.cmpi ne, %sign3A_372, %sign3A_379 : i32
    %rem3A_381 = arith.remsi %add3A_363, %jit3A_364 : i32
    %ne3A_382 = arith.constant 0 : i32
    %ne3A_383 = arith.cmpi ne, %rem3A_381, %ne3A_382 : i32
    %and3A_384 = arith.andi %ne3A_380, %ne3A_383 : i1
    %sub3A_385 = arith.constant 1 : i32
    %sub3A_386 = arith.subi %div3A_365, %sub3A_385 : i32
    %select_n3A_387 = arith.select %and3A_384, %sub3A_386, %div3A_365 : i32
    %jit3A_388 = arith.constant 3 : i32
    %eq3A_389 = arith.constant 0 : i32
    %eq3A_390 = arith.cmpi eq, %jit3A_388, %eq3A_389 : i32
    %jit3A_391 = arith.constant 1 : i32
    %select_n3A_392 = arith.select %eq3A_390, %jit3A_391, %jit3A_388 : i32
    %rem3A_393 = arith.remsi %add3A_363, %select_n3A_392 : i32
    %ne3A_394 = arith.constant 0 : i32
    %ne3A_395 = arith.cmpi ne, %rem3A_393, %ne3A_394 : i32
    %lt3A_396 = arith.constant 0 : i32
    %lt3A_397 = arith.cmpi slt, %rem3A_393, %lt3A_396 : i32
    %lt3A_398 = arith.constant 0 : i32
    %lt3A_399 = arith.cmpi slt, %select_n3A_392, %lt3A_398 : i32
    %ne3A_400 = arith.xori %lt3A_397, %lt3A_399 : i1
    %and3A_401 = arith.andi %ne3A_400, %ne3A_395 : i1
    %add3A_402 = arith.addi %rem3A_393, %select_n3A_392 : i32
    %select_n3A_403 = arith.select %and3A_401, %add3A_402, %rem3A_393 : i32
    %dma_start3A_404 = arith.constant 1 : i32
    %dma_start3A_405 = arith.constant 0 : i32
    %dma_start3A_406 = arith.constant 0 : i32
    %dma_start3A_407 = tpu.memref_slice %arg4[%dma_start3A_404, %dma_start3A_405, %dma_start3A_406] : memref<2x224x224xf32, #tpu.memory_space<vmem>> -> memref<1x224x224xf32, #tpu.memory_space<vmem>>
    %dma_start3A_408 = tpu.memref_squeeze %dma_start3A_407 : memref<1x224x224xf32, #tpu.memory_space<vmem>> -> memref<224x224xf32, #tpu.memory_space<vmem>>
    %dma_start3A_409 = arith.constant 0 : i32
    %dma_start3A_410 = arith.constant 0 : i32
    %dma_start3A_411 = tpu.memref_slice %arg3[%select_n3A_387, %select_n3A_403, %dma_start3A_409, %dma_start3A_410] : memref<128x3x224x224xf32, #tpu.memory_space<hbm>> -> memref<1x1x224x224xf32, #tpu.memory_space<hbm>>
    %dma_start3A_412 = tpu.memref_squeeze %dma_start3A_411 : memref<1x1x224x224xf32, #tpu.memory_space<hbm>> -> memref<224x224xf32, #tpu.memory_space<hbm>>
    %dma_start3A_413 = arith.constant 0 : i32
    %dma_start3A_414 = arith.constant 0 : i32
    %dma_start3A_415 = tpu.memref_slice %arg3[%select_n3A_387, %select_n3A_403, %dma_start3A_413, %dma_start3A_414] : memref<128x3x224x224xf32, #tpu.memory_space<hbm>> -> memref<1x1x224x224xf32, #tpu.memory_space<hbm>>
    %dma_start3A_416 = tpu.memref_squeeze %dma_start3A_415 : memref<1x1x224x224xf32, #tpu.memory_space<hbm>> -> memref<224x224xf32, #tpu.memory_space<hbm>>
    %dma_start3A_417 = arith.constant 0 : i32
    %dma_start3A_418 = arith.constant 0 : i32
    %dma_start3A_419 = tpu.memref_slice %arg4[%dma_start3A_404, %dma_start3A_417, %dma_start3A_418] : memref<2x224x224xf32, #tpu.memory_space<vmem>> -> memref<1x224x224xf32, #tpu.memory_space<vmem>>
    %dma_start3A_420 = tpu.memref_squeeze %dma_start3A_419 : memref<1x224x224xf32, #tpu.memory_space<vmem>> -> memref<224x224xf32, #tpu.memory_space<vmem>>
    tpu.enqueue_dma source(%dma_start3A_420 : memref<224x224xf32, #tpu.memory_space<vmem>>) target(%dma_start3A_416 : memref<224x224xf32, #tpu.memory_space<hbm>>) target_semaphore(%arg8 : memref<!tpu.dma_semaphore, #tpu.memory_space<semaphore_mem>>)
    %dma_wait3A_421 = arith.constant 1 : i32
    %dma_wait3A_422 = arith.constant 0 : i32
    %dma_wait3A_423 = arith.constant 0 : i32
    %dma_wait3A_424 = tpu.memref_slice %arg4[%dma_wait3A_421, %dma_wait3A_422, %dma_wait3A_423] : memref<2x224x224xf32, #tpu.memory_space<vmem>> -> memref<1x224x224xf32, #tpu.memory_space<vmem>>
    %dma_wait3A_425 = tpu.memref_squeeze %dma_wait3A_424 : memref<1x224x224xf32, #tpu.memory_space<vmem>> -> memref<224x224xf32, #tpu.memory_space<vmem>>
    %dma_wait3A_426 = arith.constant 0 : i32
    %dma_wait3A_427 = arith.constant 0 : i32
    %dma_wait3A_428 = tpu.memref_slice %arg3[%select_n3A_387, %select_n3A_403, %dma_wait3A_426, %dma_wait3A_427] : memref<128x3x224x224xf32, #tpu.memory_space<hbm>> -> memref<1x1x224x224xf32, #tpu.memory_space<hbm>>
    %dma_wait3A_429 = tpu.memref_squeeze %dma_wait3A_428 : memref<1x1x224x224xf32, #tpu.memory_space<hbm>> -> memref<224x224xf32, #tpu.memory_space<hbm>>
    %dma_wait3A_430 = arith.constant 0 : i32
    %dma_wait3A_431 = arith.constant 0 : i32
    %dma_wait3A_432 = tpu.memref_slice %arg3[%select_n3A_387, %select_n3A_403, %dma_wait3A_430, %dma_wait3A_431] : memref<128x3x224x224xf32, #tpu.memory_space<hbm>> -> memref<1x1x224x224xf32, #tpu.memory_space<hbm>>
    %dma_wait3A_433 = tpu.memref_squeeze %dma_wait3A_432 : memref<1x1x224x224xf32, #tpu.memory_space<hbm>> -> memref<224x224xf32, #tpu.memory_space<hbm>>
    %dma_wait3A_434 = arith.constant 0 : i32
    %dma_wait3A_435 = arith.constant 0 : i32
    %dma_wait3A_436 = tpu.memref_slice %arg4[%dma_wait3A_421, %dma_wait3A_434, %dma_wait3A_435] : memref<2x224x224xf32, #tpu.memory_space<vmem>> -> memref<1x224x224xf32, #tpu.memory_space<vmem>>
    %dma_wait3A_437 = tpu.memref_squeeze %dma_wait3A_436 : memref<1x224x224xf32, #tpu.memory_space<vmem>> -> memref<224x224xf32, #tpu.memory_space<vmem>>
    tpu.wait_dma2 semaphore(%arg8 : memref<!tpu.dma_semaphore, #tpu.memory_space<semaphore_mem>>) src(%dma_wait3A_437 : memref<224x224xf32, #tpu.memory_space<vmem>>) dst(%dma_wait3A_433 : memref<224x224xf32, #tpu.memory_space<hbm>>)
    %add3A_438 = arith.constant 3 : i32
    %add3A_439 = arith.addi %mul3A_2, %add3A_438 : i32
    %jit3A_440 = arith.constant 3 : i32
    %div3A_441 = arith.divsi %add3A_439, %jit3A_440 : i32
    %sign3A_442 = arith.constant 0 : i32
    %sign3A_443 = arith.cmpi sgt, %add3A_439, %sign3A_442 : i32
    %sign3A_444 = arith.extui %sign3A_443 : i1 to i32
    %sign3A_445 = arith.constant 0 : i32
    %sign3A_446 = arith.cmpi slt, %add3A_439, %sign3A_445 : i32
    %sign3A_447 = arith.extui %sign3A_446 : i1 to i32
    %sign3A_448 = arith.subi %sign3A_444, %sign3A_447 : i32
    %sign3A_449 = arith.constant 0 : i32
    %sign3A_450 = arith.cmpi sgt, %jit3A_440, %sign3A_449 : i32
    %sign3A_451 = arith.extui %sign3A_450 : i1 to i32
    %sign3A_452 = arith.constant 0 : i32
    %sign3A_453 = arith.cmpi slt, %jit3A_440, %sign3A_452 : i32
    %sign3A_454 = arith.extui %sign3A_453 : i1 to i32
    %sign3A_455 = arith.subi %sign3A_451, %sign3A_454 : i32
    %ne3A_456 = arith.cmpi ne, %sign3A_448, %sign3A_455 : i32
    %rem3A_457 = arith.remsi %add3A_439, %jit3A_440 : i32
    %ne3A_458 = arith.constant 0 : i32
    %ne3A_459 = arith.cmpi ne, %rem3A_457, %ne3A_458 : i32
    %and3A_460 = arith.andi %ne3A_456, %ne3A_459 : i1
    %sub3A_461 = arith.constant 1 : i32
    %sub3A_462 = arith.subi %div3A_441, %sub3A_461 : i32
    %select_n3A_463 = arith.select %and3A_460, %sub3A_462, %div3A_441 : i32
    %jit3A_464 = arith.constant 3 : i32
    %eq3A_465 = arith.constant 0 : i32
    %eq3A_466 = arith.cmpi eq, %jit3A_464, %eq3A_465 : i32
    %jit3A_467 = arith.constant 1 : i32
    %select_n3A_468 = arith.select %eq3A_466, %jit3A_467, %jit3A_464 : i32
    %rem3A_469 = arith.remsi %add3A_439, %select_n3A_468 : i32
    %ne3A_470 = arith.constant 0 : i32
    %ne3A_471 = arith.cmpi ne, %rem3A_469, %ne3A_470 : i32
    %lt3A_472 = arith.constant 0 : i32
    %lt3A_473 = arith.cmpi slt, %rem3A_469, %lt3A_472 : i32
    %lt3A_474 = arith.constant 0 : i32
    %lt3A_475 = arith.cmpi slt, %select_n3A_468, %lt3A_474 : i32
    %ne3A_476 = arith.xori %lt3A_473, %lt3A_475 : i1
    %and3A_477 = arith.andi %ne3A_476, %ne3A_471 : i1
    %add3A_478 = arith.addi %rem3A_469, %select_n3A_468 : i32
    %select_n3A_479 = arith.select %and3A_477, %add3A_478, %rem3A_469 : i32
    %mul3A_480 = arith.constant 598 : i32
    %mul3A_481 = arith.muli %select_n3A_463, %mul3A_480 : i32
    %add3A_482 = arith.constant 127 : i32
    %add3A_483 = arith.addi %mul3A_481, %add3A_482 : i32
    %jit3A_484 = arith.constant 254 : i32
    %div3A_485 = arith.divsi %add3A_483, %jit3A_484 : i32
    %sign3A_486 = arith.constant 0 : i32
    %sign3A_487 = arith.cmpi sgt, %add3A_483, %sign3A_486 : i32
    %sign3A_488 = arith.extui %sign3A_487 : i1 to i32
    %sign3A_489 = arith.constant 0 : i32
    %sign3A_490 = arith.cmpi slt, %add3A_483, %sign3A_489 : i32
    %sign3A_491 = arith.extui %sign3A_490 : i1 to i32
    %sign3A_492 = arith.subi %sign3A_488, %sign3A_491 : i32
    %sign3A_493 = arith.constant 0 : i32
    %sign3A_494 = arith.cmpi sgt, %jit3A_484, %sign3A_493 : i32
    %sign3A_495 = arith.extui %sign3A_494 : i1 to i32
    %sign3A_496 = arith.constant 0 : i32
    %sign3A_497 = arith.cmpi slt, %jit3A_484, %sign3A_496 : i32
    %sign3A_498 = arith.extui %sign3A_497 : i1 to i32
    %sign3A_499 = arith.subi %sign3A_495, %sign3A_498 : i32
    %ne3A_500 = arith.cmpi ne, %sign3A_492, %sign3A_499 : i32
    %rem3A_501 = arith.remsi %add3A_483, %jit3A_484 : i32
    %ne3A_502 = arith.constant 0 : i32
    %ne3A_503 = arith.cmpi ne, %rem3A_501, %ne3A_502 : i32
    %and3A_504 = arith.andi %ne3A_500, %ne3A_503 : i1
    %sub3A_505 = arith.constant 1 : i32
    %sub3A_506 = arith.subi %div3A_485, %sub3A_505 : i32
    %select_n3A_507 = arith.select %and3A_504, %sub3A_506, %div3A_485 : i32
    %dma_start3A_508 = arith.constant 1 : i32
    %dma_start3A_509 = arith.constant 0 : i32
    %dma_start3A_510 = arith.constant 0 : i32
    %dma_start3A_511 = tpu.memref_slice %arg4[%dma_start3A_508, %dma_start3A_509, %dma_start3A_510] : memref<2x224x224xf32, #tpu.memory_space<vmem>> -> memref<1x224x224xf32, #tpu.memory_space<vmem>>
    %dma_start3A_512 = tpu.memref_squeeze %dma_start3A_511 : memref<1x224x224xf32, #tpu.memory_space<vmem>> -> memref<224x224xf32, #tpu.memory_space<vmem>>
    %dma_start3A_513 = arith.constant 0 : i32
    %dma_start3A_514 = arith.constant 0 : i32
    %dma_start3A_515 = tpu.memref_slice %arg2[%select_n3A_507, %select_n3A_479, %dma_start3A_513, %dma_start3A_514] : memref<300x3x224x224xf32, #tpu.memory_space<hbm>> -> memref<1x1x224x224xf32, #tpu.memory_space<hbm>>
    %dma_start3A_516 = tpu.memref_squeeze %dma_start3A_515 : memref<1x1x224x224xf32, #tpu.memory_space<hbm>> -> memref<224x224xf32, #tpu.memory_space<hbm>>
    %dma_start3A_517 = arith.constant 0 : i32
    %dma_start3A_518 = arith.constant 0 : i32
    %dma_start3A_519 = tpu.memref_slice %arg4[%dma_start3A_508, %dma_start3A_517, %dma_start3A_518] : memref<2x224x224xf32, #tpu.memory_space<vmem>> -> memref<1x224x224xf32, #tpu.memory_space<vmem>>
    %dma_start3A_520 = tpu.memref_squeeze %dma_start3A_519 : memref<1x224x224xf32, #tpu.memory_space<vmem>> -> memref<224x224xf32, #tpu.memory_space<vmem>>
    %dma_start3A_521 = arith.constant 0 : i32
    %dma_start3A_522 = arith.constant 0 : i32
    %dma_start3A_523 = tpu.memref_slice %arg2[%select_n3A_507, %select_n3A_479, %dma_start3A_521, %dma_start3A_522] : memref<300x3x224x224xf32, #tpu.memory_space<hbm>> -> memref<1x1x224x224xf32, #tpu.memory_space<hbm>>
    %dma_start3A_524 = tpu.memref_squeeze %dma_start3A_523 : memref<1x1x224x224xf32, #tpu.memory_space<hbm>> -> memref<224x224xf32, #tpu.memory_space<hbm>>
    tpu.enqueue_dma source(%dma_start3A_524 : memref<224x224xf32, #tpu.memory_space<hbm>>) target(%dma_start3A_520 : memref<224x224xf32, #tpu.memory_space<vmem>>) target_semaphore(%arg6 : memref<!tpu.dma_semaphore, #tpu.memory_space<semaphore_mem>>)
    %dma_wait3A_525 = arith.constant 0 : i32
    %dma_wait3A_526 = arith.constant 0 : i32
    %dma_wait3A_527 = arith.constant 0 : i32
    %dma_wait3A_528 = tpu.memref_slice %arg4[%dma_wait3A_525, %dma_wait3A_526, %dma_wait3A_527] : memref<2x224x224xf32, #tpu.memory_space<vmem>> -> memref<1x224x224xf32, #tpu.memory_space<vmem>>
    %dma_wait3A_529 = tpu.memref_squeeze %dma_wait3A_528 : memref<1x224x224xf32, #tpu.memory_space<vmem>> -> memref<224x224xf32, #tpu.memory_space<vmem>>
    %dma_wait3A_530 = arith.constant 0 : i32
    %dma_wait3A_531 = arith.constant 0 : i32
    %dma_wait3A_532 = tpu.memref_slice %arg2[%select_n3A_327, %select_n3A_299, %dma_wait3A_530, %dma_wait3A_531] : memref<300x3x224x224xf32, #tpu.memory_space<hbm>> -> memref<1x1x224x224xf32, #tpu.memory_space<hbm>>
    %dma_wait3A_533 = tpu.memref_squeeze %dma_wait3A_532 : memref<1x1x224x224xf32, #tpu.memory_space<hbm>> -> memref<224x224xf32, #tpu.memory_space<hbm>>
    %dma_wait3A_534 = arith.constant 0 : i32
    %dma_wait3A_535 = arith.constant 0 : i32
    %dma_wait3A_536 = tpu.memref_slice %arg4[%dma_wait3A_525, %dma_wait3A_534, %dma_wait3A_535] : memref<2x224x224xf32, #tpu.memory_space<vmem>> -> memref<1x224x224xf32, #tpu.memory_space<vmem>>
    %dma_wait3A_537 = tpu.memref_squeeze %dma_wait3A_536 : memref<1x224x224xf32, #tpu.memory_space<vmem>> -> memref<224x224xf32, #tpu.memory_space<vmem>>
    %dma_wait3A_538 = arith.constant 0 : i32
    %dma_wait3A_539 = arith.constant 0 : i32
    %dma_wait3A_540 = tpu.memref_slice %arg2[%select_n3A_327, %select_n3A_299, %dma_wait3A_538, %dma_wait3A_539] : memref<300x3x224x224xf32, #tpu.memory_space<hbm>> -> memref<1x1x224x224xf32, #tpu.memory_space<hbm>>
    %dma_wait3A_541 = tpu.memref_squeeze %dma_wait3A_540 : memref<1x1x224x224xf32, #tpu.memory_space<hbm>> -> memref<224x224xf32, #tpu.memory_space<hbm>>
    tpu.wait_dma2 semaphore(%arg5 : memref<!tpu.dma_semaphore, #tpu.memory_space<semaphore_mem>>) src(%dma_wait3A_541 : memref<224x224xf32, #tpu.memory_space<hbm>>) dst(%dma_wait3A_537 : memref<224x224xf32, #tpu.memory_space<vmem>>)
    %add3A_542 = arith.constant 2 : i32
    %add3A_543 = arith.addi %mul3A_2, %add3A_542 : i32
    %jit3A_544 = arith.constant 3 : i32
    %div3A_545 = arith.divsi %add3A_543, %jit3A_544 : i32
    %sign3A_546 = arith.constant 0 : i32
    %sign3A_547 = arith.cmpi sgt, %add3A_543, %sign3A_546 : i32
    %sign3A_548 = arith.extui %sign3A_547 : i1 to i32
    %sign3A_549 = arith.constant 0 : i32
    %sign3A_550 = arith.cmpi slt, %add3A_543, %sign3A_549 : i32
    %sign3A_551 = arith.extui %sign3A_550 : i1 to i32
    %sign3A_552 = arith.subi %sign3A_548, %sign3A_551 : i32
    %sign3A_553 = arith.constant 0 : i32
    %sign3A_554 = arith.cmpi sgt, %jit3A_544, %sign3A_553 : i32
    %sign3A_555 = arith.extui %sign3A_554 : i1 to i32
    %sign3A_556 = arith.constant 0 : i32
    %sign3A_557 = arith.cmpi slt, %jit3A_544, %sign3A_556 : i32
    %sign3A_558 = arith.extui %sign3A_557 : i1 to i32
    %sign3A_559 = arith.subi %sign3A_555, %sign3A_558 : i32
    %ne3A_560 = arith.cmpi ne, %sign3A_552, %sign3A_559 : i32
    %rem3A_561 = arith.remsi %add3A_543, %jit3A_544 : i32
    %ne3A_562 = arith.constant 0 : i32
    %ne3A_563 = arith.cmpi ne, %rem3A_561, %ne3A_562 : i32
    %and3A_564 = arith.andi %ne3A_560, %ne3A_563 : i1
    %sub3A_565 = arith.constant 1 : i32
    %sub3A_566 = arith.subi %div3A_545, %sub3A_565 : i32
    %select_n3A_567 = arith.select %and3A_564, %sub3A_566, %div3A_545 : i32
    %jit3A_568 = arith.constant 3 : i32
    %eq3A_569 = arith.constant 0 : i32
    %eq3A_570 = arith.cmpi eq, %jit3A_568, %eq3A_569 : i32
    %jit3A_571 = arith.constant 1 : i32
    %select_n3A_572 = arith.select %eq3A_570, %jit3A_571, %jit3A_568 : i32
    %rem3A_573 = arith.remsi %add3A_543, %select_n3A_572 : i32
    %ne3A_574 = arith.constant 0 : i32
    %ne3A_575 = arith.cmpi ne, %rem3A_573, %ne3A_574 : i32
    %lt3A_576 = arith.constant 0 : i32
    %lt3A_577 = arith.cmpi slt, %rem3A_573, %lt3A_576 : i32
    %lt3A_578 = arith.constant 0 : i32
    %lt3A_579 = arith.cmpi slt, %select_n3A_572, %lt3A_578 : i32
    %ne3A_580 = arith.xori %lt3A_577, %lt3A_579 : i1
    %and3A_581 = arith.andi %ne3A_580, %ne3A_575 : i1
    %add3A_582 = arith.addi %rem3A_573, %select_n3A_572 : i32
    %select_n3A_583 = arith.select %and3A_581, %add3A_582, %rem3A_573 : i32
    %dma_start3A_584 = arith.constant 0 : i32
    %dma_start3A_585 = arith.constant 0 : i32
    %dma_start3A_586 = arith.constant 0 : i32
    %dma_start3A_587 = tpu.memref_slice %arg4[%dma_start3A_584, %dma_start3A_585, %dma_start3A_586] : memref<2x224x224xf32, #tpu.memory_space<vmem>> -> memref<1x224x224xf32, #tpu.memory_space<vmem>>
    %dma_start3A_588 = tpu.memref_squeeze %dma_start3A_587 : memref<1x224x224xf32, #tpu.memory_space<vmem>> -> memref<224x224xf32, #tpu.memory_space<vmem>>
    %dma_start3A_589 = arith.constant 0 : i32
    %dma_start3A_590 = arith.constant 0 : i32
    %dma_start3A_591 = tpu.memref_slice %arg3[%select_n3A_567, %select_n3A_583, %dma_start3A_589, %dma_start3A_590] : memref<128x3x224x224xf32, #tpu.memory_space<hbm>> -> memref<1x1x224x224xf32, #tpu.memory_space<hbm>>
    %dma_start3A_592 = tpu.memref_squeeze %dma_start3A_591 : memref<1x1x224x224xf32, #tpu.memory_space<hbm>> -> memref<224x224xf32, #tpu.memory_space<hbm>>
    %dma_start3A_593 = arith.constant 0 : i32
    %dma_start3A_594 = arith.constant 0 : i32
    %dma_start3A_595 = tpu.memref_slice %arg3[%select_n3A_567, %select_n3A_583, %dma_start3A_593, %dma_start3A_594] : memref<128x3x224x224xf32, #tpu.memory_space<hbm>> -> memref<1x1x224x224xf32, #tpu.memory_space<hbm>>
    %dma_start3A_596 = tpu.memref_squeeze %dma_start3A_595 : memref<1x1x224x224xf32, #tpu.memory_space<hbm>> -> memref<224x224xf32, #tpu.memory_space<hbm>>
    %dma_start3A_597 = arith.constant 0 : i32
    %dma_start3A_598 = arith.constant 0 : i32
    %dma_start3A_599 = tpu.memref_slice %arg4[%dma_start3A_584, %dma_start3A_597, %dma_start3A_598] : memref<2x224x224xf32, #tpu.memory_space<vmem>> -> memref<1x224x224xf32, #tpu.memory_space<vmem>>
    %dma_start3A_600 = tpu.memref_squeeze %dma_start3A_599 : memref<1x224x224xf32, #tpu.memory_space<vmem>> -> memref<224x224xf32, #tpu.memory_space<vmem>>
    tpu.enqueue_dma source(%dma_start3A_600 : memref<224x224xf32, #tpu.memory_space<vmem>>) target(%dma_start3A_596 : memref<224x224xf32, #tpu.memory_space<hbm>>) target_semaphore(%arg7 : memref<!tpu.dma_semaphore, #tpu.memory_space<semaphore_mem>>)
    %dma_wait3A_601 = arith.constant 0 : i32
    %dma_wait3A_602 = arith.constant 0 : i32
    %dma_wait3A_603 = arith.constant 0 : i32
    %dma_wait3A_604 = tpu.memref_slice %arg4[%dma_wait3A_601, %dma_wait3A_602, %dma_wait3A_603] : memref<2x224x224xf32, #tpu.memory_space<vmem>> -> memref<1x224x224xf32, #tpu.memory_space<vmem>>
    %dma_wait3A_605 = tpu.memref_squeeze %dma_wait3A_604 : memref<1x224x224xf32, #tpu.memory_space<vmem>> -> memref<224x224xf32, #tpu.memory_space<vmem>>
    %dma_wait3A_606 = arith.constant 0 : i32
    %dma_wait3A_607 = arith.constant 0 : i32
    %dma_wait3A_608 = tpu.memref_slice %arg3[%select_n3A_567, %select_n3A_583, %dma_wait3A_606, %dma_wait3A_607] : memref<128x3x224x224xf32, #tpu.memory_space<hbm>> -> memref<1x1x224x224xf32, #tpu.memory_space<hbm>>
    %dma_wait3A_609 = tpu.memref_squeeze %dma_wait3A_608 : memref<1x1x224x224xf32, #tpu.memory_space<hbm>> -> memref<224x224xf32, #tpu.memory_space<hbm>>
    %dma_wait3A_610 = arith.constant 0 : i32
    %dma_wait3A_611 = arith.constant 0 : i32
    %dma_wait3A_612 = tpu.memref_slice %arg3[%select_n3A_567, %select_n3A_583, %dma_wait3A_610, %dma_wait3A_611] : memref<128x3x224x224xf32, #tpu.memory_space<hbm>> -> memref<1x1x224x224xf32, #tpu.memory_space<hbm>>
    %dma_wait3A_613 = tpu.memref_squeeze %dma_wait3A_612 : memref<1x1x224x224xf32, #tpu.memory_space<hbm>> -> memref<224x224xf32, #tpu.memory_space<hbm>>
    %dma_wait3A_614 = arith.constant 0 : i32
    %dma_wait3A_615 = arith.constant 0 : i32
    %dma_wait3A_616 = tpu.memref_slice %arg4[%dma_wait3A_601, %dma_wait3A_614, %dma_wait3A_615] : memref<2x224x224xf32, #tpu.memory_space<vmem>> -> memref<1x224x224xf32, #tpu.memory_space<vmem>>
    %dma_wait3A_617 = tpu.memref_squeeze %dma_wait3A_616 : memref<1x224x224xf32, #tpu.memory_space<vmem>> -> memref<224x224xf32, #tpu.memory_space<vmem>>
    tpu.wait_dma2 semaphore(%arg7 : memref<!tpu.dma_semaphore, #tpu.memory_space<semaphore_mem>>) src(%dma_wait3A_617 : memref<224x224xf32, #tpu.memory_space<vmem>>) dst(%dma_wait3A_613 : memref<224x224xf32, #tpu.memory_space<hbm>>)
    %add3A_618 = arith.constant 4 : i32
    %add3A_619 = arith.addi %mul3A_2, %add3A_618 : i32
    %jit3A_620 = arith.constant 3 : i32
    %div3A_621 = arith.divsi %add3A_619, %jit3A_620 : i32
    %sign3A_622 = arith.constant 0 : i32
    %sign3A_623 = arith.cmpi sgt, %add3A_619, %sign3A_622 : i32
    %sign3A_624 = arith.extui %sign3A_623 : i1 to i32
    %sign3A_625 = arith.constant 0 : i32
    %sign3A_626 = arith.cmpi slt, %add3A_619, %sign3A_625 : i32
    %sign3A_627 = arith.extui %sign3A_626 : i1 to i32
    %sign3A_628 = arith.subi %sign3A_624, %sign3A_627 : i32
    %sign3A_629 = arith.constant 0 : i32
    %sign3A_630 = arith.cmpi sgt, %jit3A_620, %sign3A_629 : i32
    %sign3A_631 = arith.extui %sign3A_630 : i1 to i32
    %sign3A_632 = arith.constant 0 : i32
    %sign3A_633 = arith.cmpi slt, %jit3A_620, %sign3A_632 : i32
    %sign3A_634 = arith.extui %sign3A_633 : i1 to i32
    %sign3A_635 = arith.subi %sign3A_631, %sign3A_634 : i32
    %ne3A_636 = arith.cmpi ne, %sign3A_628, %sign3A_635 : i32
    %rem3A_637 = arith.remsi %add3A_619, %jit3A_620 : i32
    %ne3A_638 = arith.constant 0 : i32
    %ne3A_639 = arith.cmpi ne, %rem3A_637, %ne3A_638 : i32
    %and3A_640 = arith.andi %ne3A_636, %ne3A_639 : i1
    %sub3A_641 = arith.constant 1 : i32
    %sub3A_642 = arith.subi %div3A_621, %sub3A_641 : i32
    %select_n3A_643 = arith.select %and3A_640, %sub3A_642, %div3A_621 : i32
    %jit3A_644 = arith.constant 3 : i32
    %eq3A_645 = arith.constant 0 : i32
    %eq3A_646 = arith.cmpi eq, %jit3A_644, %eq3A_645 : i32
    %jit3A_647 = arith.constant 1 : i32
    %select_n3A_648 = arith.select %eq3A_646, %jit3A_647, %jit3A_644 : i32
    %rem3A_649 = arith.remsi %add3A_619, %select_n3A_648 : i32
    %ne3A_650 = arith.constant 0 : i32
    %ne3A_651 = arith.cmpi ne, %rem3A_649, %ne3A_650 : i32
    %lt3A_652 = arith.constant 0 : i32
    %lt3A_653 = arith.cmpi slt, %rem3A_649, %lt3A_652 : i32
    %lt3A_654 = arith.constant 0 : i32
    %lt3A_655 = arith.cmpi slt, %select_n3A_648, %lt3A_654 : i32
    %ne3A_656 = arith.xori %lt3A_653, %lt3A_655 : i1
    %and3A_657 = arith.andi %ne3A_656, %ne3A_651 : i1
    %add3A_658 = arith.addi %rem3A_649, %select_n3A_648 : i32
    %select_n3A_659 = arith.select %and3A_657, %add3A_658, %rem3A_649 : i32
    %mul3A_660 = arith.constant 598 : i32
    %mul3A_661 = arith.muli %select_n3A_643, %mul3A_660 : i32
    %add3A_662 = arith.constant 127 : i32
    %add3A_663 = arith.addi %mul3A_661, %add3A_662 : i32
    %jit3A_664 = arith.constant 254 : i32
    %div3A_665 = arith.divsi %add3A_663, %jit3A_664 : i32
    %sign3A_666 = arith.constant 0 : i32
    %sign3A_667 = arith.cmpi sgt, %add3A_663, %sign3A_666 : i32
    %sign3A_668 = arith.extui %sign3A_667 : i1 to i32
    %sign3A_669 = arith.constant 0 : i32
    %sign3A_670 = arith.cmpi slt, %add3A_663, %sign3A_669 : i32
    %sign3A_671 = arith.extui %sign3A_670 : i1 to i32
    %sign3A_672 = arith.subi %sign3A_668, %sign3A_671 : i32
    %sign3A_673 = arith.constant 0 : i32
    %sign3A_674 = arith.cmpi sgt, %jit3A_664, %sign3A_673 : i32
    %sign3A_675 = arith.extui %sign3A_674 : i1 to i32
    %sign3A_676 = arith.constant 0 : i32
    %sign3A_677 = arith.cmpi slt, %jit3A_664, %sign3A_676 : i32
    %sign3A_678 = arith.extui %sign3A_677 : i1 to i32
    %sign3A_679 = arith.subi %sign3A_675, %sign3A_678 : i32
    %ne3A_680 = arith.cmpi ne, %sign3A_672, %sign3A_679 : i32
    %rem3A_681 = arith.remsi %add3A_663, %jit3A_664 : i32
    %ne3A_682 = arith.constant 0 : i32
    %ne3A_683 = arith.cmpi ne, %rem3A_681, %ne3A_682 : i32
    %and3A_684 = arith.andi %ne3A_680, %ne3A_683 : i1
    %sub3A_685 = arith.constant 1 : i32
    %sub3A_686 = arith.subi %div3A_665, %sub3A_685 : i32
    %select_n3A_687 = arith.select %and3A_684, %sub3A_686, %div3A_665 : i32
    %dma_start3A_688 = arith.constant 0 : i32
    %dma_start3A_689 = arith.constant 0 : i32
    %dma_start3A_690 = arith.constant 0 : i32
    %dma_start3A_691 = tpu.memref_slice %arg4[%dma_start3A_688, %dma_start3A_689, %dma_start3A_690] : memref<2x224x224xf32, #tpu.memory_space<vmem>> -> memref<1x224x224xf32, #tpu.memory_space<vmem>>
    %dma_start3A_692 = tpu.memref_squeeze %dma_start3A_691 : memref<1x224x224xf32, #tpu.memory_space<vmem>> -> memref<224x224xf32, #tpu.memory_space<vmem>>
    %dma_start3A_693 = arith.constant 0 : i32
    %dma_start3A_694 = arith.constant 0 : i32
    %dma_start3A_695 = tpu.memref_slice %arg2[%select_n3A_687, %select_n3A_659, %dma_start3A_693, %dma_start3A_694] : memref<300x3x224x224xf32, #tpu.memory_space<hbm>> -> memref<1x1x224x224xf32, #tpu.memory_space<hbm>>
    %dma_start3A_696 = tpu.memref_squeeze %dma_start3A_695 : memref<1x1x224x224xf32, #tpu.memory_space<hbm>> -> memref<224x224xf32, #tpu.memory_space<hbm>>
    %dma_start3A_697 = arith.constant 0 : i32
    %dma_start3A_698 = arith.constant 0 : i32
    %dma_start3A_699 = tpu.memref_slice %arg4[%dma_start3A_688, %dma_start3A_697, %dma_start3A_698] : memref<2x224x224xf32, #tpu.memory_space<vmem>> -> memref<1x224x224xf32, #tpu.memory_space<vmem>>
    %dma_start3A_700 = tpu.memref_squeeze %dma_start3A_699 : memref<1x224x224xf32, #tpu.memory_space<vmem>> -> memref<224x224xf32, #tpu.memory_space<vmem>>
    %dma_start3A_701 = arith.constant 0 : i32
    %dma_start3A_702 = arith.constant 0 : i32
    %dma_start3A_703 = tpu.memref_slice %arg2[%select_n3A_687, %select_n3A_659, %dma_start3A_701, %dma_start3A_702] : memref<300x3x224x224xf32, #tpu.memory_space<hbm>> -> memref<1x1x224x224xf32, #tpu.memory_space<hbm>>
    %dma_start3A_704 = tpu.memref_squeeze %dma_start3A_703 : memref<1x1x224x224xf32, #tpu.memory_space<hbm>> -> memref<224x224xf32, #tpu.memory_space<hbm>>
    tpu.enqueue_dma source(%dma_start3A_704 : memref<224x224xf32, #tpu.memory_space<hbm>>) target(%dma_start3A_700 : memref<224x224xf32, #tpu.memory_space<vmem>>) target_semaphore(%arg5 : memref<!tpu.dma_semaphore, #tpu.memory_space<semaphore_mem>>)
    %dma_wait3A_705 = arith.constant 1 : i32
    %dma_wait3A_706 = arith.constant 0 : i32
    %dma_wait3A_707 = arith.constant 0 : i32
    %dma_wait3A_708 = tpu.memref_slice %arg4[%dma_wait3A_705, %dma_wait3A_706, %dma_wait3A_707] : memref<2x224x224xf32, #tpu.memory_space<vmem>> -> memref<1x224x224xf32, #tpu.memory_space<vmem>>
    %dma_wait3A_709 = tpu.memref_squeeze %dma_wait3A_708 : memref<1x224x224xf32, #tpu.memory_space<vmem>> -> memref<224x224xf32, #tpu.memory_space<vmem>>
    %dma_wait3A_710 = arith.constant 0 : i32
    %dma_wait3A_711 = arith.constant 0 : i32
    %dma_wait3A_712 = tpu.memref_slice %arg2[%select_n3A_507, %select_n3A_479, %dma_wait3A_710, %dma_wait3A_711] : memref<300x3x224x224xf32, #tpu.memory_space<hbm>> -> memref<1x1x224x224xf32, #tpu.memory_space<hbm>>
    %dma_wait3A_713 = tpu.memref_squeeze %dma_wait3A_712 : memref<1x1x224x224xf32, #tpu.memory_space<hbm>> -> memref<224x224xf32, #tpu.memory_space<hbm>>
    %dma_wait3A_714 = arith.constant 0 : i32
    %dma_wait3A_715 = arith.constant 0 : i32
    %dma_wait3A_716 = tpu.memref_slice %arg4[%dma_wait3A_705, %dma_wait3A_714, %dma_wait3A_715] : memref<2x224x224xf32, #tpu.memory_space<vmem>> -> memref<1x224x224xf32, #tpu.memory_space<vmem>>
    %dma_wait3A_717 = tpu.memref_squeeze %dma_wait3A_716 : memref<1x224x224xf32, #tpu.memory_space<vmem>> -> memref<224x224xf32, #tpu.memory_space<vmem>>
    %dma_wait3A_718 = arith.constant 0 : i32
    %dma_wait3A_719 = arith.constant 0 : i32
    %dma_wait3A_720 = tpu.memref_slice %arg2[%select_n3A_507, %select_n3A_479, %dma_wait3A_718, %dma_wait3A_719] : memref<300x3x224x224xf32, #tpu.memory_space<hbm>> -> memref<1x1x224x224xf32, #tpu.memory_space<hbm>>
    %dma_wait3A_721 = tpu.memref_squeeze %dma_wait3A_720 : memref<1x1x224x224xf32, #tpu.memory_space<hbm>> -> memref<224x224xf32, #tpu.memory_space<hbm>>
    tpu.wait_dma2 semaphore(%arg6 : memref<!tpu.dma_semaphore, #tpu.memory_space<semaphore_mem>>) src(%dma_wait3A_721 : memref<224x224xf32, #tpu.memory_space<hbm>>) dst(%dma_wait3A_717 : memref<224x224xf32, #tpu.memory_space<vmem>>)
    %add3A_722 = arith.constant 3 : i32
    %add3A_723 = arith.addi %mul3A_2, %add3A_722 : i32
    %jit3A_724 = arith.constant 3 : i32
    %div3A_725 = arith.divsi %add3A_723, %jit3A_724 : i32
    %sign3A_726 = arith.constant 0 : i32
    %sign3A_727 = arith.cmpi sgt, %add3A_723, %sign3A_726 : i32
    %sign3A_728 = arith.extui %sign3A_727 : i1 to i32
    %sign3A_729 = arith.constant 0 : i32
    %sign3A_730 = arith.cmpi slt, %add3A_723, %sign3A_729 : i32
    %sign3A_731 = arith.extui %sign3A_730 : i1 to i32
    %sign3A_732 = arith.subi %sign3A_728, %sign3A_731 : i32
    %sign3A_733 = arith.constant 0 : i32
    %sign3A_734 = arith.cmpi sgt, %jit3A_724, %sign3A_733 : i32
    %sign3A_735 = arith.extui %sign3A_734 : i1 to i32
    %sign3A_736 = arith.constant 0 : i32
    %sign3A_737 = arith.cmpi slt, %jit3A_724, %sign3A_736 : i32
    %sign3A_738 = arith.extui %sign3A_737 : i1 to i32
    %sign3A_739 = arith.subi %sign3A_735, %sign3A_738 : i32
    %ne3A_740 = arith.cmpi ne, %sign3A_732, %sign3A_739 : i32
    %rem3A_741 = arith.remsi %add3A_723, %jit3A_724 : i32
    %ne3A_742 = arith.constant 0 : i32
    %ne3A_743 = arith.cmpi ne, %rem3A_741, %ne3A_742 : i32
    %and3A_744 = arith.andi %ne3A_740, %ne3A_743 : i1
    %sub3A_745 = arith.constant 1 : i32
    %sub3A_746 = arith.subi %div3A_725, %sub3A_745 : i32
    %select_n3A_747 = arith.select %and3A_744, %sub3A_746, %div3A_725 : i32
    %jit3A_748 = arith.constant 3 : i32
    %eq3A_749 = arith.constant 0 : i32
    %eq3A_750 = arith.cmpi eq, %jit3A_748, %eq3A_749 : i32
    %jit3A_751 = arith.constant 1 : i32
    %select_n3A_752 = arith.select %eq3A_750, %jit3A_751, %jit3A_748 : i32
    %rem3A_753 = arith.remsi %add3A_723, %select_n3A_752 : i32
    %ne3A_754 = arith.constant 0 : i32
    %ne3A_755 = arith.cmpi ne, %rem3A_753, %ne3A_754 : i32
    %lt3A_756 = arith.constant 0 : i32
    %lt3A_757 = arith.cmpi slt, %rem3A_753, %lt3A_756 : i32
    %lt3A_758 = arith.constant 0 : i32
    %lt3A_759 = arith.cmpi slt, %select_n3A_752, %lt3A_758 : i32
    %ne3A_760 = arith.xori %lt3A_757, %lt3A_759 : i1
    %and3A_761 = arith.andi %ne3A_760, %ne3A_755 : i1
    %add3A_762 = arith.addi %rem3A_753, %select_n3A_752 : i32
    %select_n3A_763 = arith.select %and3A_761, %add3A_762, %rem3A_753 : i32
    %dma_start3A_764 = arith.constant 1 : i32
    %dma_start3A_765 = arith.constant 0 : i32
    %dma_start3A_766 = arith.constant 0 : i32
    %dma_start3A_767 = tpu.memref_slice %arg4[%dma_start3A_764, %dma_start3A_765, %dma_start3A_766] : memref<2x224x224xf32, #tpu.memory_space<vmem>> -> memref<1x224x224xf32, #tpu.memory_space<vmem>>
    %dma_start3A_768 = tpu.memref_squeeze %dma_start3A_767 : memref<1x224x224xf32, #tpu.memory_space<vmem>> -> memref<224x224xf32, #tpu.memory_space<vmem>>
    %dma_start3A_769 = arith.constant 0 : i32
    %dma_start3A_770 = arith.constant 0 : i32
    %dma_start3A_771 = tpu.memref_slice %arg3[%select_n3A_747, %select_n3A_763, %dma_start3A_769, %dma_start3A_770] : memref<128x3x224x224xf32, #tpu.memory_space<hbm>> -> memref<1x1x224x224xf32, #tpu.memory_space<hbm>>
    %dma_start3A_772 = tpu.memref_squeeze %dma_start3A_771 : memref<1x1x224x224xf32, #tpu.memory_space<hbm>> -> memref<224x224xf32, #tpu.memory_space<hbm>>
    %dma_start3A_773 = arith.constant 0 : i32
    %dma_start3A_774 = arith.constant 0 : i32
    %dma_start3A_775 = tpu.memref_slice %arg3[%select_n3A_747, %select_n3A_763, %dma_start3A_773, %dma_start3A_774] : memref<128x3x224x224xf32, #tpu.memory_space<hbm>> -> memref<1x1x224x224xf32, #tpu.memory_space<hbm>>
    %dma_start3A_776 = tpu.memref_squeeze %dma_start3A_775 : memref<1x1x224x224xf32, #tpu.memory_space<hbm>> -> memref<224x224xf32, #tpu.memory_space<hbm>>
    %dma_start3A_777 = arith.constant 0 : i32
    %dma_start3A_778 = arith.constant 0 : i32
    %dma_start3A_779 = tpu.memref_slice %arg4[%dma_start3A_764, %dma_start3A_777, %dma_start3A_778] : memref<2x224x224xf32, #tpu.memory_space<vmem>> -> memref<1x224x224xf32, #tpu.memory_space<vmem>>
    %dma_start3A_780 = tpu.memref_squeeze %dma_start3A_779 : memref<1x224x224xf32, #tpu.memory_space<vmem>> -> memref<224x224xf32, #tpu.memory_space<vmem>>
    tpu.enqueue_dma source(%dma_start3A_780 : memref<224x224xf32, #tpu.memory_space<vmem>>) target(%dma_start3A_776 : memref<224x224xf32, #tpu.memory_space<hbm>>) target_semaphore(%arg8 : memref<!tpu.dma_semaphore, #tpu.memory_space<semaphore_mem>>)
    %dma_wait3A_781 = arith.constant 1 : i32
    %dma_wait3A_782 = arith.constant 0 : i32
    %dma_wait3A_783 = arith.constant 0 : i32
    %dma_wait3A_784 = tpu.memref_slice %arg4[%dma_wait3A_781, %dma_wait3A_782, %dma_wait3A_783] : memref<2x224x224xf32, #tpu.memory_space<vmem>> -> memref<1x224x224xf32, #tpu.memory_space<vmem>>
    %dma_wait3A_785 = tpu.memref_squeeze %dma_wait3A_784 : memref<1x224x224xf32, #tpu.memory_space<vmem>> -> memref<224x224xf32, #tpu.memory_space<vmem>>
    %dma_wait3A_786 = arith.constant 0 : i32
    %dma_wait3A_787 = arith.constant 0 : i32
    %dma_wait3A_788 = tpu.memref_slice %arg3[%select_n3A_747, %select_n3A_763, %dma_wait3A_786, %dma_wait3A_787] : memref<128x3x224x224xf32, #tpu.memory_space<hbm>> -> memref<1x1x224x224xf32, #tpu.memory_space<hbm>>
    %dma_wait3A_789 = tpu.memref_squeeze %dma_wait3A_788 : memref<1x1x224x224xf32, #tpu.memory_space<hbm>> -> memref<224x224xf32, #tpu.memory_space<hbm>>
    %dma_wait3A_790 = arith.constant 0 : i32
    %dma_wait3A_791 = arith.constant 0 : i32
    %dma_wait3A_792 = tpu.memref_slice %arg3[%select_n3A_747, %select_n3A_763, %dma_wait3A_790, %dma_wait3A_791] : memref<128x3x224x224xf32, #tpu.memory_space<hbm>> -> memref<1x1x224x224xf32, #tpu.memory_space<hbm>>
    %dma_wait3A_793 = tpu.memref_squeeze %dma_wait3A_792 : memref<1x1x224x224xf32, #tpu.memory_space<hbm>> -> memref<224x224xf32, #tpu.memory_space<hbm>>
    %dma_wait3A_794 = arith.constant 0 : i32
    %dma_wait3A_795 = arith.constant 0 : i32
    %dma_wait3A_796 = tpu.memref_slice %arg4[%dma_wait3A_781, %dma_wait3A_794, %dma_wait3A_795] : memref<2x224x224xf32, #tpu.memory_space<vmem>> -> memref<1x224x224xf32, #tpu.memory_space<vmem>>
    %dma_wait3A_797 = tpu.memref_squeeze %dma_wait3A_796 : memref<1x224x224xf32, #tpu.memory_space<vmem>> -> memref<224x224xf32, #tpu.memory_space<vmem>>
    tpu.wait_dma2 semaphore(%arg8 : memref<!tpu.dma_semaphore, #tpu.memory_space<semaphore_mem>>) src(%dma_wait3A_797 : memref<224x224xf32, #tpu.memory_space<vmem>>) dst(%dma_wait3A_793 : memref<224x224xf32, #tpu.memory_space<hbm>>)
    %add3A_798 = arith.constant 5 : i32
    %add3A_799 = arith.addi %mul3A_2, %add3A_798 : i32
    %jit3A_800 = arith.constant 3 : i32
    %div3A_801 = arith.divsi %add3A_799, %jit3A_800 : i32
    %sign3A_802 = arith.constant 0 : i32
    %sign3A_803 = arith.cmpi sgt, %add3A_799, %sign3A_802 : i32
    %sign3A_804 = arith.extui %sign3A_803 : i1 to i32
    %sign3A_805 = arith.constant 0 : i32
    %sign3A_806 = arith.cmpi slt, %add3A_799, %sign3A_805 : i32
    %sign3A_807 = arith.extui %sign3A_806 : i1 to i32
    %sign3A_808 = arith.subi %sign3A_804, %sign3A_807 : i32
    %sign3A_809 = arith.constant 0 : i32
    %sign3A_810 = arith.cmpi sgt, %jit3A_800, %sign3A_809 : i32
    %sign3A_811 = arith.extui %sign3A_810 : i1 to i32
    %sign3A_812 = arith.constant 0 : i32
    %sign3A_813 = arith.cmpi slt, %jit3A_800, %sign3A_812 : i32
    %sign3A_814 = arith.extui %sign3A_813 : i1 to i32
    %sign3A_815 = arith.subi %sign3A_811, %sign3A_814 : i32
    %ne3A_816 = arith.cmpi ne, %sign3A_808, %sign3A_815 : i32
    %rem3A_817 = arith.remsi %add3A_799, %jit3A_800 : i32
    %ne3A_818 = arith.constant 0 : i32
    %ne3A_819 = arith.cmpi ne, %rem3A_817, %ne3A_818 : i32
    %and3A_820 = arith.andi %ne3A_816, %ne3A_819 : i1
    %sub3A_821 = arith.constant 1 : i32
    %sub3A_822 = arith.subi %div3A_801, %sub3A_821 : i32
    %select_n3A_823 = arith.select %and3A_820, %sub3A_822, %div3A_801 : i32
    %jit3A_824 = arith.constant 3 : i32
    %eq3A_825 = arith.constant 0 : i32
    %eq3A_826 = arith.cmpi eq, %jit3A_824, %eq3A_825 : i32
    %jit3A_827 = arith.constant 1 : i32
    %select_n3A_828 = arith.select %eq3A_826, %jit3A_827, %jit3A_824 : i32
    %rem3A_829 = arith.remsi %add3A_799, %select_n3A_828 : i32
    %ne3A_830 = arith.constant 0 : i32
    %ne3A_831 = arith.cmpi ne, %rem3A_829, %ne3A_830 : i32
    %lt3A_832 = arith.constant 0 : i32
    %lt3A_833 = arith.cmpi slt, %rem3A_829, %lt3A_832 : i32
    %lt3A_834 = arith.constant 0 : i32
    %lt3A_835 = arith.cmpi slt, %select_n3A_828, %lt3A_834 : i32
    %ne3A_836 = arith.xori %lt3A_833, %lt3A_835 : i1
    %and3A_837 = arith.andi %ne3A_836, %ne3A_831 : i1
    %add3A_838 = arith.addi %rem3A_829, %select_n3A_828 : i32
    %select_n3A_839 = arith.select %and3A_837, %add3A_838, %rem3A_829 : i32
    %mul3A_840 = arith.constant 598 : i32
    %mul3A_841 = arith.muli %select_n3A_823, %mul3A_840 : i32
    %add3A_842 = arith.constant 127 : i32
    %add3A_843 = arith.addi %mul3A_841, %add3A_842 : i32
    %jit3A_844 = arith.constant 254 : i32
    %div3A_845 = arith.divsi %add3A_843, %jit3A_844 : i32
    %sign3A_846 = arith.constant 0 : i32
    %sign3A_847 = arith.cmpi sgt, %add3A_843, %sign3A_846 : i32
    %sign3A_848 = arith.extui %sign3A_847 : i1 to i32
    %sign3A_849 = arith.constant 0 : i32
    %sign3A_850 = arith.cmpi slt, %add3A_843, %sign3A_849 : i32
    %sign3A_851 = arith.extui %sign3A_850 : i1 to i32
    %sign3A_852 = arith.subi %sign3A_848, %sign3A_851 : i32
    %sign3A_853 = arith.constant 0 : i32
    %sign3A_854 = arith.cmpi sgt, %jit3A_844, %sign3A_853 : i32
    %sign3A_855 = arith.extui %sign3A_854 : i1 to i32
    %sign3A_856 = arith.constant 0 : i32
    %sign3A_857 = arith.cmpi slt, %jit3A_844, %sign3A_856 : i32
    %sign3A_858 = arith.extui %sign3A_857 : i1 to i32
    %sign3A_859 = arith.subi %sign3A_855, %sign3A_858 : i32
    %ne3A_860 = arith.cmpi ne, %sign3A_852, %sign3A_859 : i32
    %rem3A_861 = arith.remsi %add3A_843, %jit3A_844 : i32
    %ne3A_862 = arith.constant 0 : i32
    %ne3A_863 = arith.cmpi ne, %rem3A_861, %ne3A_862 : i32
    %and3A_864 = arith.andi %ne3A_860, %ne3A_863 : i1
    %sub3A_865 = arith.constant 1 : i32
    %sub3A_866 = arith.subi %div3A_845, %sub3A_865 : i32
    %select_n3A_867 = arith.select %and3A_864, %sub3A_866, %div3A_845 : i32
    %dma_start3A_868 = arith.constant 1 : i32
    %dma_start3A_869 = arith.constant 0 : i32
    %dma_start3A_870 = arith.constant 0 : i32
    %dma_start3A_871 = tpu.memref_slice %arg4[%dma_start3A_868, %dma_start3A_869, %dma_start3A_870] : memref<2x224x224xf32, #tpu.memory_space<vmem>> -> memref<1x224x224xf32, #tpu.memory_space<vmem>>
    %dma_start3A_872 = tpu.memref_squeeze %dma_start3A_871 : memref<1x224x224xf32, #tpu.memory_space<vmem>> -> memref<224x224xf32, #tpu.memory_space<vmem>>
    %dma_start3A_873 = arith.constant 0 : i32
    %dma_start3A_874 = arith.constant 0 : i32
    %dma_start3A_875 = tpu.memref_slice %arg2[%select_n3A_867, %select_n3A_839, %dma_start3A_873, %dma_start3A_874] : memref<300x3x224x224xf32, #tpu.memory_space<hbm>> -> memref<1x1x224x224xf32, #tpu.memory_space<hbm>>
    %dma_start3A_876 = tpu.memref_squeeze %dma_start3A_875 : memref<1x1x224x224xf32, #tpu.memory_space<hbm>> -> memref<224x224xf32, #tpu.memory_space<hbm>>
    %dma_start3A_877 = arith.constant 0 : i32
    %dma_start3A_878 = arith.constant 0 : i32
    %dma_start3A_879 = tpu.memref_slice %arg4[%dma_start3A_868, %dma_start3A_877, %dma_start3A_878] : memref<2x224x224xf32, #tpu.memory_space<vmem>> -> memref<1x224x224xf32, #tpu.memory_space<vmem>>
    %dma_start3A_880 = tpu.memref_squeeze %dma_start3A_879 : memref<1x224x224xf32, #tpu.memory_space<vmem>> -> memref<224x224xf32, #tpu.memory_space<vmem>>
    %dma_start3A_881 = arith.constant 0 : i32
    %dma_start3A_882 = arith.constant 0 : i32
    %dma_start3A_883 = tpu.memref_slice %arg2[%select_n3A_867, %select_n3A_839, %dma_start3A_881, %dma_start3A_882] : memref<300x3x224x224xf32, #tpu.memory_space<hbm>> -> memref<1x1x224x224xf32, #tpu.memory_space<hbm>>
    %dma_start3A_884 = tpu.memref_squeeze %dma_start3A_883 : memref<1x1x224x224xf32, #tpu.memory_space<hbm>> -> memref<224x224xf32, #tpu.memory_space<hbm>>
    tpu.enqueue_dma source(%dma_start3A_884 : memref<224x224xf32, #tpu.memory_space<hbm>>) target(%dma_start3A_880 : memref<224x224xf32, #tpu.memory_space<vmem>>) target_semaphore(%arg6 : memref<!tpu.dma_semaphore, #tpu.memory_space<semaphore_mem>>)
    %dma_wait3A_885 = arith.constant 0 : i32
    %dma_wait3A_886 = arith.constant 0 : i32
    %dma_wait3A_887 = arith.constant 0 : i32
    %dma_wait3A_888 = tpu.memref_slice %arg4[%dma_wait3A_885, %dma_wait3A_886, %dma_wait3A_887] : memref<2x224x224xf32, #tpu.memory_space<vmem>> -> memref<1x224x224xf32, #tpu.memory_space<vmem>>
    %dma_wait3A_889 = tpu.memref_squeeze %dma_wait3A_888 : memref<1x224x224xf32, #tpu.memory_space<vmem>> -> memref<224x224xf32, #tpu.memory_space<vmem>>
    %dma_wait3A_890 = arith.constant 0 : i32
    %dma_wait3A_891 = arith.constant 0 : i32
    %dma_wait3A_892 = tpu.memref_slice %arg2[%select_n3A_687, %select_n3A_659, %dma_wait3A_890, %dma_wait3A_891] : memref<300x3x224x224xf32, #tpu.memory_space<hbm>> -> memref<1x1x224x224xf32, #tpu.memory_space<hbm>>
    %dma_wait3A_893 = tpu.memref_squeeze %dma_wait3A_892 : memref<1x1x224x224xf32, #tpu.memory_space<hbm>> -> memref<224x224xf32, #tpu.memory_space<hbm>>
    %dma_wait3A_894 = arith.constant 0 : i32
    %dma_wait3A_895 = arith.constant 0 : i32
    %dma_wait3A_896 = tpu.memref_slice %arg4[%dma_wait3A_885, %dma_wait3A_894, %dma_wait3A_895] : memref<2x224x224xf32, #tpu.memory_space<vmem>> -> memref<1x224x224xf32, #tpu.memory_space<vmem>>
    %dma_wait3A_897 = tpu.memref_squeeze %dma_wait3A_896 : memref<1x224x224xf32, #tpu.memory_space<vmem>> -> memref<224x224xf32, #tpu.memory_space<vmem>>
    %dma_wait3A_898 = arith.constant 0 : i32
    %dma_wait3A_899 = arith.constant 0 : i32
    %dma_wait3A_900 = tpu.memref_slice %arg2[%select_n3A_687, %select_n3A_659, %dma_wait3A_898, %dma_wait3A_899] : memref<300x3x224x224xf32, #tpu.memory_space<hbm>> -> memref<1x1x224x224xf32, #tpu.memory_space<hbm>>
    %dma_wait3A_901 = tpu.memref_squeeze %dma_wait3A_900 : memref<1x1x224x224xf32, #tpu.memory_space<hbm>> -> memref<224x224xf32, #tpu.memory_space<hbm>>
    tpu.wait_dma2 semaphore(%arg5 : memref<!tpu.dma_semaphore, #tpu.memory_space<semaphore_mem>>) src(%dma_wait3A_901 : memref<224x224xf32, #tpu.memory_space<hbm>>) dst(%dma_wait3A_897 : memref<224x224xf32, #tpu.memory_space<vmem>>)
    %add3A_902 = arith.constant 4 : i32
    %add3A_903 = arith.addi %mul3A_2, %add3A_902 : i32
    %jit3A_904 = arith.constant 3 : i32
    %div3A_905 = arith.divsi %add3A_903, %jit3A_904 : i32
    %sign3A_906 = arith.constant 0 : i32
    %sign3A_907 = arith.cmpi sgt, %add3A_903, %sign3A_906 : i32
    %sign3A_908 = arith.extui %sign3A_907 : i1 to i32
    %sign3A_909 = arith.constant 0 : i32
    %sign3A_910 = arith.cmpi slt, %add3A_903, %sign3A_909 : i32
    %sign3A_911 = arith.extui %sign3A_910 : i1 to i32
    %sign3A_912 = arith.subi %sign3A_908, %sign3A_911 : i32
    %sign3A_913 = arith.constant 0 : i32
    %sign3A_914 = arith.cmpi sgt, %jit3A_904, %sign3A_913 : i32
    %sign3A_915 = arith.extui %sign3A_914 : i1 to i32
    %sign3A_916 = arith.constant 0 : i32
    %sign3A_917 = arith.cmpi slt, %jit3A_904, %sign3A_916 : i32
    %sign3A_918 = arith.extui %sign3A_917 : i1 to i32
    %sign3A_919 = arith.subi %sign3A_915, %sign3A_918 : i32
    %ne3A_920 = arith.cmpi ne, %sign3A_912, %sign3A_919 : i32
    %rem3A_921 = arith.remsi %add3A_903, %jit3A_904 : i32
    %ne3A_922 = arith.constant 0 : i32
    %ne3A_923 = arith.cmpi ne, %rem3A_921, %ne3A_922 : i32
    %and3A_924 = arith.andi %ne3A_920, %ne3A_923 : i1
    %sub3A_925 = arith.constant 1 : i32
    %sub3A_926 = arith.subi %div3A_905, %sub3A_925 : i32
    %select_n3A_927 = arith.select %and3A_924, %sub3A_926, %div3A_905 : i32
    %jit3A_928 = arith.constant 3 : i32
    %eq3A_929 = arith.constant 0 : i32
    %eq3A_930 = arith.cmpi eq, %jit3A_928, %eq3A_929 : i32
    %jit3A_931 = arith.constant 1 : i32
    %select_n3A_932 = arith.select %eq3A_930, %jit3A_931, %jit3A_928 : i32
    %rem3A_933 = arith.remsi %add3A_903, %select_n3A_932 : i32
    %ne3A_934 = arith.constant 0 : i32
    %ne3A_935 = arith.cmpi ne, %rem3A_933, %ne3A_934 : i32
    %lt3A_936 = arith.constant 0 : i32
    %lt3A_937 = arith.cmpi slt, %rem3A_933, %lt3A_936 : i32
    %lt3A_938 = arith.constant 0 : i32
    %lt3A_939 = arith.cmpi slt, %select_n3A_932, %lt3A_938 : i32
    %ne3A_940 = arith.xori %lt3A_937, %lt3A_939 : i1
    %and3A_941 = arith.andi %ne3A_940, %ne3A_935 : i1
    %add3A_942 = arith.addi %rem3A_933, %select_n3A_932 : i32
    %select_n3A_943 = arith.select %and3A_941, %add3A_942, %rem3A_933 : i32
    %dma_start3A_944 = arith.constant 0 : i32
    %dma_start3A_945 = arith.constant 0 : i32
    %dma_start3A_946 = arith.constant 0 : i32
    %dma_start3A_947 = tpu.memref_slice %arg4[%dma_start3A_944, %dma_start3A_945, %dma_start3A_946] : memref<2x224x224xf32, #tpu.memory_space<vmem>> -> memref<1x224x224xf32, #tpu.memory_space<vmem>>
    %dma_start3A_948 = tpu.memref_squeeze %dma_start3A_947 : memref<1x224x224xf32, #tpu.memory_space<vmem>> -> memref<224x224xf32, #tpu.memory_space<vmem>>
    %dma_start3A_949 = arith.constant 0 : i32
    %dma_start3A_950 = arith.constant 0 : i32
    %dma_start3A_951 = tpu.memref_slice %arg3[%select_n3A_927, %select_n3A_943, %dma_start3A_949, %dma_start3A_950] : memref<128x3x224x224xf32, #tpu.memory_space<hbm>> -> memref<1x1x224x224xf32, #tpu.memory_space<hbm>>
    %dma_start3A_952 = tpu.memref_squeeze %dma_start3A_951 : memref<1x1x224x224xf32, #tpu.memory_space<hbm>> -> memref<224x224xf32, #tpu.memory_space<hbm>>
    %dma_start3A_953 = arith.constant 0 : i32
    %dma_start3A_954 = arith.constant 0 : i32
    %dma_start3A_955 = tpu.memref_slice %arg3[%select_n3A_927, %select_n3A_943, %dma_start3A_953, %dma_start3A_954] : memref<128x3x224x224xf32, #tpu.memory_space<hbm>> -> memref<1x1x224x224xf32, #tpu.memory_space<hbm>>
    %dma_start3A_956 = tpu.memref_squeeze %dma_start3A_955 : memref<1x1x224x224xf32, #tpu.memory_space<hbm>> -> memref<224x224xf32, #tpu.memory_space<hbm>>
    %dma_start3A_957 = arith.constant 0 : i32
    %dma_start3A_958 = arith.constant 0 : i32
    %dma_start3A_959 = tpu.memref_slice %arg4[%dma_start3A_944, %dma_start3A_957, %dma_start3A_958] : memref<2x224x224xf32, #tpu.memory_space<vmem>> -> memref<1x224x224xf32, #tpu.memory_space<vmem>>
    %dma_start3A_960 = tpu.memref_squeeze %dma_start3A_959 : memref<1x224x224xf32, #tpu.memory_space<vmem>> -> memref<224x224xf32, #tpu.memory_space<vmem>>
    tpu.enqueue_dma source(%dma_start3A_960 : memref<224x224xf32, #tpu.memory_space<vmem>>) target(%dma_start3A_956 : memref<224x224xf32, #tpu.memory_space<hbm>>) target_semaphore(%arg7 : memref<!tpu.dma_semaphore, #tpu.memory_space<semaphore_mem>>)
    %dma_wait3A_961 = arith.constant 0 : i32
    %dma_wait3A_962 = arith.constant 0 : i32
    %dma_wait3A_963 = arith.constant 0 : i32
    %dma_wait3A_964 = tpu.memref_slice %arg4[%dma_wait3A_961, %dma_wait3A_962, %dma_wait3A_963] : memref<2x224x224xf32, #tpu.memory_space<vmem>> -> memref<1x224x224xf32, #tpu.memory_space<vmem>>
    %dma_wait3A_965 = tpu.memref_squeeze %dma_wait3A_964 : memref<1x224x224xf32, #tpu.memory_space<vmem>> -> memref<224x224xf32, #tpu.memory_space<vmem>>
    %dma_wait3A_966 = arith.constant 0 : i32
    %dma_wait3A_967 = arith.constant 0 : i32
    %dma_wait3A_968 = tpu.memref_slice %arg3[%select_n3A_927, %select_n3A_943, %dma_wait3A_966, %dma_wait3A_967] : memref<128x3x224x224xf32, #tpu.memory_space<hbm>> -> memref<1x1x224x224xf32, #tpu.memory_space<hbm>>
    %dma_wait3A_969 = tpu.memref_squeeze %dma_wait3A_968 : memref<1x1x224x224xf32, #tpu.memory_space<hbm>> -> memref<224x224xf32, #tpu.memory_space<hbm>>
    %dma_wait3A_970 = arith.constant 0 : i32
    %dma_wait3A_971 = arith.constant 0 : i32
    %dma_wait3A_972 = tpu.memref_slice %arg3[%select_n3A_927, %select_n3A_943, %dma_wait3A_970, %dma_wait3A_971] : memref<128x3x224x224xf32, #tpu.memory_space<hbm>> -> memref<1x1x224x224xf32, #tpu.memory_space<hbm>>
    %dma_wait3A_973 = tpu.memref_squeeze %dma_wait3A_972 : memref<1x1x224x224xf32, #tpu.memory_space<hbm>> -> memref<224x224xf32, #tpu.memory_space<hbm>>
    %dma_wait3A_974 = arith.constant 0 : i32
    %dma_wait3A_975 = arith.constant 0 : i32
    %dma_wait3A_976 = tpu.memref_slice %arg4[%dma_wait3A_961, %dma_wait3A_974, %dma_wait3A_975] : memref<2x224x224xf32, #tpu.memory_space<vmem>> -> memref<1x224x224xf32, #tpu.memory_space<vmem>>
    %dma_wait3A_977 = tpu.memref_squeeze %dma_wait3A_976 : memref<1x224x224xf32, #tpu.memory_space<vmem>> -> memref<224x224xf32, #tpu.memory_space<vmem>>
    tpu.wait_dma2 semaphore(%arg7 : memref<!tpu.dma_semaphore, #tpu.memory_space<semaphore_mem>>) src(%dma_wait3A_977 : memref<224x224xf32, #tpu.memory_space<vmem>>) dst(%dma_wait3A_973 : memref<224x224xf32, #tpu.memory_space<hbm>>)
    %add3A_978 = arith.constant 6 : i32
    %add3A_979 = arith.addi %mul3A_2, %add3A_978 : i32
    %jit3A_980 = arith.constant 3 : i32
    %div3A_981 = arith.divsi %add3A_979, %jit3A_980 : i32
    %sign3A_982 = arith.constant 0 : i32
    %sign3A_983 = arith.cmpi sgt, %add3A_979, %sign3A_982 : i32
    %sign3A_984 = arith.extui %sign3A_983 : i1 to i32
    %sign3A_985 = arith.constant 0 : i32
    %sign3A_986 = arith.cmpi slt, %add3A_979, %sign3A_985 : i32
    %sign3A_987 = arith.extui %sign3A_986 : i1 to i32
    %sign3A_988 = arith.subi %sign3A_984, %sign3A_987 : i32
    %sign3A_989 = arith.constant 0 : i32
    %sign3A_990 = arith.cmpi sgt, %jit3A_980, %sign3A_989 : i32
    %sign3A_991 = arith.extui %sign3A_990 : i1 to i32
    %sign3A_992 = arith.constant 0 : i32
    %sign3A_993 = arith.cmpi slt, %jit3A_980, %sign3A_992 : i32
    %sign3A_994 = arith.extui %sign3A_993 : i1 to i32
    %sign3A_995 = arith.subi %sign3A_991, %sign3A_994 : i32
    %ne3A_996 = arith.cmpi ne, %sign3A_988, %sign3A_995 : i32
    %rem3A_997 = arith.remsi %add3A_979, %jit3A_980 : i32
    %ne3A_998 = arith.constant 0 : i32
    %ne3A_999 = arith.cmpi ne, %rem3A_997, %ne3A_998 : i32
    %and3A_1000 = arith.andi %ne3A_996, %ne3A_999 : i1
    %sub3A_1001 = arith.constant 1 : i32
    %sub3A_1002 = arith.subi %div3A_981, %sub3A_1001 : i32
    %select_n3A_1003 = arith.select %and3A_1000, %sub3A_1002, %div3A_981 : i32
    %jit3A_1004 = arith.constant 3 : i32
    %eq3A_1005 = arith.constant 0 : i32
    %eq3A_1006 = arith.cmpi eq, %jit3A_1004, %eq3A_1005 : i32
    %jit3A_1007 = arith.constant 1 : i32
    %select_n3A_1008 = arith.select %eq3A_1006, %jit3A_1007, %jit3A_1004 : i32
    %rem3A_1009 = arith.remsi %add3A_979, %select_n3A_1008 : i32
    %ne3A_1010 = arith.constant 0 : i32
    %ne3A_1011 = arith.cmpi ne, %rem3A_1009, %ne3A_1010 : i32
    %lt3A_1012 = arith.constant 0 : i32
    %lt3A_1013 = arith.cmpi slt, %rem3A_1009, %lt3A_1012 : i32
    %lt3A_1014 = arith.constant 0 : i32
    %lt3A_1015 = arith.cmpi slt, %select_n3A_1008, %lt3A_1014 : i32
    %ne3A_1016 = arith.xori %lt3A_1013, %lt3A_1015 : i1
    %and3A_1017 = arith.andi %ne3A_1016, %ne3A_1011 : i1
    %add3A_1018 = arith.addi %rem3A_1009, %select_n3A_1008 : i32
    %select_n3A_1019 = arith.select %and3A_1017, %add3A_1018, %rem3A_1009 : i32
    %mul3A_1020 = arith.constant 598 : i32
    %mul3A_1021 = arith.muli %select_n3A_1003, %mul3A_1020 : i32
    %add3A_1022 = arith.constant 127 : i32
    %add3A_1023 = arith.addi %mul3A_1021, %add3A_1022 : i32
    %jit3A_1024 = arith.constant 254 : i32
    %div3A_1025 = arith.divsi %add3A_1023, %jit3A_1024 : i32
    %sign3A_1026 = arith.constant 0 : i32
    %sign3A_1027 = arith.cmpi sgt, %add3A_1023, %sign3A_1026 : i32
    %sign3A_1028 = arith.extui %sign3A_1027 : i1 to i32
    %sign3A_1029 = arith.constant 0 : i32
    %sign3A_1030 = arith.cmpi slt, %add3A_1023, %sign3A_1029 : i32
    %sign3A_1031 = arith.extui %sign3A_1030 : i1 to i32
    %sign3A_1032 = arith.subi %sign3A_1028, %sign3A_1031 : i32
    %sign3A_1033 = arith.constant 0 : i32
    %sign3A_1034 = arith.cmpi sgt, %jit3A_1024, %sign3A_1033 : i32
    %sign3A_1035 = arith.extui %sign3A_1034 : i1 to i32
    %sign3A_1036 = arith.constant 0 : i32
    %sign3A_1037 = arith.cmpi slt, %jit3A_1024, %sign3A_1036 : i32
    %sign3A_1038 = arith.extui %sign3A_1037 : i1 to i32
    %sign3A_1039 = arith.subi %sign3A_1035, %sign3A_1038 : i32
    %ne3A_1040 = arith.cmpi ne, %sign3A_1032, %sign3A_1039 : i32
    %rem3A_1041 = arith.remsi %add3A_1023, %jit3A_1024 : i32
    %ne3A_1042 = arith.constant 0 : i32
    %ne3A_1043 = arith.cmpi ne, %rem3A_1041, %ne3A_1042 : i32
    %and3A_1044 = arith.andi %ne3A_1040, %ne3A_1043 : i1
    %sub3A_1045 = arith.constant 1 : i32
    %sub3A_1046 = arith.subi %div3A_1025, %sub3A_1045 : i32
    %select_n3A_1047 = arith.select %and3A_1044, %sub3A_1046, %div3A_1025 : i32
    %dma_start3A_1048 = arith.constant 0 : i32
    %dma_start3A_1049 = arith.constant 0 : i32
    %dma_start3A_1050 = arith.constant 0 : i32
    %dma_start3A_1051 = tpu.memref_slice %arg4[%dma_start3A_1048, %dma_start3A_1049, %dma_start3A_1050] : memref<2x224x224xf32, #tpu.memory_space<vmem>> -> memref<1x224x224xf32, #tpu.memory_space<vmem>>
    %dma_start3A_1052 = tpu.memref_squeeze %dma_start3A_1051 : memref<1x224x224xf32, #tpu.memory_space<vmem>> -> memref<224x224xf32, #tpu.memory_space<vmem>>
    %dma_start3A_1053 = arith.constant 0 : i32
    %dma_start3A_1054 = arith.constant 0 : i32
    %dma_start3A_1055 = tpu.memref_slice %arg2[%select_n3A_1047, %select_n3A_1019, %dma_start3A_1053, %dma_start3A_1054] : memref<300x3x224x224xf32, #tpu.memory_space<hbm>> -> memref<1x1x224x224xf32, #tpu.memory_space<hbm>>
    %dma_start3A_1056 = tpu.memref_squeeze %dma_start3A_1055 : memref<1x1x224x224xf32, #tpu.memory_space<hbm>> -> memref<224x224xf32, #tpu.memory_space<hbm>>
    %dma_start3A_1057 = arith.constant 0 : i32
    %dma_start3A_1058 = arith.constant 0 : i32
    %dma_start3A_1059 = tpu.memref_slice %arg4[%dma_start3A_1048, %dma_start3A_1057, %dma_start3A_1058] : memref<2x224x224xf32, #tpu.memory_space<vmem>> -> memref<1x224x224xf32, #tpu.memory_space<vmem>>
    %dma_start3A_1060 = tpu.memref_squeeze %dma_start3A_1059 : memref<1x224x224xf32, #tpu.memory_space<vmem>> -> memref<224x224xf32, #tpu.memory_space<vmem>>
    %dma_start3A_1061 = arith.constant 0 : i32
    %dma_start3A_1062 = arith.constant 0 : i32
    %dma_start3A_1063 = tpu.memref_slice %arg2[%select_n3A_1047, %select_n3A_1019, %dma_start3A_1061, %dma_start3A_1062] : memref<300x3x224x224xf32, #tpu.memory_space<hbm>> -> memref<1x1x224x224xf32, #tpu.memory_space<hbm>>
    %dma_start3A_1064 = tpu.memref_squeeze %dma_start3A_1063 : memref<1x1x224x224xf32, #tpu.memory_space<hbm>> -> memref<224x224xf32, #tpu.memory_space<hbm>>
    tpu.enqueue_dma source(%dma_start3A_1064 : memref<224x224xf32, #tpu.memory_space<hbm>>) target(%dma_start3A_1060 : memref<224x224xf32, #tpu.memory_space<vmem>>) target_semaphore(%arg5 : memref<!tpu.dma_semaphore, #tpu.memory_space<semaphore_mem>>)
    %dma_wait3A_1065 = arith.constant 1 : i32
    %dma_wait3A_1066 = arith.constant 0 : i32
    %dma_wait3A_1067 = arith.constant 0 : i32
    %dma_wait3A_1068 = tpu.memref_slice %arg4[%dma_wait3A_1065, %dma_wait3A_1066, %dma_wait3A_1067] : memref<2x224x224xf32, #tpu.memory_space<vmem>> -> memref<1x224x224xf32, #tpu.memory_space<vmem>>
    %dma_wait3A_1069 = tpu.memref_squeeze %dma_wait3A_1068 : memref<1x224x224xf32, #tpu.memory_space<vmem>> -> memref<224x224xf32, #tpu.memory_space<vmem>>
    %dma_wait3A_1070 = arith.constant 0 : i32
    %dma_wait3A_1071 = arith.constant 0 : i32
    %dma_wait3A_1072 = tpu.memref_slice %arg2[%select_n3A_867, %select_n3A_839, %dma_wait3A_1070, %dma_wait3A_1071] : memref<300x3x224x224xf32, #tpu.memory_space<hbm>> -> memref<1x1x224x224xf32, #tpu.memory_space<hbm>>
    %dma_wait3A_1073 = tpu.memref_squeeze %dma_wait3A_1072 : memref<1x1x224x224xf32, #tpu.memory_space<hbm>> -> memref<224x224xf32, #tpu.memory_space<hbm>>
    %dma_wait3A_1074 = arith.constant 0 : i32
    %dma_wait3A_1075 = arith.constant 0 : i32
    %dma_wait3A_1076 = tpu.memref_slice %arg4[%dma_wait3A_1065, %dma_wait3A_1074, %dma_wait3A_1075] : memref<2x224x224xf32, #tpu.memory_space<vmem>> -> memref<1x224x224xf32, #tpu.memory_space<vmem>>
    %dma_wait3A_1077 = tpu.memref_squeeze %dma_wait3A_1076 : memref<1x224x224xf32, #tpu.memory_space<vmem>> -> memref<224x224xf32, #tpu.memory_space<vmem>>
    %dma_wait3A_1078 = arith.constant 0 : i32
    %dma_wait3A_1079 = arith.constant 0 : i32
    %dma_wait3A_1080 = tpu.memref_slice %arg2[%select_n3A_867, %select_n3A_839, %dma_wait3A_1078, %dma_wait3A_1079] : memref<300x3x224x224xf32, #tpu.memory_space<hbm>> -> memref<1x1x224x224xf32, #tpu.memory_space<hbm>>
    %dma_wait3A_1081 = tpu.memref_squeeze %dma_wait3A_1080 : memref<1x1x224x224xf32, #tpu.memory_space<hbm>> -> memref<224x224xf32, #tpu.memory_space<hbm>>
    tpu.wait_dma2 semaphore(%arg6 : memref<!tpu.dma_semaphore, #tpu.memory_space<semaphore_mem>>) src(%dma_wait3A_1081 : memref<224x224xf32, #tpu.memory_space<hbm>>) dst(%dma_wait3A_1077 : memref<224x224xf32, #tpu.memory_space<vmem>>)
    %add3A_1082 = arith.constant 5 : i32
    %add3A_1083 = arith.addi %mul3A_2, %add3A_1082 : i32
    %jit3A_1084 = arith.constant 3 : i32
    %div3A_1085 = arith.divsi %add3A_1083, %jit3A_1084 : i32
    %sign3A_1086 = arith.constant 0 : i32
    %sign3A_1087 = arith.cmpi sgt, %add3A_1083, %sign3A_1086 : i32
    %sign3A_1088 = arith.extui %sign3A_1087 : i1 to i32
    %sign3A_1089 = arith.constant 0 : i32
    %sign3A_1090 = arith.cmpi slt, %add3A_1083, %sign3A_1089 : i32
    %sign3A_1091 = arith.extui %sign3A_1090 : i1 to i32
    %sign3A_1092 = arith.subi %sign3A_1088, %sign3A_1091 : i32
    %sign3A_1093 = arith.constant 0 : i32
    %sign3A_1094 = arith.cmpi sgt, %jit3A_1084, %sign3A_1093 : i32
    %sign3A_1095 = arith.extui %sign3A_1094 : i1 to i32
    %sign3A_1096 = arith.constant 0 : i32
    %sign3A_1097 = arith.cmpi slt, %jit3A_1084, %sign3A_1096 : i32
    %sign3A_1098 = arith.extui %sign3A_1097 : i1 to i32
    %sign3A_1099 = arith.subi %sign3A_1095, %sign3A_1098 : i32
    %ne3A_1100 = arith.cmpi ne, %sign3A_1092, %sign3A_1099 : i32
    %rem3A_1101 = arith.remsi %add3A_1083, %jit3A_1084 : i32
    %ne3A_1102 = arith.constant 0 : i32
    %ne3A_1103 = arith.cmpi ne, %rem3A_1101, %ne3A_1102 : i32
    %and3A_1104 = arith.andi %ne3A_1100, %ne3A_1103 : i1
    %sub3A_1105 = arith.constant 1 : i32
    %sub3A_1106 = arith.subi %div3A_1085, %sub3A_1105 : i32
    %select_n3A_1107 = arith.select %and3A_1104, %sub3A_1106, %div3A_1085 : i32
    %jit3A_1108 = arith.constant 3 : i32
    %eq3A_1109 = arith.constant 0 : i32
    %eq3A_1110 = arith.cmpi eq, %jit3A_1108, %eq3A_1109 : i32
    %jit3A_1111 = arith.constant 1 : i32
    %select_n3A_1112 = arith.select %eq3A_1110, %jit3A_1111, %jit3A_1108 : i32
    %rem3A_1113 = arith.remsi %add3A_1083, %select_n3A_1112 : i32
    %ne3A_1114 = arith.constant 0 : i32
    %ne3A_1115 = arith.cmpi ne, %rem3A_1113, %ne3A_1114 : i32
    %lt3A_1116 = arith.constant 0 : i32
    %lt3A_1117 = arith.cmpi slt, %rem3A_1113, %lt3A_1116 : i32
    %lt3A_1118 = arith.constant 0 : i32
    %lt3A_1119 = arith.cmpi slt, %select_n3A_1112, %lt3A_1118 : i32
    %ne3A_1120 = arith.xori %lt3A_1117, %lt3A_1119 : i1
    %and3A_1121 = arith.andi %ne3A_1120, %ne3A_1115 : i1
    %add3A_1122 = arith.addi %rem3A_1113, %select_n3A_1112 : i32
    %select_n3A_1123 = arith.select %and3A_1121, %add3A_1122, %rem3A_1113 : i32
    %dma_start3A_1124 = arith.constant 1 : i32
    %dma_start3A_1125 = arith.constant 0 : i32
    %dma_start3A_1126 = arith.constant 0 : i32
    %dma_start3A_1127 = tpu.memref_slice %arg4[%dma_start3A_1124, %dma_start3A_1125, %dma_start3A_1126] : memref<2x224x224xf32, #tpu.memory_space<vmem>> -> memref<1x224x224xf32, #tpu.memory_space<vmem>>
    %dma_start3A_1128 = tpu.memref_squeeze %dma_start3A_1127 : memref<1x224x224xf32, #tpu.memory_space<vmem>> -> memref<224x224xf32, #tpu.memory_space<vmem>>
    %dma_start3A_1129 = arith.constant 0 : i32
    %dma_start3A_1130 = arith.constant 0 : i32
    %dma_start3A_1131 = tpu.memref_slice %arg3[%select_n3A_1107, %select_n3A_1123, %dma_start3A_1129, %dma_start3A_1130] : memref<128x3x224x224xf32, #tpu.memory_space<hbm>> -> memref<1x1x224x224xf32, #tpu.memory_space<hbm>>
    %dma_start3A_1132 = tpu.memref_squeeze %dma_start3A_1131 : memref<1x1x224x224xf32, #tpu.memory_space<hbm>> -> memref<224x224xf32, #tpu.memory_space<hbm>>
    %dma_start3A_1133 = arith.constant 0 : i32
    %dma_start3A_1134 = arith.constant 0 : i32
    %dma_start3A_1135 = tpu.memref_slice %arg3[%select_n3A_1107, %select_n3A_1123, %dma_start3A_1133, %dma_start3A_1134] : memref<128x3x224x224xf32, #tpu.memory_space<hbm>> -> memref<1x1x224x224xf32, #tpu.memory_space<hbm>>
    %dma_start3A_1136 = tpu.memref_squeeze %dma_start3A_1135 : memref<1x1x224x224xf32, #tpu.memory_space<hbm>> -> memref<224x224xf32, #tpu.memory_space<hbm>>
    %dma_start3A_1137 = arith.constant 0 : i32
    %dma_start3A_1138 = arith.constant 0 : i32
    %dma_start3A_1139 = tpu.memref_slice %arg4[%dma_start3A_1124, %dma_start3A_1137, %dma_start3A_1138] : memref<2x224x224xf32, #tpu.memory_space<vmem>> -> memref<1x224x224xf32, #tpu.memory_space<vmem>>
    %dma_start3A_1140 = tpu.memref_squeeze %dma_start3A_1139 : memref<1x224x224xf32, #tpu.memory_space<vmem>> -> memref<224x224xf32, #tpu.memory_space<vmem>>
    tpu.enqueue_dma source(%dma_start3A_1140 : memref<224x224xf32, #tpu.memory_space<vmem>>) target(%dma_start3A_1136 : memref<224x224xf32, #tpu.memory_space<hbm>>) target_semaphore(%arg8 : memref<!tpu.dma_semaphore, #tpu.memory_space<semaphore_mem>>)
    %dma_wait3A_1141 = arith.constant 1 : i32
    %dma_wait3A_1142 = arith.constant 0 : i32
    %dma_wait3A_1143 = arith.constant 0 : i32
    %dma_wait3A_1144 = tpu.memref_slice %arg4[%dma_wait3A_1141, %dma_wait3A_1142, %dma_wait3A_1143] : memref<2x224x224xf32, #tpu.memory_space<vmem>> -> memref<1x224x224xf32, #tpu.memory_space<vmem>>
    %dma_wait3A_1145 = tpu.memref_squeeze %dma_wait3A_1144 : memref<1x224x224xf32, #tpu.memory_space<vmem>> -> memref<224x224xf32, #tpu.memory_space<vmem>>
    %dma_wait3A_1146 = arith.constant 0 : i32
    %dma_wait3A_1147 = arith.constant 0 : i32
    %dma_wait3A_1148 = tpu.memref_slice %arg3[%select_n3A_1107, %select_n3A_1123, %dma_wait3A_1146, %dma_wait3A_1147] : memref<128x3x224x224xf32, #tpu.memory_space<hbm>> -> memref<1x1x224x224xf32, #tpu.memory_space<hbm>>
    %dma_wait3A_1149 = tpu.memref_squeeze %dma_wait3A_1148 : memref<1x1x224x224xf32, #tpu.memory_space<hbm>> -> memref<224x224xf32, #tpu.memory_space<hbm>>
    %dma_wait3A_1150 = arith.constant 0 : i32
    %dma_wait3A_1151 = arith.constant 0 : i32
    %dma_wait3A_1152 = tpu.memref_slice %arg3[%select_n3A_1107, %select_n3A_1123, %dma_wait3A_1150, %dma_wait3A_1151] : memref<128x3x224x224xf32, #tpu.memory_space<hbm>> -> memref<1x1x224x224xf32, #tpu.memory_space<hbm>>
    %dma_wait3A_1153 = tpu.memref_squeeze %dma_wait3A_1152 : memref<1x1x224x224xf32, #tpu.memory_space<hbm>> -> memref<224x224xf32, #tpu.memory_space<hbm>>
    %dma_wait3A_1154 = arith.constant 0 : i32
    %dma_wait3A_1155 = arith.constant 0 : i32
    %dma_wait3A_1156 = tpu.memref_slice %arg4[%dma_wait3A_1141, %dma_wait3A_1154, %dma_wait3A_1155] : memref<2x224x224xf32, #tpu.memory_space<vmem>> -> memref<1x224x224xf32, #tpu.memory_space<vmem>>
    %dma_wait3A_1157 = tpu.memref_squeeze %dma_wait3A_1156 : memref<1x224x224xf32, #tpu.memory_space<vmem>> -> memref<224x224xf32, #tpu.memory_space<vmem>>
    tpu.wait_dma2 semaphore(%arg8 : memref<!tpu.dma_semaphore, #tpu.memory_space<semaphore_mem>>) src(%dma_wait3A_1157 : memref<224x224xf32, #tpu.memory_space<vmem>>) dst(%dma_wait3A_1153 : memref<224x224xf32, #tpu.memory_space<hbm>>)
    %add3A_1158 = arith.constant 7 : i32
    %add3A_1159 = arith.addi %mul3A_2, %add3A_1158 : i32
    %jit3A_1160 = arith.constant 3 : i32
    %div3A_1161 = arith.divsi %add3A_1159, %jit3A_1160 : i32
    %sign3A_1162 = arith.constant 0 : i32
    %sign3A_1163 = arith.cmpi sgt, %add3A_1159, %sign3A_1162 : i32
    %sign3A_1164 = arith.extui %sign3A_1163 : i1 to i32
    %sign3A_1165 = arith.constant 0 : i32
    %sign3A_1166 = arith.cmpi slt, %add3A_1159, %sign3A_1165 : i32
    %sign3A_1167 = arith.extui %sign3A_1166 : i1 to i32
    %sign3A_1168 = arith.subi %sign3A_1164, %sign3A_1167 : i32
    %sign3A_1169 = arith.constant 0 : i32
    %sign3A_1170 = arith.cmpi sgt, %jit3A_1160, %sign3A_1169 : i32
    %sign3A_1171 = arith.extui %sign3A_1170 : i1 to i32
    %sign3A_1172 = arith.constant 0 : i32
    %sign3A_1173 = arith.cmpi slt, %jit3A_1160, %sign3A_1172 : i32
    %sign3A_1174 = arith.extui %sign3A_1173 : i1 to i32
    %sign3A_1175 = arith.subi %sign3A_1171, %sign3A_1174 : i32
    %ne3A_1176 = arith.cmpi ne, %sign3A_1168, %sign3A_1175 : i32
    %rem3A_1177 = arith.remsi %add3A_1159, %jit3A_1160 : i32
    %ne3A_1178 = arith.constant 0 : i32
    %ne3A_1179 = arith.cmpi ne, %rem3A_1177, %ne3A_1178 : i32
    %and3A_1180 = arith.andi %ne3A_1176, %ne3A_1179 : i1
    %sub3A_1181 = arith.constant 1 : i32
    %sub3A_1182 = arith.subi %div3A_1161, %sub3A_1181 : i32
    %select_n3A_1183 = arith.select %and3A_1180, %sub3A_1182, %div3A_1161 : i32
    %jit3A_1184 = arith.constant 3 : i32
    %eq3A_1185 = arith.constant 0 : i32
    %eq3A_1186 = arith.cmpi eq, %jit3A_1184, %eq3A_1185 : i32
    %jit3A_1187 = arith.constant 1 : i32
    %select_n3A_1188 = arith.select %eq3A_1186, %jit3A_1187, %jit3A_1184 : i32
    %rem3A_1189 = arith.remsi %add3A_1159, %select_n3A_1188 : i32
    %ne3A_1190 = arith.constant 0 : i32
    %ne3A_1191 = arith.cmpi ne, %rem3A_1189, %ne3A_1190 : i32
    %lt3A_1192 = arith.constant 0 : i32
    %lt3A_1193 = arith.cmpi slt, %rem3A_1189, %lt3A_1192 : i32
    %lt3A_1194 = arith.constant 0 : i32
    %lt3A_1195 = arith.cmpi slt, %select_n3A_1188, %lt3A_1194 : i32
    %ne3A_1196 = arith.xori %lt3A_1193, %lt3A_1195 : i1
    %and3A_1197 = arith.andi %ne3A_1196, %ne3A_1191 : i1
    %add3A_1198 = arith.addi %rem3A_1189, %select_n3A_1188 : i32
    %select_n3A_1199 = arith.select %and3A_1197, %add3A_1198, %rem3A_1189 : i32
    %mul3A_1200 = arith.constant 598 : i32
    %mul3A_1201 = arith.muli %select_n3A_1183, %mul3A_1200 : i32
    %add3A_1202 = arith.constant 127 : i32
    %add3A_1203 = arith.addi %mul3A_1201, %add3A_1202 : i32
    %jit3A_1204 = arith.constant 254 : i32
    %div3A_1205 = arith.divsi %add3A_1203, %jit3A_1204 : i32
    %sign3A_1206 = arith.constant 0 : i32
    %sign3A_1207 = arith.cmpi sgt, %add3A_1203, %sign3A_1206 : i32
    %sign3A_1208 = arith.extui %sign3A_1207 : i1 to i32
    %sign3A_1209 = arith.constant 0 : i32
    %sign3A_1210 = arith.cmpi slt, %add3A_1203, %sign3A_1209 : i32
    %sign3A_1211 = arith.extui %sign3A_1210 : i1 to i32
    %sign3A_1212 = arith.subi %sign3A_1208, %sign3A_1211 : i32
    %sign3A_1213 = arith.constant 0 : i32
    %sign3A_1214 = arith.cmpi sgt, %jit3A_1204, %sign3A_1213 : i32
    %sign3A_1215 = arith.extui %sign3A_1214 : i1 to i32
    %sign3A_1216 = arith.constant 0 : i32
    %sign3A_1217 = arith.cmpi slt, %jit3A_1204, %sign3A_1216 : i32
    %sign3A_1218 = arith.extui %sign3A_1217 : i1 to i32
    %sign3A_1219 = arith.subi %sign3A_1215, %sign3A_1218 : i32
    %ne3A_1220 = arith.cmpi ne, %sign3A_1212, %sign3A_1219 : i32
    %rem3A_1221 = arith.remsi %add3A_1203, %jit3A_1204 : i32
    %ne3A_1222 = arith.constant 0 : i32
    %ne3A_1223 = arith.cmpi ne, %rem3A_1221, %ne3A_1222 : i32
    %and3A_1224 = arith.andi %ne3A_1220, %ne3A_1223 : i1
    %sub3A_1225 = arith.constant 1 : i32
    %sub3A_1226 = arith.subi %div3A_1205, %sub3A_1225 : i32
    %select_n3A_1227 = arith.select %and3A_1224, %sub3A_1226, %div3A_1205 : i32
    %dma_start3A_1228 = arith.constant 1 : i32
    %dma_start3A_1229 = arith.constant 0 : i32
    %dma_start3A_1230 = arith.constant 0 : i32
    %dma_start3A_1231 = tpu.memref_slice %arg4[%dma_start3A_1228, %dma_start3A_1229, %dma_start3A_1230] : memref<2x224x224xf32, #tpu.memory_space<vmem>> -> memref<1x224x224xf32, #tpu.memory_space<vmem>>
    %dma_start3A_1232 = tpu.memref_squeeze %dma_start3A_1231 : memref<1x224x224xf32, #tpu.memory_space<vmem>> -> memref<224x224xf32, #tpu.memory_space<vmem>>
    %dma_start3A_1233 = arith.constant 0 : i32
    %dma_start3A_1234 = arith.constant 0 : i32
    %dma_start3A_1235 = tpu.memref_slice %arg2[%select_n3A_1227, %select_n3A_1199, %dma_start3A_1233, %dma_start3A_1234] : memref<300x3x224x224xf32, #tpu.memory_space<hbm>> -> memref<1x1x224x224xf32, #tpu.memory_space<hbm>>
    %dma_start3A_1236 = tpu.memref_squeeze %dma_start3A_1235 : memref<1x1x224x224xf32, #tpu.memory_space<hbm>> -> memref<224x224xf32, #tpu.memory_space<hbm>>
    %dma_start3A_1237 = arith.constant 0 : i32
    %dma_start3A_1238 = arith.constant 0 : i32
    %dma_start3A_1239 = tpu.memref_slice %arg4[%dma_start3A_1228, %dma_start3A_1237, %dma_start3A_1238] : memref<2x224x224xf32, #tpu.memory_space<vmem>> -> memref<1x224x224xf32, #tpu.memory_space<vmem>>
    %dma_start3A_1240 = tpu.memref_squeeze %dma_start3A_1239 : memref<1x224x224xf32, #tpu.memory_space<vmem>> -> memref<224x224xf32, #tpu.memory_space<vmem>>
    %dma_start3A_1241 = arith.constant 0 : i32
    %dma_start3A_1242 = arith.constant 0 : i32
    %dma_start3A_1243 = tpu.memref_slice %arg2[%select_n3A_1227, %select_n3A_1199, %dma_start3A_1241, %dma_start3A_1242] : memref<300x3x224x224xf32, #tpu.memory_space<hbm>> -> memref<1x1x224x224xf32, #tpu.memory_space<hbm>>
    %dma_start3A_1244 = tpu.memref_squeeze %dma_start3A_1243 : memref<1x1x224x224xf32, #tpu.memory_space<hbm>> -> memref<224x224xf32, #tpu.memory_space<hbm>>
    tpu.enqueue_dma source(%dma_start3A_1244 : memref<224x224xf32, #tpu.memory_space<hbm>>) target(%dma_start3A_1240 : memref<224x224xf32, #tpu.memory_space<vmem>>) target_semaphore(%arg6 : memref<!tpu.dma_semaphore, #tpu.memory_space<semaphore_mem>>)
    %dma_wait3A_1245 = arith.constant 0 : i32
    %dma_wait3A_1246 = arith.constant 0 : i32
    %dma_wait3A_1247 = arith.constant 0 : i32
    %dma_wait3A_1248 = tpu.memref_slice %arg4[%dma_wait3A_1245, %dma_wait3A_1246, %dma_wait3A_1247] : memref<2x224x224xf32, #tpu.memory_space<vmem>> -> memref<1x224x224xf32, #tpu.memory_space<vmem>>
    %dma_wait3A_1249 = tpu.memref_squeeze %dma_wait3A_1248 : memref<1x224x224xf32, #tpu.memory_space<vmem>> -> memref<224x224xf32, #tpu.memory_space<vmem>>
    %dma_wait3A_1250 = arith.constant 0 : i32
    %dma_wait3A_1251 = arith.constant 0 : i32
    %dma_wait3A_1252 = tpu.memref_slice %arg2[%select_n3A_1047, %select_n3A_1019, %dma_wait3A_1250, %dma_wait3A_1251] : memref<300x3x224x224xf32, #tpu.memory_space<hbm>> -> memref<1x1x224x224xf32, #tpu.memory_space<hbm>>
    %dma_wait3A_1253 = tpu.memref_squeeze %dma_wait3A_1252 : memref<1x1x224x224xf32, #tpu.memory_space<hbm>> -> memref<224x224xf32, #tpu.memory_space<hbm>>
    %dma_wait3A_1254 = arith.constant 0 : i32
    %dma_wait3A_1255 = arith.constant 0 : i32
    %dma_wait3A_1256 = tpu.memref_slice %arg4[%dma_wait3A_1245, %dma_wait3A_1254, %dma_wait3A_1255] : memref<2x224x224xf32, #tpu.memory_space<vmem>> -> memref<1x224x224xf32, #tpu.memory_space<vmem>>
    %dma_wait3A_1257 = tpu.memref_squeeze %dma_wait3A_1256 : memref<1x224x224xf32, #tpu.memory_space<vmem>> -> memref<224x224xf32, #tpu.memory_space<vmem>>
    %dma_wait3A_1258 = arith.constant 0 : i32
    %dma_wait3A_1259 = arith.constant 0 : i32
    %dma_wait3A_1260 = tpu.memref_slice %arg2[%select_n3A_1047, %select_n3A_1019, %dma_wait3A_1258, %dma_wait3A_1259] : memref<300x3x224x224xf32, #tpu.memory_space<hbm>> -> memref<1x1x224x224xf32, #tpu.memory_space<hbm>>
    %dma_wait3A_1261 = tpu.memref_squeeze %dma_wait3A_1260 : memref<1x1x224x224xf32, #tpu.memory_space<hbm>> -> memref<224x224xf32, #tpu.memory_space<hbm>>
    tpu.wait_dma2 semaphore(%arg5 : memref<!tpu.dma_semaphore, #tpu.memory_space<semaphore_mem>>) src(%dma_wait3A_1261 : memref<224x224xf32, #tpu.memory_space<hbm>>) dst(%dma_wait3A_1257 : memref<224x224xf32, #tpu.memory_space<vmem>>)
    %add3A_1262 = arith.constant 6 : i32
    %add3A_1263 = arith.addi %mul3A_2, %add3A_1262 : i32
    %jit3A_1264 = arith.constant 3 : i32
    %div3A_1265 = arith.divsi %add3A_1263, %jit3A_1264 : i32
    %sign3A_1266 = arith.constant 0 : i32
    %sign3A_1267 = arith.cmpi sgt, %add3A_1263, %sign3A_1266 : i32
    %sign3A_1268 = arith.extui %sign3A_1267 : i1 to i32
    %sign3A_1269 = arith.constant 0 : i32
    %sign3A_1270 = arith.cmpi slt, %add3A_1263, %sign3A_1269 : i32
    %sign3A_1271 = arith.extui %sign3A_1270 : i1 to i32
    %sign3A_1272 = arith.subi %sign3A_1268, %sign3A_1271 : i32
    %sign3A_1273 = arith.constant 0 : i32
    %sign3A_1274 = arith.cmpi sgt, %jit3A_1264, %sign3A_1273 : i32
    %sign3A_1275 = arith.extui %sign3A_1274 : i1 to i32
    %sign3A_1276 = arith.constant 0 : i32
    %sign3A_1277 = arith.cmpi slt, %jit3A_1264, %sign3A_1276 : i32
    %sign3A_1278 = arith.extui %sign3A_1277 : i1 to i32
    %sign3A_1279 = arith.subi %sign3A_1275, %sign3A_1278 : i32
    %ne3A_1280 = arith.cmpi ne, %sign3A_1272, %sign3A_1279 : i32
    %rem3A_1281 = arith.remsi %add3A_1263, %jit3A_1264 : i32
    %ne3A_1282 = arith.constant 0 : i32
    %ne3A_1283 = arith.cmpi ne, %rem3A_1281, %ne3A_1282 : i32
    %and3A_1284 = arith.andi %ne3A_1280, %ne3A_1283 : i1
    %sub3A_1285 = arith.constant 1 : i32
    %sub3A_1286 = arith.subi %div3A_1265, %sub3A_1285 : i32
    %select_n3A_1287 = arith.select %and3A_1284, %sub3A_1286, %div3A_1265 : i32
    %jit3A_1288 = arith.constant 3 : i32
    %eq3A_1289 = arith.constant 0 : i32
    %eq3A_1290 = arith.cmpi eq, %jit3A_1288, %eq3A_1289 : i32
    %jit3A_1291 = arith.constant 1 : i32
    %select_n3A_1292 = arith.select %eq3A_1290, %jit3A_1291, %jit3A_1288 : i32
    %rem3A_1293 = arith.remsi %add3A_1263, %select_n3A_1292 : i32
    %ne3A_1294 = arith.constant 0 : i32
    %ne3A_1295 = arith.cmpi ne, %rem3A_1293, %ne3A_1294 : i32
    %lt3A_1296 = arith.constant 0 : i32
    %lt3A_1297 = arith.cmpi slt, %rem3A_1293, %lt3A_1296 : i32
    %lt3A_1298 = arith.constant 0 : i32
    %lt3A_1299 = arith.cmpi slt, %select_n3A_1292, %lt3A_1298 : i32
    %ne3A_1300 = arith.xori %lt3A_1297, %lt3A_1299 : i1
    %and3A_1301 = arith.andi %ne3A_1300, %ne3A_1295 : i1
    %add3A_1302 = arith.addi %rem3A_1293, %select_n3A_1292 : i32
    %select_n3A_1303 = arith.select %and3A_1301, %add3A_1302, %rem3A_1293 : i32
    %dma_start3A_1304 = arith.constant 0 : i32
    %dma_start3A_1305 = arith.constant 0 : i32
    %dma_start3A_1306 = arith.constant 0 : i32
    %dma_start3A_1307 = tpu.memref_slice %arg4[%dma_start3A_1304, %dma_start3A_1305, %dma_start3A_1306] : memref<2x224x224xf32, #tpu.memory_space<vmem>> -> memref<1x224x224xf32, #tpu.memory_space<vmem>>
    %dma_start3A_1308 = tpu.memref_squeeze %dma_start3A_1307 : memref<1x224x224xf32, #tpu.memory_space<vmem>> -> memref<224x224xf32, #tpu.memory_space<vmem>>
    %dma_start3A_1309 = arith.constant 0 : i32
    %dma_start3A_1310 = arith.constant 0 : i32
    %dma_start3A_1311 = tpu.memref_slice %arg3[%select_n3A_1287, %select_n3A_1303, %dma_start3A_1309, %dma_start3A_1310] : memref<128x3x224x224xf32, #tpu.memory_space<hbm>> -> memref<1x1x224x224xf32, #tpu.memory_space<hbm>>
    %dma_start3A_1312 = tpu.memref_squeeze %dma_start3A_1311 : memref<1x1x224x224xf32, #tpu.memory_space<hbm>> -> memref<224x224xf32, #tpu.memory_space<hbm>>
    %dma_start3A_1313 = arith.constant 0 : i32
    %dma_start3A_1314 = arith.constant 0 : i32
    %dma_start3A_1315 = tpu.memref_slice %arg3[%select_n3A_1287, %select_n3A_1303, %dma_start3A_1313, %dma_start3A_1314] : memref<128x3x224x224xf32, #tpu.memory_space<hbm>> -> memref<1x1x224x224xf32, #tpu.memory_space<hbm>>
    %dma_start3A_1316 = tpu.memref_squeeze %dma_start3A_1315 : memref<1x1x224x224xf32, #tpu.memory_space<hbm>> -> memref<224x224xf32, #tpu.memory_space<hbm>>
    %dma_start3A_1317 = arith.constant 0 : i32
    %dma_start3A_1318 = arith.constant 0 : i32
    %dma_start3A_1319 = tpu.memref_slice %arg4[%dma_start3A_1304, %dma_start3A_1317, %dma_start3A_1318] : memref<2x224x224xf32, #tpu.memory_space<vmem>> -> memref<1x224x224xf32, #tpu.memory_space<vmem>>
    %dma_start3A_1320 = tpu.memref_squeeze %dma_start3A_1319 : memref<1x224x224xf32, #tpu.memory_space<vmem>> -> memref<224x224xf32, #tpu.memory_space<vmem>>
    tpu.enqueue_dma source(%dma_start3A_1320 : memref<224x224xf32, #tpu.memory_space<vmem>>) target(%dma_start3A_1316 : memref<224x224xf32, #tpu.memory_space<hbm>>) target_semaphore(%arg7 : memref<!tpu.dma_semaphore, #tpu.memory_space<semaphore_mem>>)
    %dma_wait3A_1321 = arith.constant 0 : i32
    %dma_wait3A_1322 = arith.constant 0 : i32
    %dma_wait3A_1323 = arith.constant 0 : i32
    %dma_wait3A_1324 = tpu.memref_slice %arg4[%dma_wait3A_1321, %dma_wait3A_1322, %dma_wait3A_1323] : memref<2x224x224xf32, #tpu.memory_space<vmem>> -> memref<1x224x224xf32, #tpu.memory_space<vmem>>
    %dma_wait3A_1325 = tpu.memref_squeeze %dma_wait3A_1324 : memref<1x224x224xf32, #tpu.memory_space<vmem>> -> memref<224x224xf32, #tpu.memory_space<vmem>>
    %dma_wait3A_1326 = arith.constant 0 : i32
    %dma_wait3A_1327 = arith.constant 0 : i32
    %dma_wait3A_1328 = tpu.memref_slice %arg3[%select_n3A_1287, %select_n3A_1303, %dma_wait3A_1326, %dma_wait3A_1327] : memref<128x3x224x224xf32, #tpu.memory_space<hbm>> -> memref<1x1x224x224xf32, #tpu.memory_space<hbm>>
    %dma_wait3A_1329 = tpu.memref_squeeze %dma_wait3A_1328 : memref<1x1x224x224xf32, #tpu.memory_space<hbm>> -> memref<224x224xf32, #tpu.memory_space<hbm>>
    %dma_wait3A_1330 = arith.constant 0 : i32
    %dma_wait3A_1331 = arith.constant 0 : i32
    %dma_wait3A_1332 = tpu.memref_slice %arg3[%select_n3A_1287, %select_n3A_1303, %dma_wait3A_1330, %dma_wait3A_1331] : memref<128x3x224x224xf32, #tpu.memory_space<hbm>> -> memref<1x1x224x224xf32, #tpu.memory_space<hbm>>
    %dma_wait3A_1333 = tpu.memref_squeeze %dma_wait3A_1332 : memref<1x1x224x224xf32, #tpu.memory_space<hbm>> -> memref<224x224xf32, #tpu.memory_space<hbm>>
    %dma_wait3A_1334 = arith.constant 0 : i32
    %dma_wait3A_1335 = arith.constant 0 : i32
    %dma_wait3A_1336 = tpu.memref_slice %arg4[%dma_wait3A_1321, %dma_wait3A_1334, %dma_wait3A_1335] : memref<2x224x224xf32, #tpu.memory_space<vmem>> -> memref<1x224x224xf32, #tpu.memory_space<vmem>>
    %dma_wait3A_1337 = tpu.memref_squeeze %dma_wait3A_1336 : memref<1x224x224xf32, #tpu.memory_space<vmem>> -> memref<224x224xf32, #tpu.memory_space<vmem>>
    tpu.wait_dma2 semaphore(%arg7 : memref<!tpu.dma_semaphore, #tpu.memory_space<semaphore_mem>>) src(%dma_wait3A_1337 : memref<224x224xf32, #tpu.memory_space<vmem>>) dst(%dma_wait3A_1333 : memref<224x224xf32, #tpu.memory_space<hbm>>)
    %add3A_1338 = arith.constant 8 : i32
    %add3A_1339 = arith.addi %mul3A_2, %add3A_1338 : i32
    %jit3A_1340 = arith.constant 3 : i32
    %div3A_1341 = arith.divsi %add3A_1339, %jit3A_1340 : i32
    %sign3A_1342 = arith.constant 0 : i32
    %sign3A_1343 = arith.cmpi sgt, %add3A_1339, %sign3A_1342 : i32
    %sign3A_1344 = arith.extui %sign3A_1343 : i1 to i32
    %sign3A_1345 = arith.constant 0 : i32
    %sign3A_1346 = arith.cmpi slt, %add3A_1339, %sign3A_1345 : i32
    %sign3A_1347 = arith.extui %sign3A_1346 : i1 to i32
    %sign3A_1348 = arith.subi %sign3A_1344, %sign3A_1347 : i32
    %sign3A_1349 = arith.constant 0 : i32
    %sign3A_1350 = arith.cmpi sgt, %jit3A_1340, %sign3A_1349 : i32
    %sign3A_1351 = arith.extui %sign3A_1350 : i1 to i32
    %sign3A_1352 = arith.constant 0 : i32
    %sign3A_1353 = arith.cmpi slt, %jit3A_1340, %sign3A_1352 : i32
    %sign3A_1354 = arith.extui %sign3A_1353 : i1 to i32
    %sign3A_1355 = arith.subi %sign3A_1351, %sign3A_1354 : i32
    %ne3A_1356 = arith.cmpi ne, %sign3A_1348, %sign3A_1355 : i32
    %rem3A_1357 = arith.remsi %add3A_1339, %jit3A_1340 : i32
    %ne3A_1358 = arith.constant 0 : i32
    %ne3A_1359 = arith.cmpi ne, %rem3A_1357, %ne3A_1358 : i32
    %and3A_1360 = arith.andi %ne3A_1356, %ne3A_1359 : i1
    %sub3A_1361 = arith.constant 1 : i32
    %sub3A_1362 = arith.subi %div3A_1341, %sub3A_1361 : i32
    %select_n3A_1363 = arith.select %and3A_1360, %sub3A_1362, %div3A_1341 : i32
    %jit3A_1364 = arith.constant 3 : i32
    %eq3A_1365 = arith.constant 0 : i32
    %eq3A_1366 = arith.cmpi eq, %jit3A_1364, %eq3A_1365 : i32
    %jit3A_1367 = arith.constant 1 : i32
    %select_n3A_1368 = arith.select %eq3A_1366, %jit3A_1367, %jit3A_1364 : i32
    %rem3A_1369 = arith.remsi %add3A_1339, %select_n3A_1368 : i32
    %ne3A_1370 = arith.constant 0 : i32
    %ne3A_1371 = arith.cmpi ne, %rem3A_1369, %ne3A_1370 : i32
    %lt3A_1372 = arith.constant 0 : i32
    %lt3A_1373 = arith.cmpi slt, %rem3A_1369, %lt3A_1372 : i32
    %lt3A_1374 = arith.constant 0 : i32
    %lt3A_1375 = arith.cmpi slt, %select_n3A_1368, %lt3A_1374 : i32
    %ne3A_1376 = arith.xori %lt3A_1373, %lt3A_1375 : i1
    %and3A_1377 = arith.andi %ne3A_1376, %ne3A_1371 : i1
    %add3A_1378 = arith.addi %rem3A_1369, %select_n3A_1368 : i32
    %select_n3A_1379 = arith.select %and3A_1377, %add3A_1378, %rem3A_1369 : i32
    %mul3A_1380 = arith.constant 598 : i32
    %mul3A_1381 = arith.muli %select_n3A_1363, %mul3A_1380 : i32
    %add3A_1382 = arith.constant 127 : i32
    %add3A_1383 = arith.addi %mul3A_1381, %add3A_1382 : i32
    %jit3A_1384 = arith.constant 254 : i32
    %div3A_1385 = arith.divsi %add3A_1383, %jit3A_1384 : i32
    %sign3A_1386 = arith.constant 0 : i32
    %sign3A_1387 = arith.cmpi sgt, %add3A_1383, %sign3A_1386 : i32
    %sign3A_1388 = arith.extui %sign3A_1387 : i1 to i32
    %sign3A_1389 = arith.constant 0 : i32
    %sign3A_1390 = arith.cmpi slt, %add3A_1383, %sign3A_1389 : i32
    %sign3A_1391 = arith.extui %sign3A_1390 : i1 to i32
    %sign3A_1392 = arith.subi %sign3A_1388, %sign3A_1391 : i32
    %sign3A_1393 = arith.constant 0 : i32
    %sign3A_1394 = arith.cmpi sgt, %jit3A_1384, %sign3A_1393 : i32
    %sign3A_1395 = arith.extui %sign3A_1394 : i1 to i32
    %sign3A_1396 = arith.constant 0 : i32
    %sign3A_1397 = arith.cmpi slt, %jit3A_1384, %sign3A_1396 : i32
    %sign3A_1398 = arith.extui %sign3A_1397 : i1 to i32
    %sign3A_1399 = arith.subi %sign3A_1395, %sign3A_1398 : i32
    %ne3A_1400 = arith.cmpi ne, %sign3A_1392, %sign3A_1399 : i32
    %rem3A_1401 = arith.remsi %add3A_1383, %jit3A_1384 : i32
    %ne3A_1402 = arith.constant 0 : i32
    %ne3A_1403 = arith.cmpi ne, %rem3A_1401, %ne3A_1402 : i32
    %and3A_1404 = arith.andi %ne3A_1400, %ne3A_1403 : i1
    %sub3A_1405 = arith.constant 1 : i32
    %sub3A_1406 = arith.subi %div3A_1385, %sub3A_1405 : i32
    %select_n3A_1407 = arith.select %and3A_1404, %sub3A_1406, %div3A_1385 : i32
    %dma_start3A_1408 = arith.constant 0 : i32
    %dma_start3A_1409 = arith.constant 0 : i32
    %dma_start3A_1410 = arith.constant 0 : i32
    %dma_start3A_1411 = tpu.memref_slice %arg4[%dma_start3A_1408, %dma_start3A_1409, %dma_start3A_1410] : memref<2x224x224xf32, #tpu.memory_space<vmem>> -> memref<1x224x224xf32, #tpu.memory_space<vmem>>
    %dma_start3A_1412 = tpu.memref_squeeze %dma_start3A_1411 : memref<1x224x224xf32, #tpu.memory_space<vmem>> -> memref<224x224xf32, #tpu.memory_space<vmem>>
    %dma_start3A_1413 = arith.constant 0 : i32
    %dma_start3A_1414 = arith.constant 0 : i32
    %dma_start3A_1415 = tpu.memref_slice %arg2[%select_n3A_1407, %select_n3A_1379, %dma_start3A_1413, %dma_start3A_1414] : memref<300x3x224x224xf32, #tpu.memory_space<hbm>> -> memref<1x1x224x224xf32, #tpu.memory_space<hbm>>
    %dma_start3A_1416 = tpu.memref_squeeze %dma_start3A_1415 : memref<1x1x224x224xf32, #tpu.memory_space<hbm>> -> memref<224x224xf32, #tpu.memory_space<hbm>>
    %dma_start3A_1417 = arith.constant 0 : i32
    %dma_start3A_1418 = arith.constant 0 : i32
    %dma_start3A_1419 = tpu.memref_slice %arg4[%dma_start3A_1408, %dma_start3A_1417, %dma_start3A_1418] : memref<2x224x224xf32, #tpu.memory_space<vmem>> -> memref<1x224x224xf32, #tpu.memory_space<vmem>>
    %dma_start3A_1420 = tpu.memref_squeeze %dma_start3A_1419 : memref<1x224x224xf32, #tpu.memory_space<vmem>> -> memref<224x224xf32, #tpu.memory_space<vmem>>
    %dma_start3A_1421 = arith.constant 0 : i32
    %dma_start3A_1422 = arith.constant 0 : i32
    %dma_start3A_1423 = tpu.memref_slice %arg2[%select_n3A_1407, %select_n3A_1379, %dma_start3A_1421, %dma_start3A_1422] : memref<300x3x224x224xf32, #tpu.memory_space<hbm>> -> memref<1x1x224x224xf32, #tpu.memory_space<hbm>>
    %dma_start3A_1424 = tpu.memref_squeeze %dma_start3A_1423 : memref<1x1x224x224xf32, #tpu.memory_space<hbm>> -> memref<224x224xf32, #tpu.memory_space<hbm>>
    tpu.enqueue_dma source(%dma_start3A_1424 : memref<224x224xf32, #tpu.memory_space<hbm>>) target(%dma_start3A_1420 : memref<224x224xf32, #tpu.memory_space<vmem>>) target_semaphore(%arg5 : memref<!tpu.dma_semaphore, #tpu.memory_space<semaphore_mem>>)
    %dma_wait3A_1425 = arith.constant 1 : i32
    %dma_wait3A_1426 = arith.constant 0 : i32
    %dma_wait3A_1427 = arith.constant 0 : i32
    %dma_wait3A_1428 = tpu.memref_slice %arg4[%dma_wait3A_1425, %dma_wait3A_1426, %dma_wait3A_1427] : memref<2x224x224xf32, #tpu.memory_space<vmem>> -> memref<1x224x224xf32, #tpu.memory_space<vmem>>
    %dma_wait3A_1429 = tpu.memref_squeeze %dma_wait3A_1428 : memref<1x224x224xf32, #tpu.memory_space<vmem>> -> memref<224x224xf32, #tpu.memory_space<vmem>>
    %dma_wait3A_1430 = arith.constant 0 : i32
    %dma_wait3A_1431 = arith.constant 0 : i32
    %dma_wait3A_1432 = tpu.memref_slice %arg2[%select_n3A_1227, %select_n3A_1199, %dma_wait3A_1430, %dma_wait3A_1431] : memref<300x3x224x224xf32, #tpu.memory_space<hbm>> -> memref<1x1x224x224xf32, #tpu.memory_space<hbm>>
    %dma_wait3A_1433 = tpu.memref_squeeze %dma_wait3A_1432 : memref<1x1x224x224xf32, #tpu.memory_space<hbm>> -> memref<224x224xf32, #tpu.memory_space<hbm>>
    %dma_wait3A_1434 = arith.constant 0 : i32
    %dma_wait3A_1435 = arith.constant 0 : i32
    %dma_wait3A_1436 = tpu.memref_slice %arg4[%dma_wait3A_1425, %dma_wait3A_1434, %dma_wait3A_1435] : memref<2x224x224xf32, #tpu.memory_space<vmem>> -> memref<1x224x224xf32, #tpu.memory_space<vmem>>
    %dma_wait3A_1437 = tpu.memref_squeeze %dma_wait3A_1436 : memref<1x224x224xf32, #tpu.memory_space<vmem>> -> memref<224x224xf32, #tpu.memory_space<vmem>>
    %dma_wait3A_1438 = arith.constant 0 : i32
    %dma_wait3A_1439 = arith.constant 0 : i32
    %dma_wait3A_1440 = tpu.memref_slice %arg2[%select_n3A_1227, %select_n3A_1199, %dma_wait3A_1438, %dma_wait3A_1439] : memref<300x3x224x224xf32, #tpu.memory_space<hbm>> -> memref<1x1x224x224xf32, #tpu.memory_space<hbm>>
    %dma_wait3A_1441 = tpu.memref_squeeze %dma_wait3A_1440 : memref<1x1x224x224xf32, #tpu.memory_space<hbm>> -> memref<224x224xf32, #tpu.memory_space<hbm>>
    tpu.wait_dma2 semaphore(%arg6 : memref<!tpu.dma_semaphore, #tpu.memory_space<semaphore_mem>>) src(%dma_wait3A_1441 : memref<224x224xf32, #tpu.memory_space<hbm>>) dst(%dma_wait3A_1437 : memref<224x224xf32, #tpu.memory_space<vmem>>)
    %add3A_1442 = arith.constant 7 : i32
    %add3A_1443 = arith.addi %mul3A_2, %add3A_1442 : i32
    %jit3A_1444 = arith.constant 3 : i32
    %div3A_1445 = arith.divsi %add3A_1443, %jit3A_1444 : i32
    %sign3A_1446 = arith.constant 0 : i32
    %sign3A_1447 = arith.cmpi sgt, %add3A_1443, %sign3A_1446 : i32
    %sign3A_1448 = arith.extui %sign3A_1447 : i1 to i32
    %sign3A_1449 = arith.constant 0 : i32
    %sign3A_1450 = arith.cmpi slt, %add3A_1443, %sign3A_1449 : i32
    %sign3A_1451 = arith.extui %sign3A_1450 : i1 to i32
    %sign3A_1452 = arith.subi %sign3A_1448, %sign3A_1451 : i32
    %sign3A_1453 = arith.constant 0 : i32
    %sign3A_1454 = arith.cmpi sgt, %jit3A_1444, %sign3A_1453 : i32
    %sign3A_1455 = arith.extui %sign3A_1454 : i1 to i32
    %sign3A_1456 = arith.constant 0 : i32
    %sign3A_1457 = arith.cmpi slt, %jit3A_1444, %sign3A_1456 : i32
    %sign3A_1458 = arith.extui %sign3A_1457 : i1 to i32
    %sign3A_1459 = arith.subi %sign3A_1455, %sign3A_1458 : i32
    %ne3A_1460 = arith.cmpi ne, %sign3A_1452, %sign3A_1459 : i32
    %rem3A_1461 = arith.remsi %add3A_1443, %jit3A_1444 : i32
    %ne3A_1462 = arith.constant 0 : i32
    %ne3A_1463 = arith.cmpi ne, %rem3A_1461, %ne3A_1462 : i32
    %and3A_1464 = arith.andi %ne3A_1460, %ne3A_1463 : i1
    %sub3A_1465 = arith.constant 1 : i32
    %sub3A_1466 = arith.subi %div3A_1445, %sub3A_1465 : i32
    %select_n3A_1467 = arith.select %and3A_1464, %sub3A_1466, %div3A_1445 : i32
    %jit3A_1468 = arith.constant 3 : i32
    %eq3A_1469 = arith.constant 0 : i32
    %eq3A_1470 = arith.cmpi eq, %jit3A_1468, %eq3A_1469 : i32
    %jit3A_1471 = arith.constant 1 : i32
    %select_n3A_1472 = arith.select %eq3A_1470, %jit3A_1471, %jit3A_1468 : i32
    %rem3A_1473 = arith.remsi %add3A_1443, %select_n3A_1472 : i32
    %ne3A_1474 = arith.constant 0 : i32
    %ne3A_1475 = arith.cmpi ne, %rem3A_1473, %ne3A_1474 : i32
    %lt3A_1476 = arith.constant 0 : i32
    %lt3A_1477 = arith.cmpi slt, %rem3A_1473, %lt3A_1476 : i32
    %lt3A_1478 = arith.constant 0 : i32
    %lt3A_1479 = arith.cmpi slt, %select_n3A_1472, %lt3A_1478 : i32
    %ne3A_1480 = arith.xori %lt3A_1477, %lt3A_1479 : i1
    %and3A_1481 = arith.andi %ne3A_1480, %ne3A_1475 : i1
    %add3A_1482 = arith.addi %rem3A_1473, %select_n3A_1472 : i32
    %select_n3A_1483 = arith.select %and3A_1481, %add3A_1482, %rem3A_1473 : i32
    %dma_start3A_1484 = arith.constant 1 : i32
    %dma_start3A_1485 = arith.constant 0 : i32
    %dma_start3A_1486 = arith.constant 0 : i32
    %dma_start3A_1487 = tpu.memref_slice %arg4[%dma_start3A_1484, %dma_start3A_1485, %dma_start3A_1486] : memref<2x224x224xf32, #tpu.memory_space<vmem>> -> memref<1x224x224xf32, #tpu.memory_space<vmem>>
    %dma_start3A_1488 = tpu.memref_squeeze %dma_start3A_1487 : memref<1x224x224xf32, #tpu.memory_space<vmem>> -> memref<224x224xf32, #tpu.memory_space<vmem>>
    %dma_start3A_1489 = arith.constant 0 : i32
    %dma_start3A_1490 = arith.constant 0 : i32
    %dma_start3A_1491 = tpu.memref_slice %arg3[%select_n3A_1467, %select_n3A_1483, %dma_start3A_1489, %dma_start3A_1490] : memref<128x3x224x224xf32, #tpu.memory_space<hbm>> -> memref<1x1x224x224xf32, #tpu.memory_space<hbm>>
    %dma_start3A_1492 = tpu.memref_squeeze %dma_start3A_1491 : memref<1x1x224x224xf32, #tpu.memory_space<hbm>> -> memref<224x224xf32, #tpu.memory_space<hbm>>
    %dma_start3A_1493 = arith.constant 0 : i32
    %dma_start3A_1494 = arith.constant 0 : i32
    %dma_start3A_1495 = tpu.memref_slice %arg3[%select_n3A_1467, %select_n3A_1483, %dma_start3A_1493, %dma_start3A_1494] : memref<128x3x224x224xf32, #tpu.memory_space<hbm>> -> memref<1x1x224x224xf32, #tpu.memory_space<hbm>>
    %dma_start3A_1496 = tpu.memref_squeeze %dma_start3A_1495 : memref<1x1x224x224xf32, #tpu.memory_space<hbm>> -> memref<224x224xf32, #tpu.memory_space<hbm>>
    %dma_start3A_1497 = arith.constant 0 : i32
    %dma_start3A_1498 = arith.constant 0 : i32
    %dma_start3A_1499 = tpu.memref_slice %arg4[%dma_start3A_1484, %dma_start3A_1497, %dma_start3A_1498] : memref<2x224x224xf32, #tpu.memory_space<vmem>> -> memref<1x224x224xf32, #tpu.memory_space<vmem>>
    %dma_start3A_1500 = tpu.memref_squeeze %dma_start3A_1499 : memref<1x224x224xf32, #tpu.memory_space<vmem>> -> memref<224x224xf32, #tpu.memory_space<vmem>>
    tpu.enqueue_dma source(%dma_start3A_1500 : memref<224x224xf32, #tpu.memory_space<vmem>>) target(%dma_start3A_1496 : memref<224x224xf32, #tpu.memory_space<hbm>>) target_semaphore(%arg8 : memref<!tpu.dma_semaphore, #tpu.memory_space<semaphore_mem>>)
    %dma_wait3A_1501 = arith.constant 1 : i32
    %dma_wait3A_1502 = arith.constant 0 : i32
    %dma_wait3A_1503 = arith.constant 0 : i32
    %dma_wait3A_1504 = tpu.memref_slice %arg4[%dma_wait3A_1501, %dma_wait3A_1502, %dma_wait3A_1503] : memref<2x224x224xf32, #tpu.memory_space<vmem>> -> memref<1x224x224xf32, #tpu.memory_space<vmem>>
    %dma_wait3A_1505 = tpu.memref_squeeze %dma_wait3A_1504 : memref<1x224x224xf32, #tpu.memory_space<vmem>> -> memref<224x224xf32, #tpu.memory_space<vmem>>
    %dma_wait3A_1506 = arith.constant 0 : i32
    %dma_wait3A_1507 = arith.constant 0 : i32
    %dma_wait3A_1508 = tpu.memref_slice %arg3[%select_n3A_1467, %select_n3A_1483, %dma_wait3A_1506, %dma_wait3A_1507] : memref<128x3x224x224xf32, #tpu.memory_space<hbm>> -> memref<1x1x224x224xf32, #tpu.memory_space<hbm>>
    %dma_wait3A_1509 = tpu.memref_squeeze %dma_wait3A_1508 : memref<1x1x224x224xf32, #tpu.memory_space<hbm>> -> memref<224x224xf32, #tpu.memory_space<hbm>>
    %dma_wait3A_1510 = arith.constant 0 : i32
    %dma_wait3A_1511 = arith.constant 0 : i32
    %dma_wait3A_1512 = tpu.memref_slice %arg3[%select_n3A_1467, %select_n3A_1483, %dma_wait3A_1510, %dma_wait3A_1511] : memref<128x3x224x224xf32, #tpu.memory_space<hbm>> -> memref<1x1x224x224xf32, #tpu.memory_space<hbm>>
    %dma_wait3A_1513 = tpu.memref_squeeze %dma_wait3A_1512 : memref<1x1x224x224xf32, #tpu.memory_space<hbm>> -> memref<224x224xf32, #tpu.memory_space<hbm>>
    %dma_wait3A_1514 = arith.constant 0 : i32
    %dma_wait3A_1515 = arith.constant 0 : i32
    %dma_wait3A_1516 = tpu.memref_slice %arg4[%dma_wait3A_1501, %dma_wait3A_1514, %dma_wait3A_1515] : memref<2x224x224xf32, #tpu.memory_space<vmem>> -> memref<1x224x224xf32, #tpu.memory_space<vmem>>
    %dma_wait3A_1517 = tpu.memref_squeeze %dma_wait3A_1516 : memref<1x224x224xf32, #tpu.memory_space<vmem>> -> memref<224x224xf32, #tpu.memory_space<vmem>>
    tpu.wait_dma2 semaphore(%arg8 : memref<!tpu.dma_semaphore, #tpu.memory_space<semaphore_mem>>) src(%dma_wait3A_1517 : memref<224x224xf32, #tpu.memory_space<vmem>>) dst(%dma_wait3A_1513 : memref<224x224xf32, #tpu.memory_space<hbm>>)
    %add3A_1518 = arith.constant 9 : i32
    %add3A_1519 = arith.addi %mul3A_2, %add3A_1518 : i32
    %jit3A_1520 = arith.constant 3 : i32
    %div3A_1521 = arith.divsi %add3A_1519, %jit3A_1520 : i32
    %sign3A_1522 = arith.constant 0 : i32
    %sign3A_1523 = arith.cmpi sgt, %add3A_1519, %sign3A_1522 : i32
    %sign3A_1524 = arith.extui %sign3A_1523 : i1 to i32
    %sign3A_1525 = arith.constant 0 : i32
    %sign3A_1526 = arith.cmpi slt, %add3A_1519, %sign3A_1525 : i32
    %sign3A_1527 = arith.extui %sign3A_1526 : i1 to i32
    %sign3A_1528 = arith.subi %sign3A_1524, %sign3A_1527 : i32
    %sign3A_1529 = arith.constant 0 : i32
    %sign3A_1530 = arith.cmpi sgt, %jit3A_1520, %sign3A_1529 : i32
    %sign3A_1531 = arith.extui %sign3A_1530 : i1 to i32
    %sign3A_1532 = arith.constant 0 : i32
    %sign3A_1533 = arith.cmpi slt, %jit3A_1520, %sign3A_1532 : i32
    %sign3A_1534 = arith.extui %sign3A_1533 : i1 to i32
    %sign3A_1535 = arith.subi %sign3A_1531, %sign3A_1534 : i32
    %ne3A_1536 = arith.cmpi ne, %sign3A_1528, %sign3A_1535 : i32
    %rem3A_1537 = arith.remsi %add3A_1519, %jit3A_1520 : i32
    %ne3A_1538 = arith.constant 0 : i32
    %ne3A_1539 = arith.cmpi ne, %rem3A_1537, %ne3A_1538 : i32
    %and3A_1540 = arith.andi %ne3A_1536, %ne3A_1539 : i1
    %sub3A_1541 = arith.constant 1 : i32
    %sub3A_1542 = arith.subi %div3A_1521, %sub3A_1541 : i32
    %select_n3A_1543 = arith.select %and3A_1540, %sub3A_1542, %div3A_1521 : i32
    %jit3A_1544 = arith.constant 3 : i32
    %eq3A_1545 = arith.constant 0 : i32
    %eq3A_1546 = arith.cmpi eq, %jit3A_1544, %eq3A_1545 : i32
    %jit3A_1547 = arith.constant 1 : i32
    %select_n3A_1548 = arith.select %eq3A_1546, %jit3A_1547, %jit3A_1544 : i32
    %rem3A_1549 = arith.remsi %add3A_1519, %select_n3A_1548 : i32
    %ne3A_1550 = arith.constant 0 : i32
    %ne3A_1551 = arith.cmpi ne, %rem3A_1549, %ne3A_1550 : i32
    %lt3A_1552 = arith.constant 0 : i32
    %lt3A_1553 = arith.cmpi slt, %rem3A_1549, %lt3A_1552 : i32
    %lt3A_1554 = arith.constant 0 : i32
    %lt3A_1555 = arith.cmpi slt, %select_n3A_1548, %lt3A_1554 : i32
    %ne3A_1556 = arith.xori %lt3A_1553, %lt3A_1555 : i1
    %and3A_1557 = arith.andi %ne3A_1556, %ne3A_1551 : i1
    %add3A_1558 = arith.addi %rem3A_1549, %select_n3A_1548 : i32
    %select_n3A_1559 = arith.select %and3A_1557, %add3A_1558, %rem3A_1549 : i32
    %mul3A_1560 = arith.constant 598 : i32
    %mul3A_1561 = arith.muli %select_n3A_1543, %mul3A_1560 : i32
    %add3A_1562 = arith.constant 127 : i32
    %add3A_1563 = arith.addi %mul3A_1561, %add3A_1562 : i32
    %jit3A_1564 = arith.constant 254 : i32
    %div3A_1565 = arith.divsi %add3A_1563, %jit3A_1564 : i32
    %sign3A_1566 = arith.constant 0 : i32
    %sign3A_1567 = arith.cmpi sgt, %add3A_1563, %sign3A_1566 : i32
    %sign3A_1568 = arith.extui %sign3A_1567 : i1 to i32
    %sign3A_1569 = arith.constant 0 : i32
    %sign3A_1570 = arith.cmpi slt, %add3A_1563, %sign3A_1569 : i32
    %sign3A_1571 = arith.extui %sign3A_1570 : i1 to i32
    %sign3A_1572 = arith.subi %sign3A_1568, %sign3A_1571 : i32
    %sign3A_1573 = arith.constant 0 : i32
    %sign3A_1574 = arith.cmpi sgt, %jit3A_1564, %sign3A_1573 : i32
    %sign3A_1575 = arith.extui %sign3A_1574 : i1 to i32
    %sign3A_1576 = arith.constant 0 : i32
    %sign3A_1577 = arith.cmpi slt, %jit3A_1564, %sign3A_1576 : i32
    %sign3A_1578 = arith.extui %sign3A_1577 : i1 to i32
    %sign3A_1579 = arith.subi %sign3A_1575, %sign3A_1578 : i32
    %ne3A_1580 = arith.cmpi ne, %sign3A_1572, %sign3A_1579 : i32
    %rem3A_1581 = arith.remsi %add3A_1563, %jit3A_1564 : i32
    %ne3A_1582 = arith.constant 0 : i32
    %ne3A_1583 = arith.cmpi ne, %rem3A_1581, %ne3A_1582 : i32
    %and3A_1584 = arith.andi %ne3A_1580, %ne3A_1583 : i1
    %sub3A_1585 = arith.constant 1 : i32
    %sub3A_1586 = arith.subi %div3A_1565, %sub3A_1585 : i32
    %select_n3A_1587 = arith.select %and3A_1584, %sub3A_1586, %div3A_1565 : i32
    %dma_start3A_1588 = arith.constant 1 : i32
    %dma_start3A_1589 = arith.constant 0 : i32
    %dma_start3A_1590 = arith.constant 0 : i32
    %dma_start3A_1591 = tpu.memref_slice %arg4[%dma_start3A_1588, %dma_start3A_1589, %dma_start3A_1590] : memref<2x224x224xf32, #tpu.memory_space<vmem>> -> memref<1x224x224xf32, #tpu.memory_space<vmem>>
    %dma_start3A_1592 = tpu.memref_squeeze %dma_start3A_1591 : memref<1x224x224xf32, #tpu.memory_space<vmem>> -> memref<224x224xf32, #tpu.memory_space<vmem>>
    %dma_start3A_1593 = arith.constant 0 : i32
    %dma_start3A_1594 = arith.constant 0 : i32
    %dma_start3A_1595 = tpu.memref_slice %arg2[%select_n3A_1587, %select_n3A_1559, %dma_start3A_1593, %dma_start3A_1594] : memref<300x3x224x224xf32, #tpu.memory_space<hbm>> -> memref<1x1x224x224xf32, #tpu.memory_space<hbm>>
    %dma_start3A_1596 = tpu.memref_squeeze %dma_start3A_1595 : memref<1x1x224x224xf32, #tpu.memory_space<hbm>> -> memref<224x224xf32, #tpu.memory_space<hbm>>
    %dma_start3A_1597 = arith.constant 0 : i32
    %dma_start3A_1598 = arith.constant 0 : i32
    %dma_start3A_1599 = tpu.memref_slice %arg4[%dma_start3A_1588, %dma_start3A_1597, %dma_start3A_1598] : memref<2x224x224xf32, #tpu.memory_space<vmem>> -> memref<1x224x224xf32, #tpu.memory_space<vmem>>
    %dma_start3A_1600 = tpu.memref_squeeze %dma_start3A_1599 : memref<1x224x224xf32, #tpu.memory_space<vmem>> -> memref<224x224xf32, #tpu.memory_space<vmem>>
    %dma_start3A_1601 = arith.constant 0 : i32
    %dma_start3A_1602 = arith.constant 0 : i32
    %dma_start3A_1603 = tpu.memref_slice %arg2[%select_n3A_1587, %select_n3A_1559, %dma_start3A_1601, %dma_start3A_1602] : memref<300x3x224x224xf32, #tpu.memory_space<hbm>> -> memref<1x1x224x224xf32, #tpu.memory_space<hbm>>
    %dma_start3A_1604 = tpu.memref_squeeze %dma_start3A_1603 : memref<1x1x224x224xf32, #tpu.memory_space<hbm>> -> memref<224x224xf32, #tpu.memory_space<hbm>>
    tpu.enqueue_dma source(%dma_start3A_1604 : memref<224x224xf32, #tpu.memory_space<hbm>>) target(%dma_start3A_1600 : memref<224x224xf32, #tpu.memory_space<vmem>>) target_semaphore(%arg6 : memref<!tpu.dma_semaphore, #tpu.memory_space<semaphore_mem>>)
    %dma_wait3A_1605 = arith.constant 0 : i32
    %dma_wait3A_1606 = arith.constant 0 : i32
    %dma_wait3A_1607 = arith.constant 0 : i32
    %dma_wait3A_1608 = tpu.memref_slice %arg4[%dma_wait3A_1605, %dma_wait3A_1606, %dma_wait3A_1607] : memref<2x224x224xf32, #tpu.memory_space<vmem>> -> memref<1x224x224xf32, #tpu.memory_space<vmem>>
    %dma_wait3A_1609 = tpu.memref_squeeze %dma_wait3A_1608 : memref<1x224x224xf32, #tpu.memory_space<vmem>> -> memref<224x224xf32, #tpu.memory_space<vmem>>
    %dma_wait3A_1610 = arith.constant 0 : i32
    %dma_wait3A_1611 = arith.constant 0 : i32
    %dma_wait3A_1612 = tpu.memref_slice %arg2[%select_n3A_1407, %select_n3A_1379, %dma_wait3A_1610, %dma_wait3A_1611] : memref<300x3x224x224xf32, #tpu.memory_space<hbm>> -> memref<1x1x224x224xf32, #tpu.memory_space<hbm>>
    %dma_wait3A_1613 = tpu.memref_squeeze %dma_wait3A_1612 : memref<1x1x224x224xf32, #tpu.memory_space<hbm>> -> memref<224x224xf32, #tpu.memory_space<hbm>>
    %dma_wait3A_1614 = arith.constant 0 : i32
    %dma_wait3A_1615 = arith.constant 0 : i32
    %dma_wait3A_1616 = tpu.memref_slice %arg4[%dma_wait3A_1605, %dma_wait3A_1614, %dma_wait3A_1615] : memref<2x224x224xf32, #tpu.memory_space<vmem>> -> memref<1x224x224xf32, #tpu.memory_space<vmem>>
    %dma_wait3A_1617 = tpu.memref_squeeze %dma_wait3A_1616 : memref<1x224x224xf32, #tpu.memory_space<vmem>> -> memref<224x224xf32, #tpu.memory_space<vmem>>
    %dma_wait3A_1618 = arith.constant 0 : i32
    %dma_wait3A_1619 = arith.constant 0 : i32
    %dma_wait3A_1620 = tpu.memref_slice %arg2[%select_n3A_1407, %select_n3A_1379, %dma_wait3A_1618, %dma_wait3A_1619] : memref<300x3x224x224xf32, #tpu.memory_space<hbm>> -> memref<1x1x224x224xf32, #tpu.memory_space<hbm>>
    %dma_wait3A_1621 = tpu.memref_squeeze %dma_wait3A_1620 : memref<1x1x224x224xf32, #tpu.memory_space<hbm>> -> memref<224x224xf32, #tpu.memory_space<hbm>>
    tpu.wait_dma2 semaphore(%arg5 : memref<!tpu.dma_semaphore, #tpu.memory_space<semaphore_mem>>) src(%dma_wait3A_1621 : memref<224x224xf32, #tpu.memory_space<hbm>>) dst(%dma_wait3A_1617 : memref<224x224xf32, #tpu.memory_space<vmem>>)
    %add3A_1622 = arith.constant 8 : i32
    %add3A_1623 = arith.addi %mul3A_2, %add3A_1622 : i32
    %jit3A_1624 = arith.constant 3 : i32
    %div3A_1625 = arith.divsi %add3A_1623, %jit3A_1624 : i32
    %sign3A_1626 = arith.constant 0 : i32
    %sign3A_1627 = arith.cmpi sgt, %add3A_1623, %sign3A_1626 : i32
    %sign3A_1628 = arith.extui %sign3A_1627 : i1 to i32
    %sign3A_1629 = arith.constant 0 : i32
    %sign3A_1630 = arith.cmpi slt, %add3A_1623, %sign3A_1629 : i32
    %sign3A_1631 = arith.extui %sign3A_1630 : i1 to i32
    %sign3A_1632 = arith.subi %sign3A_1628, %sign3A_1631 : i32
    %sign3A_1633 = arith.constant 0 : i32
    %sign3A_1634 = arith.cmpi sgt, %jit3A_1624, %sign3A_1633 : i32
    %sign3A_1635 = arith.extui %sign3A_1634 : i1 to i32
    %sign3A_1636 = arith.constant 0 : i32
    %sign3A_1637 = arith.cmpi slt, %jit3A_1624, %sign3A_1636 : i32
    %sign3A_1638 = arith.extui %sign3A_1637 : i1 to i32
    %sign3A_1639 = arith.subi %sign3A_1635, %sign3A_1638 : i32
    %ne3A_1640 = arith.cmpi ne, %sign3A_1632, %sign3A_1639 : i32
    %rem3A_1641 = arith.remsi %add3A_1623, %jit3A_1624 : i32
    %ne3A_1642 = arith.constant 0 : i32
    %ne3A_1643 = arith.cmpi ne, %rem3A_1641, %ne3A_1642 : i32
    %and3A_1644 = arith.andi %ne3A_1640, %ne3A_1643 : i1
    %sub3A_1645 = arith.constant 1 : i32
    %sub3A_1646 = arith.subi %div3A_1625, %sub3A_1645 : i32
    %select_n3A_1647 = arith.select %and3A_1644, %sub3A_1646, %div3A_1625 : i32
    %jit3A_1648 = arith.constant 3 : i32
    %eq3A_1649 = arith.constant 0 : i32
    %eq3A_1650 = arith.cmpi eq, %jit3A_1648, %eq3A_1649 : i32
    %jit3A_1651 = arith.constant 1 : i32
    %select_n3A_1652 = arith.select %eq3A_1650, %jit3A_1651, %jit3A_1648 : i32
    %rem3A_1653 = arith.remsi %add3A_1623, %select_n3A_1652 : i32
    %ne3A_1654 = arith.constant 0 : i32
    %ne3A_1655 = arith.cmpi ne, %rem3A_1653, %ne3A_1654 : i32
    %lt3A_1656 = arith.constant 0 : i32
    %lt3A_1657 = arith.cmpi slt, %rem3A_1653, %lt3A_1656 : i32
    %lt3A_1658 = arith.constant 0 : i32
    %lt3A_1659 = arith.cmpi slt, %select_n3A_1652, %lt3A_1658 : i32
    %ne3A_1660 = arith.xori %lt3A_1657, %lt3A_1659 : i1
    %and3A_1661 = arith.andi %ne3A_1660, %ne3A_1655 : i1
    %add3A_1662 = arith.addi %rem3A_1653, %select_n3A_1652 : i32
    %select_n3A_1663 = arith.select %and3A_1661, %add3A_1662, %rem3A_1653 : i32
    %dma_start3A_1664 = arith.constant 0 : i32
    %dma_start3A_1665 = arith.constant 0 : i32
    %dma_start3A_1666 = arith.constant 0 : i32
    %dma_start3A_1667 = tpu.memref_slice %arg4[%dma_start3A_1664, %dma_start3A_1665, %dma_start3A_1666] : memref<2x224x224xf32, #tpu.memory_space<vmem>> -> memref<1x224x224xf32, #tpu.memory_space<vmem>>
    %dma_start3A_1668 = tpu.memref_squeeze %dma_start3A_1667 : memref<1x224x224xf32, #tpu.memory_space<vmem>> -> memref<224x224xf32, #tpu.memory_space<vmem>>
    %dma_start3A_1669 = arith.constant 0 : i32
    %dma_start3A_1670 = arith.constant 0 : i32
    %dma_start3A_1671 = tpu.memref_slice %arg3[%select_n3A_1647, %select_n3A_1663, %dma_start3A_1669, %dma_start3A_1670] : memref<128x3x224x224xf32, #tpu.memory_space<hbm>> -> memref<1x1x224x224xf32, #tpu.memory_space<hbm>>
    %dma_start3A_1672 = tpu.memref_squeeze %dma_start3A_1671 : memref<1x1x224x224xf32, #tpu.memory_space<hbm>> -> memref<224x224xf32, #tpu.memory_space<hbm>>
    %dma_start3A_1673 = arith.constant 0 : i32
    %dma_start3A_1674 = arith.constant 0 : i32
    %dma_start3A_1675 = tpu.memref_slice %arg3[%select_n3A_1647, %select_n3A_1663, %dma_start3A_1673, %dma_start3A_1674] : memref<128x3x224x224xf32, #tpu.memory_space<hbm>> -> memref<1x1x224x224xf32, #tpu.memory_space<hbm>>
    %dma_start3A_1676 = tpu.memref_squeeze %dma_start3A_1675 : memref<1x1x224x224xf32, #tpu.memory_space<hbm>> -> memref<224x224xf32, #tpu.memory_space<hbm>>
    %dma_start3A_1677 = arith.constant 0 : i32
    %dma_start3A_1678 = arith.constant 0 : i32
    %dma_start3A_1679 = tpu.memref_slice %arg4[%dma_start3A_1664, %dma_start3A_1677, %dma_start3A_1678] : memref<2x224x224xf32, #tpu.memory_space<vmem>> -> memref<1x224x224xf32, #tpu.memory_space<vmem>>
    %dma_start3A_1680 = tpu.memref_squeeze %dma_start3A_1679 : memref<1x224x224xf32, #tpu.memory_space<vmem>> -> memref<224x224xf32, #tpu.memory_space<vmem>>
    tpu.enqueue_dma source(%dma_start3A_1680 : memref<224x224xf32, #tpu.memory_space<vmem>>) target(%dma_start3A_1676 : memref<224x224xf32, #tpu.memory_space<hbm>>) target_semaphore(%arg7 : memref<!tpu.dma_semaphore, #tpu.memory_space<semaphore_mem>>)
    %dma_wait3A_1681 = arith.constant 0 : i32
    %dma_wait3A_1682 = arith.constant 0 : i32
    %dma_wait3A_1683 = arith.constant 0 : i32
    %dma_wait3A_1684 = tpu.memref_slice %arg4[%dma_wait3A_1681, %dma_wait3A_1682, %dma_wait3A_1683] : memref<2x224x224xf32, #tpu.memory_space<vmem>> -> memref<1x224x224xf32, #tpu.memory_space<vmem>>
    %dma_wait3A_1685 = tpu.memref_squeeze %dma_wait3A_1684 : memref<1x224x224xf32, #tpu.memory_space<vmem>> -> memref<224x224xf32, #tpu.memory_space<vmem>>
    %dma_wait3A_1686 = arith.constant 0 : i32
    %dma_wait3A_1687 = arith.constant 0 : i32
    %dma_wait3A_1688 = tpu.memref_slice %arg3[%select_n3A_1647, %select_n3A_1663, %dma_wait3A_1686, %dma_wait3A_1687] : memref<128x3x224x224xf32, #tpu.memory_space<hbm>> -> memref<1x1x224x224xf32, #tpu.memory_space<hbm>>
    %dma_wait3A_1689 = tpu.memref_squeeze %dma_wait3A_1688 : memref<1x1x224x224xf32, #tpu.memory_space<hbm>> -> memref<224x224xf32, #tpu.memory_space<hbm>>
    %dma_wait3A_1690 = arith.constant 0 : i32
    %dma_wait3A_1691 = arith.constant 0 : i32
    %dma_wait3A_1692 = tpu.memref_slice %arg3[%select_n3A_1647, %select_n3A_1663, %dma_wait3A_1690, %dma_wait3A_1691] : memref<128x3x224x224xf32, #tpu.memory_space<hbm>> -> memref<1x1x224x224xf32, #tpu.memory_space<hbm>>
    %dma_wait3A_1693 = tpu.memref_squeeze %dma_wait3A_1692 : memref<1x1x224x224xf32, #tpu.memory_space<hbm>> -> memref<224x224xf32, #tpu.memory_space<hbm>>
    %dma_wait3A_1694 = arith.constant 0 : i32
    %dma_wait3A_1695 = arith.constant 0 : i32
    %dma_wait3A_1696 = tpu.memref_slice %arg4[%dma_wait3A_1681, %dma_wait3A_1694, %dma_wait3A_1695] : memref<2x224x224xf32, #tpu.memory_space<vmem>> -> memref<1x224x224xf32, #tpu.memory_space<vmem>>
    %dma_wait3A_1697 = tpu.memref_squeeze %dma_wait3A_1696 : memref<1x224x224xf32, #tpu.memory_space<vmem>> -> memref<224x224xf32, #tpu.memory_space<vmem>>
    tpu.wait_dma2 semaphore(%arg7 : memref<!tpu.dma_semaphore, #tpu.memory_space<semaphore_mem>>) src(%dma_wait3A_1697 : memref<224x224xf32, #tpu.memory_space<vmem>>) dst(%dma_wait3A_1693 : memref<224x224xf32, #tpu.memory_space<hbm>>)
    %add3A_1698 = arith.constant 10 : i32
    %add3A_1699 = arith.addi %mul3A_2, %add3A_1698 : i32
    %jit3A_1700 = arith.constant 3 : i32
    %div3A_1701 = arith.divsi %add3A_1699, %jit3A_1700 : i32
    %sign3A_1702 = arith.constant 0 : i32
    %sign3A_1703 = arith.cmpi sgt, %add3A_1699, %sign3A_1702 : i32
    %sign3A_1704 = arith.extui %sign3A_1703 : i1 to i32
    %sign3A_1705 = arith.constant 0 : i32
    %sign3A_1706 = arith.cmpi slt, %add3A_1699, %sign3A_1705 : i32
    %sign3A_1707 = arith.extui %sign3A_1706 : i1 to i32
    %sign3A_1708 = arith.subi %sign3A_1704, %sign3A_1707 : i32
    %sign3A_1709 = arith.constant 0 : i32
    %sign3A_1710 = arith.cmpi sgt, %jit3A_1700, %sign3A_1709 : i32
    %sign3A_1711 = arith.extui %sign3A_1710 : i1 to i32
    %sign3A_1712 = arith.constant 0 : i32
    %sign3A_1713 = arith.cmpi slt, %jit3A_1700, %sign3A_1712 : i32
    %sign3A_1714 = arith.extui %sign3A_1713 : i1 to i32
    %sign3A_1715 = arith.subi %sign3A_1711, %sign3A_1714 : i32
    %ne3A_1716 = arith.cmpi ne, %sign3A_1708, %sign3A_1715 : i32
    %rem3A_1717 = arith.remsi %add3A_1699, %jit3A_1700 : i32
    %ne3A_1718 = arith.constant 0 : i32
    %ne3A_1719 = arith.cmpi ne, %rem3A_1717, %ne3A_1718 : i32
    %and3A_1720 = arith.andi %ne3A_1716, %ne3A_1719 : i1
    %sub3A_1721 = arith.constant 1 : i32
    %sub3A_1722 = arith.subi %div3A_1701, %sub3A_1721 : i32
    %select_n3A_1723 = arith.select %and3A_1720, %sub3A_1722, %div3A_1701 : i32
    %jit3A_1724 = arith.constant 3 : i32
    %eq3A_1725 = arith.constant 0 : i32
    %eq3A_1726 = arith.cmpi eq, %jit3A_1724, %eq3A_1725 : i32
    %jit3A_1727 = arith.constant 1 : i32
    %select_n3A_1728 = arith.select %eq3A_1726, %jit3A_1727, %jit3A_1724 : i32
    %rem3A_1729 = arith.remsi %add3A_1699, %select_n3A_1728 : i32
    %ne3A_1730 = arith.constant 0 : i32
    %ne3A_1731 = arith.cmpi ne, %rem3A_1729, %ne3A_1730 : i32
    %lt3A_1732 = arith.constant 0 : i32
    %lt3A_1733 = arith.cmpi slt, %rem3A_1729, %lt3A_1732 : i32
    %lt3A_1734 = arith.constant 0 : i32
    %lt3A_1735 = arith.cmpi slt, %select_n3A_1728, %lt3A_1734 : i32
    %ne3A_1736 = arith.xori %lt3A_1733, %lt3A_1735 : i1
    %and3A_1737 = arith.andi %ne3A_1736, %ne3A_1731 : i1
    %add3A_1738 = arith.addi %rem3A_1729, %select_n3A_1728 : i32
    %select_n3A_1739 = arith.select %and3A_1737, %add3A_1738, %rem3A_1729 : i32
    %mul3A_1740 = arith.constant 598 : i32
    %mul3A_1741 = arith.muli %select_n3A_1723, %mul3A_1740 : i32
    %add3A_1742 = arith.constant 127 : i32
    %add3A_1743 = arith.addi %mul3A_1741, %add3A_1742 : i32
    %jit3A_1744 = arith.constant 254 : i32
    %div3A_1745 = arith.divsi %add3A_1743, %jit3A_1744 : i32
    %sign3A_1746 = arith.constant 0 : i32
    %sign3A_1747 = arith.cmpi sgt, %add3A_1743, %sign3A_1746 : i32
    %sign3A_1748 = arith.extui %sign3A_1747 : i1 to i32
    %sign3A_1749 = arith.constant 0 : i32
    %sign3A_1750 = arith.cmpi slt, %add3A_1743, %sign3A_1749 : i32
    %sign3A_1751 = arith.extui %sign3A_1750 : i1 to i32
    %sign3A_1752 = arith.subi %sign3A_1748, %sign3A_1751 : i32
    %sign3A_1753 = arith.constant 0 : i32
    %sign3A_1754 = arith.cmpi sgt, %jit3A_1744, %sign3A_1753 : i32
    %sign3A_1755 = arith.extui %sign3A_1754 : i1 to i32
    %sign3A_1756 = arith.constant 0 : i32
    %sign3A_1757 = arith.cmpi slt, %jit3A_1744, %sign3A_1756 : i32
    %sign3A_1758 = arith.extui %sign3A_1757 : i1 to i32
    %sign3A_1759 = arith.subi %sign3A_1755, %sign3A_1758 : i32
    %ne3A_1760 = arith.cmpi ne, %sign3A_1752, %sign3A_1759 : i32
    %rem3A_1761 = arith.remsi %add3A_1743, %jit3A_1744 : i32
    %ne3A_1762 = arith.constant 0 : i32
    %ne3A_1763 = arith.cmpi ne, %rem3A_1761, %ne3A_1762 : i32
    %and3A_1764 = arith.andi %ne3A_1760, %ne3A_1763 : i1
    %sub3A_1765 = arith.constant 1 : i32
    %sub3A_1766 = arith.subi %div3A_1745, %sub3A_1765 : i32
    %select_n3A_1767 = arith.select %and3A_1764, %sub3A_1766, %div3A_1745 : i32
    %dma_start3A_1768 = arith.constant 0 : i32
    %dma_start3A_1769 = arith.constant 0 : i32
    %dma_start3A_1770 = arith.constant 0 : i32
    %dma_start3A_1771 = tpu.memref_slice %arg4[%dma_start3A_1768, %dma_start3A_1769, %dma_start3A_1770] : memref<2x224x224xf32, #tpu.memory_space<vmem>> -> memref<1x224x224xf32, #tpu.memory_space<vmem>>
    %dma_start3A_1772 = tpu.memref_squeeze %dma_start3A_1771 : memref<1x224x224xf32, #tpu.memory_space<vmem>> -> memref<224x224xf32, #tpu.memory_space<vmem>>
    %dma_start3A_1773 = arith.constant 0 : i32
    %dma_start3A_1774 = arith.constant 0 : i32
    %dma_start3A_1775 = tpu.memref_slice %arg2[%select_n3A_1767, %select_n3A_1739, %dma_start3A_1773, %dma_start3A_1774] : memref<300x3x224x224xf32, #tpu.memory_space<hbm>> -> memref<1x1x224x224xf32, #tpu.memory_space<hbm>>
    %dma_start3A_1776 = tpu.memref_squeeze %dma_start3A_1775 : memref<1x1x224x224xf32, #tpu.memory_space<hbm>> -> memref<224x224xf32, #tpu.memory_space<hbm>>
    %dma_start3A_1777 = arith.constant 0 : i32
    %dma_start3A_1778 = arith.constant 0 : i32
    %dma_start3A_1779 = tpu.memref_slice %arg4[%dma_start3A_1768, %dma_start3A_1777, %dma_start3A_1778] : memref<2x224x224xf32, #tpu.memory_space<vmem>> -> memref<1x224x224xf32, #tpu.memory_space<vmem>>
    %dma_start3A_1780 = tpu.memref_squeeze %dma_start3A_1779 : memref<1x224x224xf32, #tpu.memory_space<vmem>> -> memref<224x224xf32, #tpu.memory_space<vmem>>
    %dma_start3A_1781 = arith.constant 0 : i32
    %dma_start3A_1782 = arith.constant 0 : i32
    %dma_start3A_1783 = tpu.memref_slice %arg2[%select_n3A_1767, %select_n3A_1739, %dma_start3A_1781, %dma_start3A_1782] : memref<300x3x224x224xf32, #tpu.memory_space<hbm>> -> memref<1x1x224x224xf32, #tpu.memory_space<hbm>>
    %dma_start3A_1784 = tpu.memref_squeeze %dma_start3A_1783 : memref<1x1x224x224xf32, #tpu.memory_space<hbm>> -> memref<224x224xf32, #tpu.memory_space<hbm>>
    tpu.enqueue_dma source(%dma_start3A_1784 : memref<224x224xf32, #tpu.memory_space<hbm>>) target(%dma_start3A_1780 : memref<224x224xf32, #tpu.memory_space<vmem>>) target_semaphore(%arg5 : memref<!tpu.dma_semaphore, #tpu.memory_space<semaphore_mem>>)
    %dma_wait3A_1785 = arith.constant 1 : i32
    %dma_wait3A_1786 = arith.constant 0 : i32
    %dma_wait3A_1787 = arith.constant 0 : i32
    %dma_wait3A_1788 = tpu.memref_slice %arg4[%dma_wait3A_1785, %dma_wait3A_1786, %dma_wait3A_1787] : memref<2x224x224xf32, #tpu.memory_space<vmem>> -> memref<1x224x224xf32, #tpu.memory_space<vmem>>
    %dma_wait3A_1789 = tpu.memref_squeeze %dma_wait3A_1788 : memref<1x224x224xf32, #tpu.memory_space<vmem>> -> memref<224x224xf32, #tpu.memory_space<vmem>>
    %dma_wait3A_1790 = arith.constant 0 : i32
    %dma_wait3A_1791 = arith.constant 0 : i32
    %dma_wait3A_1792 = tpu.memref_slice %arg2[%select_n3A_1587, %select_n3A_1559, %dma_wait3A_1790, %dma_wait3A_1791] : memref<300x3x224x224xf32, #tpu.memory_space<hbm>> -> memref<1x1x224x224xf32, #tpu.memory_space<hbm>>
    %dma_wait3A_1793 = tpu.memref_squeeze %dma_wait3A_1792 : memref<1x1x224x224xf32, #tpu.memory_space<hbm>> -> memref<224x224xf32, #tpu.memory_space<hbm>>
    %dma_wait3A_1794 = arith.constant 0 : i32
    %dma_wait3A_1795 = arith.constant 0 : i32
    %dma_wait3A_1796 = tpu.memref_slice %arg4[%dma_wait3A_1785, %dma_wait3A_1794, %dma_wait3A_1795] : memref<2x224x224xf32, #tpu.memory_space<vmem>> -> memref<1x224x224xf32, #tpu.memory_space<vmem>>
    %dma_wait3A_1797 = tpu.memref_squeeze %dma_wait3A_1796 : memref<1x224x224xf32, #tpu.memory_space<vmem>> -> memref<224x224xf32, #tpu.memory_space<vmem>>
    %dma_wait3A_1798 = arith.constant 0 : i32
    %dma_wait3A_1799 = arith.constant 0 : i32
    %dma_wait3A_1800 = tpu.memref_slice %arg2[%select_n3A_1587, %select_n3A_1559, %dma_wait3A_1798, %dma_wait3A_1799] : memref<300x3x224x224xf32, #tpu.memory_space<hbm>> -> memref<1x1x224x224xf32, #tpu.memory_space<hbm>>
    %dma_wait3A_1801 = tpu.memref_squeeze %dma_wait3A_1800 : memref<1x1x224x224xf32, #tpu.memory_space<hbm>> -> memref<224x224xf32, #tpu.memory_space<hbm>>
    tpu.wait_dma2 semaphore(%arg6 : memref<!tpu.dma_semaphore, #tpu.memory_space<semaphore_mem>>) src(%dma_wait3A_1801 : memref<224x224xf32, #tpu.memory_space<hbm>>) dst(%dma_wait3A_1797 : memref<224x224xf32, #tpu.memory_space<vmem>>)
    %add3A_1802 = arith.constant 9 : i32
    %add3A_1803 = arith.addi %mul3A_2, %add3A_1802 : i32
    %jit3A_1804 = arith.constant 3 : i32
    %div3A_1805 = arith.divsi %add3A_1803, %jit3A_1804 : i32
    %sign3A_1806 = arith.constant 0 : i32
    %sign3A_1807 = arith.cmpi sgt, %add3A_1803, %sign3A_1806 : i32
    %sign3A_1808 = arith.extui %sign3A_1807 : i1 to i32
    %sign3A_1809 = arith.constant 0 : i32
    %sign3A_1810 = arith.cmpi slt, %add3A_1803, %sign3A_1809 : i32
    %sign3A_1811 = arith.extui %sign3A_1810 : i1 to i32
    %sign3A_1812 = arith.subi %sign3A_1808, %sign3A_1811 : i32
    %sign3A_1813 = arith.constant 0 : i32
    %sign3A_1814 = arith.cmpi sgt, %jit3A_1804, %sign3A_1813 : i32
    %sign3A_1815 = arith.extui %sign3A_1814 : i1 to i32
    %sign3A_1816 = arith.constant 0 : i32
    %sign3A_1817 = arith.cmpi slt, %jit3A_1804, %sign3A_1816 : i32
    %sign3A_1818 = arith.extui %sign3A_1817 : i1 to i32
    %sign3A_1819 = arith.subi %sign3A_1815, %sign3A_1818 : i32
    %ne3A_1820 = arith.cmpi ne, %sign3A_1812, %sign3A_1819 : i32
    %rem3A_1821 = arith.remsi %add3A_1803, %jit3A_1804 : i32
    %ne3A_1822 = arith.constant 0 : i32
    %ne3A_1823 = arith.cmpi ne, %rem3A_1821, %ne3A_1822 : i32
    %and3A_1824 = arith.andi %ne3A_1820, %ne3A_1823 : i1
    %sub3A_1825 = arith.constant 1 : i32
    %sub3A_1826 = arith.subi %div3A_1805, %sub3A_1825 : i32
    %select_n3A_1827 = arith.select %and3A_1824, %sub3A_1826, %div3A_1805 : i32
    %jit3A_1828 = arith.constant 3 : i32
    %eq3A_1829 = arith.constant 0 : i32
    %eq3A_1830 = arith.cmpi eq, %jit3A_1828, %eq3A_1829 : i32
    %jit3A_1831 = arith.constant 1 : i32
    %select_n3A_1832 = arith.select %eq3A_1830, %jit3A_1831, %jit3A_1828 : i32
    %rem3A_1833 = arith.remsi %add3A_1803, %select_n3A_1832 : i32
    %ne3A_1834 = arith.constant 0 : i32
    %ne3A_1835 = arith.cmpi ne, %rem3A_1833, %ne3A_1834 : i32
    %lt3A_1836 = arith.constant 0 : i32
    %lt3A_1837 = arith.cmpi slt, %rem3A_1833, %lt3A_1836 : i32
    %lt3A_1838 = arith.constant 0 : i32
    %lt3A_1839 = arith.cmpi slt, %select_n3A_1832, %lt3A_1838 : i32
    %ne3A_1840 = arith.xori %lt3A_1837, %lt3A_1839 : i1
    %and3A_1841 = arith.andi %ne3A_1840, %ne3A_1835 : i1
    %add3A_1842 = arith.addi %rem3A_1833, %select_n3A_1832 : i32
    %select_n3A_1843 = arith.select %and3A_1841, %add3A_1842, %rem3A_1833 : i32
    %dma_start3A_1844 = arith.constant 1 : i32
    %dma_start3A_1845 = arith.constant 0 : i32
    %dma_start3A_1846 = arith.constant 0 : i32
    %dma_start3A_1847 = tpu.memref_slice %arg4[%dma_start3A_1844, %dma_start3A_1845, %dma_start3A_1846] : memref<2x224x224xf32, #tpu.memory_space<vmem>> -> memref<1x224x224xf32, #tpu.memory_space<vmem>>
    %dma_start3A_1848 = tpu.memref_squeeze %dma_start3A_1847 : memref<1x224x224xf32, #tpu.memory_space<vmem>> -> memref<224x224xf32, #tpu.memory_space<vmem>>
    %dma_start3A_1849 = arith.constant 0 : i32
    %dma_start3A_1850 = arith.constant 0 : i32
    %dma_start3A_1851 = tpu.memref_slice %arg3[%select_n3A_1827, %select_n3A_1843, %dma_start3A_1849, %dma_start3A_1850] : memref<128x3x224x224xf32, #tpu.memory_space<hbm>> -> memref<1x1x224x224xf32, #tpu.memory_space<hbm>>
    %dma_start3A_1852 = tpu.memref_squeeze %dma_start3A_1851 : memref<1x1x224x224xf32, #tpu.memory_space<hbm>> -> memref<224x224xf32, #tpu.memory_space<hbm>>
    %dma_start3A_1853 = arith.constant 0 : i32
    %dma_start3A_1854 = arith.constant 0 : i32
    %dma_start3A_1855 = tpu.memref_slice %arg3[%select_n3A_1827, %select_n3A_1843, %dma_start3A_1853, %dma_start3A_1854] : memref<128x3x224x224xf32, #tpu.memory_space<hbm>> -> memref<1x1x224x224xf32, #tpu.memory_space<hbm>>
    %dma_start3A_1856 = tpu.memref_squeeze %dma_start3A_1855 : memref<1x1x224x224xf32, #tpu.memory_space<hbm>> -> memref<224x224xf32, #tpu.memory_space<hbm>>
    %dma_start3A_1857 = arith.constant 0 : i32
    %dma_start3A_1858 = arith.constant 0 : i32
    %dma_start3A_1859 = tpu.memref_slice %arg4[%dma_start3A_1844, %dma_start3A_1857, %dma_start3A_1858] : memref<2x224x224xf32, #tpu.memory_space<vmem>> -> memref<1x224x224xf32, #tpu.memory_space<vmem>>
    %dma_start3A_1860 = tpu.memref_squeeze %dma_start3A_1859 : memref<1x224x224xf32, #tpu.memory_space<vmem>> -> memref<224x224xf32, #tpu.memory_space<vmem>>
    tpu.enqueue_dma source(%dma_start3A_1860 : memref<224x224xf32, #tpu.memory_space<vmem>>) target(%dma_start3A_1856 : memref<224x224xf32, #tpu.memory_space<hbm>>) target_semaphore(%arg8 : memref<!tpu.dma_semaphore, #tpu.memory_space<semaphore_mem>>)
    %dma_wait3A_1861 = arith.constant 1 : i32
    %dma_wait3A_1862 = arith.constant 0 : i32
    %dma_wait3A_1863 = arith.constant 0 : i32
    %dma_wait3A_1864 = tpu.memref_slice %arg4[%dma_wait3A_1861, %dma_wait3A_1862, %dma_wait3A_1863] : memref<2x224x224xf32, #tpu.memory_space<vmem>> -> memref<1x224x224xf32, #tpu.memory_space<vmem>>
    %dma_wait3A_1865 = tpu.memref_squeeze %dma_wait3A_1864 : memref<1x224x224xf32, #tpu.memory_space<vmem>> -> memref<224x224xf32, #tpu.memory_space<vmem>>
    %dma_wait3A_1866 = arith.constant 0 : i32
    %dma_wait3A_1867 = arith.constant 0 : i32
    %dma_wait3A_1868 = tpu.memref_slice %arg3[%select_n3A_1827, %select_n3A_1843, %dma_wait3A_1866, %dma_wait3A_1867] : memref<128x3x224x224xf32, #tpu.memory_space<hbm>> -> memref<1x1x224x224xf32, #tpu.memory_space<hbm>>
    %dma_wait3A_1869 = tpu.memref_squeeze %dma_wait3A_1868 : memref<1x1x224x224xf32, #tpu.memory_space<hbm>> -> memref<224x224xf32, #tpu.memory_space<hbm>>
    %dma_wait3A_1870 = arith.constant 0 : i32
    %dma_wait3A_1871 = arith.constant 0 : i32
    %dma_wait3A_1872 = tpu.memref_slice %arg3[%select_n3A_1827, %select_n3A_1843, %dma_wait3A_1870, %dma_wait3A_1871] : memref<128x3x224x224xf32, #tpu.memory_space<hbm>> -> memref<1x1x224x224xf32, #tpu.memory_space<hbm>>
    %dma_wait3A_1873 = tpu.memref_squeeze %dma_wait3A_1872 : memref<1x1x224x224xf32, #tpu.memory_space<hbm>> -> memref<224x224xf32, #tpu.memory_space<hbm>>
    %dma_wait3A_1874 = arith.constant 0 : i32
    %dma_wait3A_1875 = arith.constant 0 : i32
    %dma_wait3A_1876 = tpu.memref_slice %arg4[%dma_wait3A_1861, %dma_wait3A_1874, %dma_wait3A_1875] : memref<2x224x224xf32, #tpu.memory_space<vmem>> -> memref<1x224x224xf32, #tpu.memory_space<vmem>>
    %dma_wait3A_1877 = tpu.memref_squeeze %dma_wait3A_1876 : memref<1x224x224xf32, #tpu.memory_space<vmem>> -> memref<224x224xf32, #tpu.memory_space<vmem>>
    tpu.wait_dma2 semaphore(%arg8 : memref<!tpu.dma_semaphore, #tpu.memory_space<semaphore_mem>>) src(%dma_wait3A_1877 : memref<224x224xf32, #tpu.memory_space<vmem>>) dst(%dma_wait3A_1873 : memref<224x224xf32, #tpu.memory_space<hbm>>)
    %add3A_1878 = arith.constant 11 : i32
    %add3A_1879 = arith.addi %mul3A_2, %add3A_1878 : i32
    %jit3A_1880 = arith.constant 3 : i32
    %div3A_1881 = arith.divsi %add3A_1879, %jit3A_1880 : i32
    %sign3A_1882 = arith.constant 0 : i32
    %sign3A_1883 = arith.cmpi sgt, %add3A_1879, %sign3A_1882 : i32
    %sign3A_1884 = arith.extui %sign3A_1883 : i1 to i32
    %sign3A_1885 = arith.constant 0 : i32
    %sign3A_1886 = arith.cmpi slt, %add3A_1879, %sign3A_1885 : i32
    %sign3A_1887 = arith.extui %sign3A_1886 : i1 to i32
    %sign3A_1888 = arith.subi %sign3A_1884, %sign3A_1887 : i32
    %sign3A_1889 = arith.constant 0 : i32
    %sign3A_1890 = arith.cmpi sgt, %jit3A_1880, %sign3A_1889 : i32
    %sign3A_1891 = arith.extui %sign3A_1890 : i1 to i32
    %sign3A_1892 = arith.constant 0 : i32
    %sign3A_1893 = arith.cmpi slt, %jit3A_1880, %sign3A_1892 : i32
    %sign3A_1894 = arith.extui %sign3A_1893 : i1 to i32
    %sign3A_1895 = arith.subi %sign3A_1891, %sign3A_1894 : i32
    %ne3A_1896 = arith.cmpi ne, %sign3A_1888, %sign3A_1895 : i32
    %rem3A_1897 = arith.remsi %add3A_1879, %jit3A_1880 : i32
    %ne3A_1898 = arith.constant 0 : i32
    %ne3A_1899 = arith.cmpi ne, %rem3A_1897, %ne3A_1898 : i32
    %and3A_1900 = arith.andi %ne3A_1896, %ne3A_1899 : i1
    %sub3A_1901 = arith.constant 1 : i32
    %sub3A_1902 = arith.subi %div3A_1881, %sub3A_1901 : i32
    %select_n3A_1903 = arith.select %and3A_1900, %sub3A_1902, %div3A_1881 : i32
    %jit3A_1904 = arith.constant 3 : i32
    %eq3A_1905 = arith.constant 0 : i32
    %eq3A_1906 = arith.cmpi eq, %jit3A_1904, %eq3A_1905 : i32
    %jit3A_1907 = arith.constant 1 : i32
    %select_n3A_1908 = arith.select %eq3A_1906, %jit3A_1907, %jit3A_1904 : i32
    %rem3A_1909 = arith.remsi %add3A_1879, %select_n3A_1908 : i32
    %ne3A_1910 = arith.constant 0 : i32
    %ne3A_1911 = arith.cmpi ne, %rem3A_1909, %ne3A_1910 : i32
    %lt3A_1912 = arith.constant 0 : i32
    %lt3A_1913 = arith.cmpi slt, %rem3A_1909, %lt3A_1912 : i32
    %lt3A_1914 = arith.constant 0 : i32
    %lt3A_1915 = arith.cmpi slt, %select_n3A_1908, %lt3A_1914 : i32
    %ne3A_1916 = arith.xori %lt3A_1913, %lt3A_1915 : i1
    %and3A_1917 = arith.andi %ne3A_1916, %ne3A_1911 : i1
    %add3A_1918 = arith.addi %rem3A_1909, %select_n3A_1908 : i32
    %select_n3A_1919 = arith.select %and3A_1917, %add3A_1918, %rem3A_1909 : i32
    %mul3A_1920 = arith.constant 598 : i32
    %mul3A_1921 = arith.muli %select_n3A_1903, %mul3A_1920 : i32
    %add3A_1922 = arith.constant 127 : i32
    %add3A_1923 = arith.addi %mul3A_1921, %add3A_1922 : i32
    %jit3A_1924 = arith.constant 254 : i32
    %div3A_1925 = arith.divsi %add3A_1923, %jit3A_1924 : i32
    %sign3A_1926 = arith.constant 0 : i32
    %sign3A_1927 = arith.cmpi sgt, %add3A_1923, %sign3A_1926 : i32
    %sign3A_1928 = arith.extui %sign3A_1927 : i1 to i32
    %sign3A_1929 = arith.constant 0 : i32
    %sign3A_1930 = arith.cmpi slt, %add3A_1923, %sign3A_1929 : i32
    %sign3A_1931 = arith.extui %sign3A_1930 : i1 to i32
    %sign3A_1932 = arith.subi %sign3A_1928, %sign3A_1931 : i32
    %sign3A_1933 = arith.constant 0 : i32
    %sign3A_1934 = arith.cmpi sgt, %jit3A_1924, %sign3A_1933 : i32
    %sign3A_1935 = arith.extui %sign3A_1934 : i1 to i32
    %sign3A_1936 = arith.constant 0 : i32
    %sign3A_1937 = arith.cmpi slt, %jit3A_1924, %sign3A_1936 : i32
    %sign3A_1938 = arith.extui %sign3A_1937 : i1 to i32
    %sign3A_1939 = arith.subi %sign3A_1935, %sign3A_1938 : i32
    %ne3A_1940 = arith.cmpi ne, %sign3A_1932, %sign3A_1939 : i32
    %rem3A_1941 = arith.remsi %add3A_1923, %jit3A_1924 : i32
    %ne3A_1942 = arith.constant 0 : i32
    %ne3A_1943 = arith.cmpi ne, %rem3A_1941, %ne3A_1942 : i32
    %and3A_1944 = arith.andi %ne3A_1940, %ne3A_1943 : i1
    %sub3A_1945 = arith.constant 1 : i32
    %sub3A_1946 = arith.subi %div3A_1925, %sub3A_1945 : i32
    %select_n3A_1947 = arith.select %and3A_1944, %sub3A_1946, %div3A_1925 : i32
    %dma_start3A_1948 = arith.constant 1 : i32
    %dma_start3A_1949 = arith.constant 0 : i32
    %dma_start3A_1950 = arith.constant 0 : i32
    %dma_start3A_1951 = tpu.memref_slice %arg4[%dma_start3A_1948, %dma_start3A_1949, %dma_start3A_1950] : memref<2x224x224xf32, #tpu.memory_space<vmem>> -> memref<1x224x224xf32, #tpu.memory_space<vmem>>
    %dma_start3A_1952 = tpu.memref_squeeze %dma_start3A_1951 : memref<1x224x224xf32, #tpu.memory_space<vmem>> -> memref<224x224xf32, #tpu.memory_space<vmem>>
    %dma_start3A_1953 = arith.constant 0 : i32
    %dma_start3A_1954 = arith.constant 0 : i32
    %dma_start3A_1955 = tpu.memref_slice %arg2[%select_n3A_1947, %select_n3A_1919, %dma_start3A_1953, %dma_start3A_1954] : memref<300x3x224x224xf32, #tpu.memory_space<hbm>> -> memref<1x1x224x224xf32, #tpu.memory_space<hbm>>
    %dma_start3A_1956 = tpu.memref_squeeze %dma_start3A_1955 : memref<1x1x224x224xf32, #tpu.memory_space<hbm>> -> memref<224x224xf32, #tpu.memory_space<hbm>>
    %dma_start3A_1957 = arith.constant 0 : i32
    %dma_start3A_1958 = arith.constant 0 : i32
    %dma_start3A_1959 = tpu.memref_slice %arg4[%dma_start3A_1948, %dma_start3A_1957, %dma_start3A_1958] : memref<2x224x224xf32, #tpu.memory_space<vmem>> -> memref<1x224x224xf32, #tpu.memory_space<vmem>>
    %dma_start3A_1960 = tpu.memref_squeeze %dma_start3A_1959 : memref<1x224x224xf32, #tpu.memory_space<vmem>> -> memref<224x224xf32, #tpu.memory_space<vmem>>
    %dma_start3A_1961 = arith.constant 0 : i32
    %dma_start3A_1962 = arith.constant 0 : i32
    %dma_start3A_1963 = tpu.memref_slice %arg2[%select_n3A_1947, %select_n3A_1919, %dma_start3A_1961, %dma_start3A_1962] : memref<300x3x224x224xf32, #tpu.memory_space<hbm>> -> memref<1x1x224x224xf32, #tpu.memory_space<hbm>>
    %dma_start3A_1964 = tpu.memref_squeeze %dma_start3A_1963 : memref<1x1x224x224xf32, #tpu.memory_space<hbm>> -> memref<224x224xf32, #tpu.memory_space<hbm>>
    tpu.enqueue_dma source(%dma_start3A_1964 : memref<224x224xf32, #tpu.memory_space<hbm>>) target(%dma_start3A_1960 : memref<224x224xf32, #tpu.memory_space<vmem>>) target_semaphore(%arg6 : memref<!tpu.dma_semaphore, #tpu.memory_space<semaphore_mem>>)
    %dma_wait3A_1965 = arith.constant 0 : i32
    %dma_wait3A_1966 = arith.constant 0 : i32
    %dma_wait3A_1967 = arith.constant 0 : i32
    %dma_wait3A_1968 = tpu.memref_slice %arg4[%dma_wait3A_1965, %dma_wait3A_1966, %dma_wait3A_1967] : memref<2x224x224xf32, #tpu.memory_space<vmem>> -> memref<1x224x224xf32, #tpu.memory_space<vmem>>
    %dma_wait3A_1969 = tpu.memref_squeeze %dma_wait3A_1968 : memref<1x224x224xf32, #tpu.memory_space<vmem>> -> memref<224x224xf32, #tpu.memory_space<vmem>>
    %dma_wait3A_1970 = arith.constant 0 : i32
    %dma_wait3A_1971 = arith.constant 0 : i32
    %dma_wait3A_1972 = tpu.memref_slice %arg2[%select_n3A_1767, %select_n3A_1739, %dma_wait3A_1970, %dma_wait3A_1971] : memref<300x3x224x224xf32, #tpu.memory_space<hbm>> -> memref<1x1x224x224xf32, #tpu.memory_space<hbm>>
    %dma_wait3A_1973 = tpu.memref_squeeze %dma_wait3A_1972 : memref<1x1x224x224xf32, #tpu.memory_space<hbm>> -> memref<224x224xf32, #tpu.memory_space<hbm>>
    %dma_wait3A_1974 = arith.constant 0 : i32
    %dma_wait3A_1975 = arith.constant 0 : i32
    %dma_wait3A_1976 = tpu.memref_slice %arg4[%dma_wait3A_1965, %dma_wait3A_1974, %dma_wait3A_1975] : memref<2x224x224xf32, #tpu.memory_space<vmem>> -> memref<1x224x224xf32, #tpu.memory_space<vmem>>
    %dma_wait3A_1977 = tpu.memref_squeeze %dma_wait3A_1976 : memref<1x224x224xf32, #tpu.memory_space<vmem>> -> memref<224x224xf32, #tpu.memory_space<vmem>>
    %dma_wait3A_1978 = arith.constant 0 : i32
    %dma_wait3A_1979 = arith.constant 0 : i32
    %dma_wait3A_1980 = tpu.memref_slice %arg2[%select_n3A_1767, %select_n3A_1739, %dma_wait3A_1978, %dma_wait3A_1979] : memref<300x3x224x224xf32, #tpu.memory_space<hbm>> -> memref<1x1x224x224xf32, #tpu.memory_space<hbm>>
    %dma_wait3A_1981 = tpu.memref_squeeze %dma_wait3A_1980 : memref<1x1x224x224xf32, #tpu.memory_space<hbm>> -> memref<224x224xf32, #tpu.memory_space<hbm>>
    tpu.wait_dma2 semaphore(%arg5 : memref<!tpu.dma_semaphore, #tpu.memory_space<semaphore_mem>>) src(%dma_wait3A_1981 : memref<224x224xf32, #tpu.memory_space<hbm>>) dst(%dma_wait3A_1977 : memref<224x224xf32, #tpu.memory_space<vmem>>)
    %add3A_1982 = arith.constant 10 : i32
    %add3A_1983 = arith.addi %mul3A_2, %add3A_1982 : i32
    %jit3A_1984 = arith.constant 3 : i32
    %div3A_1985 = arith.divsi %add3A_1983, %jit3A_1984 : i32
    %sign3A_1986 = arith.constant 0 : i32
    %sign3A_1987 = arith.cmpi sgt, %add3A_1983, %sign3A_1986 : i32
    %sign3A_1988 = arith.extui %sign3A_1987 : i1 to i32
    %sign3A_1989 = arith.constant 0 : i32
    %sign3A_1990 = arith.cmpi slt, %add3A_1983, %sign3A_1989 : i32
    %sign3A_1991 = arith.extui %sign3A_1990 : i1 to i32
    %sign3A_1992 = arith.subi %sign3A_1988, %sign3A_1991 : i32
    %sign3A_1993 = arith.constant 0 : i32
    %sign3A_1994 = arith.cmpi sgt, %jit3A_1984, %sign3A_1993 : i32
    %sign3A_1995 = arith.extui %sign3A_1994 : i1 to i32
    %sign3A_1996 = arith.constant 0 : i32
    %sign3A_1997 = arith.cmpi slt, %jit3A_1984, %sign3A_1996 : i32
    %sign3A_1998 = arith.extui %sign3A_1997 : i1 to i32
    %sign3A_1999 = arith.subi %sign3A_1995, %sign3A_1998 : i32
    %ne3A_2000 = arith.cmpi ne, %sign3A_1992, %sign3A_1999 : i32
    %rem3A_2001 = arith.remsi %add3A_1983, %jit3A_1984 : i32
    %ne3A_2002 = arith.constant 0 : i32
    %ne3A_2003 = arith.cmpi ne, %rem3A_2001, %ne3A_2002 : i32
    %and3A_2004 = arith.andi %ne3A_2000, %ne3A_2003 : i1
    %sub3A_2005 = arith.constant 1 : i32
    %sub3A_2006 = arith.subi %div3A_1985, %sub3A_2005 : i32
    %select_n3A_2007 = arith.select %and3A_2004, %sub3A_2006, %div3A_1985 : i32
    %jit3A_2008 = arith.constant 3 : i32
    %eq3A_2009 = arith.constant 0 : i32
    %eq3A_2010 = arith.cmpi eq, %jit3A_2008, %eq3A_2009 : i32
    %jit3A_2011 = arith.constant 1 : i32
    %select_n3A_2012 = arith.select %eq3A_2010, %jit3A_2011, %jit3A_2008 : i32
    %rem3A_2013 = arith.remsi %add3A_1983, %select_n3A_2012 : i32
    %ne3A_2014 = arith.constant 0 : i32
    %ne3A_2015 = arith.cmpi ne, %rem3A_2013, %ne3A_2014 : i32
    %lt3A_2016 = arith.constant 0 : i32
    %lt3A_2017 = arith.cmpi slt, %rem3A_2013, %lt3A_2016 : i32
    %lt3A_2018 = arith.constant 0 : i32
    %lt3A_2019 = arith.cmpi slt, %select_n3A_2012, %lt3A_2018 : i32
    %ne3A_2020 = arith.xori %lt3A_2017, %lt3A_2019 : i1
    %and3A_2021 = arith.andi %ne3A_2020, %ne3A_2015 : i1
    %add3A_2022 = arith.addi %rem3A_2013, %select_n3A_2012 : i32
    %select_n3A_2023 = arith.select %and3A_2021, %add3A_2022, %rem3A_2013 : i32
    %dma_start3A_2024 = arith.constant 0 : i32
    %dma_start3A_2025 = arith.constant 0 : i32
    %dma_start3A_2026 = arith.constant 0 : i32
    %dma_start3A_2027 = tpu.memref_slice %arg4[%dma_start3A_2024, %dma_start3A_2025, %dma_start3A_2026] : memref<2x224x224xf32, #tpu.memory_space<vmem>> -> memref<1x224x224xf32, #tpu.memory_space<vmem>>
    %dma_start3A_2028 = tpu.memref_squeeze %dma_start3A_2027 : memref<1x224x224xf32, #tpu.memory_space<vmem>> -> memref<224x224xf32, #tpu.memory_space<vmem>>
    %dma_start3A_2029 = arith.constant 0 : i32
    %dma_start3A_2030 = arith.constant 0 : i32
    %dma_start3A_2031 = tpu.memref_slice %arg3[%select_n3A_2007, %select_n3A_2023, %dma_start3A_2029, %dma_start3A_2030] : memref<128x3x224x224xf32, #tpu.memory_space<hbm>> -> memref<1x1x224x224xf32, #tpu.memory_space<hbm>>
    %dma_start3A_2032 = tpu.memref_squeeze %dma_start3A_2031 : memref<1x1x224x224xf32, #tpu.memory_space<hbm>> -> memref<224x224xf32, #tpu.memory_space<hbm>>
    %dma_start3A_2033 = arith.constant 0 : i32
    %dma_start3A_2034 = arith.constant 0 : i32
    %dma_start3A_2035 = tpu.memref_slice %arg3[%select_n3A_2007, %select_n3A_2023, %dma_start3A_2033, %dma_start3A_2034] : memref<128x3x224x224xf32, #tpu.memory_space<hbm>> -> memref<1x1x224x224xf32, #tpu.memory_space<hbm>>
    %dma_start3A_2036 = tpu.memref_squeeze %dma_start3A_2035 : memref<1x1x224x224xf32, #tpu.memory_space<hbm>> -> memref<224x224xf32, #tpu.memory_space<hbm>>
    %dma_start3A_2037 = arith.constant 0 : i32
    %dma_start3A_2038 = arith.constant 0 : i32
    %dma_start3A_2039 = tpu.memref_slice %arg4[%dma_start3A_2024, %dma_start3A_2037, %dma_start3A_2038] : memref<2x224x224xf32, #tpu.memory_space<vmem>> -> memref<1x224x224xf32, #tpu.memory_space<vmem>>
    %dma_start3A_2040 = tpu.memref_squeeze %dma_start3A_2039 : memref<1x224x224xf32, #tpu.memory_space<vmem>> -> memref<224x224xf32, #tpu.memory_space<vmem>>
    tpu.enqueue_dma source(%dma_start3A_2040 : memref<224x224xf32, #tpu.memory_space<vmem>>) target(%dma_start3A_2036 : memref<224x224xf32, #tpu.memory_space<hbm>>) target_semaphore(%arg7 : memref<!tpu.dma_semaphore, #tpu.memory_space<semaphore_mem>>)
    %dma_wait3A_2041 = arith.constant 1 : i32
    %dma_wait3A_2042 = arith.constant 0 : i32
    %dma_wait3A_2043 = arith.constant 0 : i32
    %dma_wait3A_2044 = tpu.memref_slice %arg4[%dma_wait3A_2041, %dma_wait3A_2042, %dma_wait3A_2043] : memref<2x224x224xf32, #tpu.memory_space<vmem>> -> memref<1x224x224xf32, #tpu.memory_space<vmem>>
    %dma_wait3A_2045 = tpu.memref_squeeze %dma_wait3A_2044 : memref<1x224x224xf32, #tpu.memory_space<vmem>> -> memref<224x224xf32, #tpu.memory_space<vmem>>
    %dma_wait3A_2046 = arith.constant 0 : i32
    %dma_wait3A_2047 = arith.constant 0 : i32
    %dma_wait3A_2048 = tpu.memref_slice %arg2[%select_n3A_1947, %select_n3A_1919, %dma_wait3A_2046, %dma_wait3A_2047] : memref<300x3x224x224xf32, #tpu.memory_space<hbm>> -> memref<1x1x224x224xf32, #tpu.memory_space<hbm>>
    %dma_wait3A_2049 = tpu.memref_squeeze %dma_wait3A_2048 : memref<1x1x224x224xf32, #tpu.memory_space<hbm>> -> memref<224x224xf32, #tpu.memory_space<hbm>>
    %dma_wait3A_2050 = arith.constant 0 : i32
    %dma_wait3A_2051 = arith.constant 0 : i32
    %dma_wait3A_2052 = tpu.memref_slice %arg4[%dma_wait3A_2041, %dma_wait3A_2050, %dma_wait3A_2051] : memref<2x224x224xf32, #tpu.memory_space<vmem>> -> memref<1x224x224xf32, #tpu.memory_space<vmem>>
    %dma_wait3A_2053 = tpu.memref_squeeze %dma_wait3A_2052 : memref<1x224x224xf32, #tpu.memory_space<vmem>> -> memref<224x224xf32, #tpu.memory_space<vmem>>
    %dma_wait3A_2054 = arith.constant 0 : i32
    %dma_wait3A_2055 = arith.constant 0 : i32
    %dma_wait3A_2056 = tpu.memref_slice %arg2[%select_n3A_1947, %select_n3A_1919, %dma_wait3A_2054, %dma_wait3A_2055] : memref<300x3x224x224xf32, #tpu.memory_space<hbm>> -> memref<1x1x224x224xf32, #tpu.memory_space<hbm>>
    %dma_wait3A_2057 = tpu.memref_squeeze %dma_wait3A_2056 : memref<1x1x224x224xf32, #tpu.memory_space<hbm>> -> memref<224x224xf32, #tpu.memory_space<hbm>>
    tpu.wait_dma2 semaphore(%arg6 : memref<!tpu.dma_semaphore, #tpu.memory_space<semaphore_mem>>) src(%dma_wait3A_2057 : memref<224x224xf32, #tpu.memory_space<hbm>>) dst(%dma_wait3A_2053 : memref<224x224xf32, #tpu.memory_space<vmem>>)
    %add3A_2058 = arith.constant 11 : i32
    %add3A_2059 = arith.addi %mul3A_2, %add3A_2058 : i32
    %jit3A_2060 = arith.constant 3 : i32
    %div3A_2061 = arith.divsi %add3A_2059, %jit3A_2060 : i32
    %sign3A_2062 = arith.constant 0 : i32
    %sign3A_2063 = arith.cmpi sgt, %add3A_2059, %sign3A_2062 : i32
    %sign3A_2064 = arith.extui %sign3A_2063 : i1 to i32
    %sign3A_2065 = arith.constant 0 : i32
    %sign3A_2066 = arith.cmpi slt, %add3A_2059, %sign3A_2065 : i32
    %sign3A_2067 = arith.extui %sign3A_2066 : i1 to i32
    %sign3A_2068 = arith.subi %sign3A_2064, %sign3A_2067 : i32
    %sign3A_2069 = arith.constant 0 : i32
    %sign3A_2070 = arith.cmpi sgt, %jit3A_2060, %sign3A_2069 : i32
    %sign3A_2071 = arith.extui %sign3A_2070 : i1 to i32
    %sign3A_2072 = arith.constant 0 : i32
    %sign3A_2073 = arith.cmpi slt, %jit3A_2060, %sign3A_2072 : i32
    %sign3A_2074 = arith.extui %sign3A_2073 : i1 to i32
    %sign3A_2075 = arith.subi %sign3A_2071, %sign3A_2074 : i32
    %ne3A_2076 = arith.cmpi ne, %sign3A_2068, %sign3A_2075 : i32
    %rem3A_2077 = arith.remsi %add3A_2059, %jit3A_2060 : i32
    %ne3A_2078 = arith.constant 0 : i32
    %ne3A_2079 = arith.cmpi ne, %rem3A_2077, %ne3A_2078 : i32
    %and3A_2080 = arith.andi %ne3A_2076, %ne3A_2079 : i1
    %sub3A_2081 = arith.constant 1 : i32
    %sub3A_2082 = arith.subi %div3A_2061, %sub3A_2081 : i32
    %select_n3A_2083 = arith.select %and3A_2080, %sub3A_2082, %div3A_2061 : i32
    %jit3A_2084 = arith.constant 3 : i32
    %eq3A_2085 = arith.constant 0 : i32
    %eq3A_2086 = arith.cmpi eq, %jit3A_2084, %eq3A_2085 : i32
    %jit3A_2087 = arith.constant 1 : i32
    %select_n3A_2088 = arith.select %eq3A_2086, %jit3A_2087, %jit3A_2084 : i32
    %rem3A_2089 = arith.remsi %add3A_2059, %select_n3A_2088 : i32
    %ne3A_2090 = arith.constant 0 : i32
    %ne3A_2091 = arith.cmpi ne, %rem3A_2089, %ne3A_2090 : i32
    %lt3A_2092 = arith.constant 0 : i32
    %lt3A_2093 = arith.cmpi slt, %rem3A_2089, %lt3A_2092 : i32
    %lt3A_2094 = arith.constant 0 : i32
    %lt3A_2095 = arith.cmpi slt, %select_n3A_2088, %lt3A_2094 : i32
    %ne3A_2096 = arith.xori %lt3A_2093, %lt3A_2095 : i1
    %and3A_2097 = arith.andi %ne3A_2096, %ne3A_2091 : i1
    %add3A_2098 = arith.addi %rem3A_2089, %select_n3A_2088 : i32
    %select_n3A_2099 = arith.select %and3A_2097, %add3A_2098, %rem3A_2089 : i32
    %dma_start3A_2100 = arith.constant 1 : i32
    %dma_start3A_2101 = arith.constant 0 : i32
    %dma_start3A_2102 = arith.constant 0 : i32
    %dma_start3A_2103 = tpu.memref_slice %arg4[%dma_start3A_2100, %dma_start3A_2101, %dma_start3A_2102] : memref<2x224x224xf32, #tpu.memory_space<vmem>> -> memref<1x224x224xf32, #tpu.memory_space<vmem>>
    %dma_start3A_2104 = tpu.memref_squeeze %dma_start3A_2103 : memref<1x224x224xf32, #tpu.memory_space<vmem>> -> memref<224x224xf32, #tpu.memory_space<vmem>>
    %dma_start3A_2105 = arith.constant 0 : i32
    %dma_start3A_2106 = arith.constant 0 : i32
    %dma_start3A_2107 = tpu.memref_slice %arg3[%select_n3A_2083, %select_n3A_2099, %dma_start3A_2105, %dma_start3A_2106] : memref<128x3x224x224xf32, #tpu.memory_space<hbm>> -> memref<1x1x224x224xf32, #tpu.memory_space<hbm>>
    %dma_start3A_2108 = tpu.memref_squeeze %dma_start3A_2107 : memref<1x1x224x224xf32, #tpu.memory_space<hbm>> -> memref<224x224xf32, #tpu.memory_space<hbm>>
    %dma_start3A_2109 = arith.constant 0 : i32
    %dma_start3A_2110 = arith.constant 0 : i32
    %dma_start3A_2111 = tpu.memref_slice %arg3[%select_n3A_2083, %select_n3A_2099, %dma_start3A_2109, %dma_start3A_2110] : memref<128x3x224x224xf32, #tpu.memory_space<hbm>> -> memref<1x1x224x224xf32, #tpu.memory_space<hbm>>
    %dma_start3A_2112 = tpu.memref_squeeze %dma_start3A_2111 : memref<1x1x224x224xf32, #tpu.memory_space<hbm>> -> memref<224x224xf32, #tpu.memory_space<hbm>>
    %dma_start3A_2113 = arith.constant 0 : i32
    %dma_start3A_2114 = arith.constant 0 : i32
    %dma_start3A_2115 = tpu.memref_slice %arg4[%dma_start3A_2100, %dma_start3A_2113, %dma_start3A_2114] : memref<2x224x224xf32, #tpu.memory_space<vmem>> -> memref<1x224x224xf32, #tpu.memory_space<vmem>>
    %dma_start3A_2116 = tpu.memref_squeeze %dma_start3A_2115 : memref<1x224x224xf32, #tpu.memory_space<vmem>> -> memref<224x224xf32, #tpu.memory_space<vmem>>
    tpu.enqueue_dma source(%dma_start3A_2116 : memref<224x224xf32, #tpu.memory_space<vmem>>) target(%dma_start3A_2112 : memref<224x224xf32, #tpu.memory_space<hbm>>) target_semaphore(%arg8 : memref<!tpu.dma_semaphore, #tpu.memory_space<semaphore_mem>>)
    %dma_wait3A_2117 = arith.constant 0 : i32
    %dma_wait3A_2118 = arith.constant 0 : i32
    %dma_wait3A_2119 = arith.constant 0 : i32
    %dma_wait3A_2120 = tpu.memref_slice %arg4[%dma_wait3A_2117, %dma_wait3A_2118, %dma_wait3A_2119] : memref<2x224x224xf32, #tpu.memory_space<vmem>> -> memref<1x224x224xf32, #tpu.memory_space<vmem>>
    %dma_wait3A_2121 = tpu.memref_squeeze %dma_wait3A_2120 : memref<1x224x224xf32, #tpu.memory_space<vmem>> -> memref<224x224xf32, #tpu.memory_space<vmem>>
    %dma_wait3A_2122 = arith.constant 0 : i32
    %dma_wait3A_2123 = arith.constant 0 : i32
    %dma_wait3A_2124 = tpu.memref_slice %arg3[%select_n3A_2007, %select_n3A_2023, %dma_wait3A_2122, %dma_wait3A_2123] : memref<128x3x224x224xf32, #tpu.memory_space<hbm>> -> memref<1x1x224x224xf32, #tpu.memory_space<hbm>>
    %dma_wait3A_2125 = tpu.memref_squeeze %dma_wait3A_2124 : memref<1x1x224x224xf32, #tpu.memory_space<hbm>> -> memref<224x224xf32, #tpu.memory_space<hbm>>
    %dma_wait3A_2126 = arith.constant 0 : i32
    %dma_wait3A_2127 = arith.constant 0 : i32
    %dma_wait3A_2128 = tpu.memref_slice %arg3[%select_n3A_2007, %select_n3A_2023, %dma_wait3A_2126, %dma_wait3A_2127] : memref<128x3x224x224xf32, #tpu.memory_space<hbm>> -> memref<1x1x224x224xf32, #tpu.memory_space<hbm>>
    %dma_wait3A_2129 = tpu.memref_squeeze %dma_wait3A_2128 : memref<1x1x224x224xf32, #tpu.memory_space<hbm>> -> memref<224x224xf32, #tpu.memory_space<hbm>>
    %dma_wait3A_2130 = arith.constant 0 : i32
    %dma_wait3A_2131 = arith.constant 0 : i32
    %dma_wait3A_2132 = tpu.memref_slice %arg4[%dma_wait3A_2117, %dma_wait3A_2130, %dma_wait3A_2131] : memref<2x224x224xf32, #tpu.memory_space<vmem>> -> memref<1x224x224xf32, #tpu.memory_space<vmem>>
    %dma_wait3A_2133 = tpu.memref_squeeze %dma_wait3A_2132 : memref<1x224x224xf32, #tpu.memory_space<vmem>> -> memref<224x224xf32, #tpu.memory_space<vmem>>
    tpu.wait_dma2 semaphore(%arg7 : memref<!tpu.dma_semaphore, #tpu.memory_space<semaphore_mem>>) src(%dma_wait3A_2133 : memref<224x224xf32, #tpu.memory_space<vmem>>) dst(%dma_wait3A_2129 : memref<224x224xf32, #tpu.memory_space<hbm>>)
    %dma_wait3A_2134 = arith.constant 1 : i32
    %dma_wait3A_2135 = arith.constant 0 : i32
    %dma_wait3A_2136 = arith.constant 0 : i32
    %dma_wait3A_2137 = tpu.memref_slice %arg4[%dma_wait3A_2134, %dma_wait3A_2135, %dma_wait3A_2136] : memref<2x224x224xf32, #tpu.memory_space<vmem>> -> memref<1x224x224xf32, #tpu.memory_space<vmem>>
    %dma_wait3A_2138 = tpu.memref_squeeze %dma_wait3A_2137 : memref<1x224x224xf32, #tpu.memory_space<vmem>> -> memref<224x224xf32, #tpu.memory_space<vmem>>
    %dma_wait3A_2139 = arith.constant 0 : i32
    %dma_wait3A_2140 = arith.constant 0 : i32
    %dma_wait3A_2141 = tpu.memref_slice %arg3[%select_n3A_2083, %select_n3A_2099, %dma_wait3A_2139, %dma_wait3A_2140] : memref<128x3x224x224xf32, #tpu.memory_space<hbm>> -> memref<1x1x224x224xf32, #tpu.memory_space<hbm>>
    %dma_wait3A_2142 = tpu.memref_squeeze %dma_wait3A_2141 : memref<1x1x224x224xf32, #tpu.memory_space<hbm>> -> memref<224x224xf32, #tpu.memory_space<hbm>>
    %dma_wait3A_2143 = arith.constant 0 : i32
    %dma_wait3A_2144 = arith.constant 0 : i32
    %dma_wait3A_2145 = tpu.memref_slice %arg3[%select_n3A_2083, %select_n3A_2099, %dma_wait3A_2143, %dma_wait3A_2144] : memref<128x3x224x224xf32, #tpu.memory_space<hbm>> -> memref<1x1x224x224xf32, #tpu.memory_space<hbm>>
    %dma_wait3A_2146 = tpu.memref_squeeze %dma_wait3A_2145 : memref<1x1x224x224xf32, #tpu.memory_space<hbm>> -> memref<224x224xf32, #tpu.memory_space<hbm>>
    %dma_wait3A_2147 = arith.constant 0 : i32
    %dma_wait3A_2148 = arith.constant 0 : i32
    %dma_wait3A_2149 = tpu.memref_slice %arg4[%dma_wait3A_2134, %dma_wait3A_2147, %dma_wait3A_2148] : memref<2x224x224xf32, #tpu.memory_space<vmem>> -> memref<1x224x224xf32, #tpu.memory_space<vmem>>
    %dma_wait3A_2150 = tpu.memref_squeeze %dma_wait3A_2149 : memref<1x224x224xf32, #tpu.memory_space<vmem>> -> memref<224x224xf32, #tpu.memory_space<vmem>>
    tpu.wait_dma2 semaphore(%arg8 : memref<!tpu.dma_semaphore, #tpu.memory_space<semaphore_mem>>) src(%dma_wait3A_2150 : memref<224x224xf32, #tpu.memory_space<vmem>>) dst(%dma_wait3A_2146 : memref<224x224xf32, #tpu.memory_space<hbm>>)
    return
  }
}

</mosaic_0001>

<sc_bundles>
// kernel: kernel.3.cloned.1.call-start
scs
__scs_entry_jumppad:
0x0: {  	(pc) =	sbr.rel $0x88, $3  }
0x1: {  	(tag) =	ssettag $0x0;
	lr =	simm.s32 $0x1  }
0x2: {  	[smem:$0x3FA0] =	sst lr;
	_ =	strace $0xD0000000  }
0x3: {  	_ = 	snop  }
0x4: {  	_ = 	snop  }
0x5: {  	_ = 	snop  }
0x6: {  	_ = 	snop  }
0x7: {  	_ = 	snop  }
__scs_overlays_trampoline_lowered:
0x8: {  	[smem:$0x3FAF] =	sst s0  }
0x9: {  	[smem:$0x3FB0] =	sst s1  }
0xa: {  	[smem:$0x3FB1] =	sst s2  }
0xb: {  	[smem:$0x3FB2] =	sst s3  }
0xc: {  	[smem:$0x3FB3] =	sst s4  }
0xd: {  	[smem:$0x3FB4] =	sst s5  }
0xe: {  	[smem:$0x3FB5] =	sst s6  }
0xf: {  	[smem:$0x3FB6] =	sst s7  }
0x10: {  	[smem:$0x3FB7] =	sst s8  }
0x11: {  	[smem:$0x3FB8] =	sst s9;
	s0 =	simm.s32 @!p0 $0x0  }
0x12: {  	s1 =	sld [smem:$0x3F9E];
	s0 =	simm.s32 @p0 $0x1  }
0x13: {  	[smem:$0x3FB9] =	sst s0;
	s0 =	simm.s32 @!p1 $0x0  }
0x14: {  	s2 =	sld [smem:$0x3F9D];
	s0 =	simm.s32 @p1 $0x1  }
0x15: {  	[smem:$0x3FBA] =	sst s0;
	s0 =	simm.s32 @!p2 $0x0  }
0x16: {  	s3 =	sld [smem:$0x3FDB];
	s0 =	simm.s32 @p2 $0x1  }
0x17: {  	s4 =	simm.s32 $0x1BF5;
	[smem:$0x3FBC] =	sst s0  }
0x18: {  	s0 =	sld [smem:$0x3F9F];
	_ =	swait.ge [sflag:s4], $0x0  }
0x19: {  	s7 =	sld [smem:$0x3FA0]  }
0x1a: {  	s8 =	sadd.s32 $0xFFFFE003, lr  }
0x1b: {  	s9 =	sadd.s32 $0xFFFFFEF7, lr;
	s5 =	simm.s32 $0xFFFFFFFF;
	p2 =	slt.u32 s8, $0xFFFFF086  }
0x1c: {  	p1 =	slt.u32 s9, $0xF7A;
	s5 =	simm.s32 @!p2 $0x0  }
0x1d: {  	s5 =	simm.s32 @p1 $0x1;
	p0 =	seq.s32 s7, s2  }
0x1e: {  	s7 =	smul.u32 @!p0 $0xF7A, s2;
	p2 =	seq.s32 @!p0 s5, $0x0  }
0x1f: {  	s9 =	smul.u32 $0xF7A, s1;
	s8 =	simm.s32 @!p0 $0x1BF5;
	p2 =	por !p2, p0  }
0x20: {  	[sflag:s8] =	ssyncset.s32 @!p0 $0xFFFFF086;
	s6 =	sadd.s32 @!p0 s3, s7;
	s7 =	simm.s32 @!p0 $0x108  }
0x21: {  	s3 =	sadd.s32 s3, s9;
	s6 =	sadd.s32 @!p0 $0x88, s6;
	s7 =	simm.s32 @p2 $0x1082  }
0x22: {  	[simem:s7], [sflag:s8] =	dma.local @!p0 [hbm:s6], $0xF7A  }
0x23: {  	s9 =	sor.u32 $0xD0000000, s2;
	s6 =	simm.s32 $0x108;
	_ =	swait.ge @!p0 [sflag:s8], $0x0  }
0x24: {  	s3 =	sadd.s32 $0x88, s3;
	s6 =	simm.s32 @!p1 $0x1082;
	[sflag:s4] =	ssyncset.s32 $0xFFFFF086  }
0x25: {  	[simem:s6], [sflag:s4] =	dma.local [hbm:s3], $0xF7A  }
0x26: {  	[smem:$0x3FA0] =	sst s1;
	(tag) =	ssettag s2;
	_ =	strace s9  }
0x27: {  	s1 =	sld [smem:$0x3FB0]  }
0x28: {  	s2 =	sld [smem:$0x3FB1]  }
0x29: {  	s4 =	sld [smem:$0x3FB3]  }
0x2a: {  	p0 =	seq.s32 s5, $0x0;
	s5 =	sld [smem:$0x3FB4]  }
0x2b: {  	s6 =	sld [smem:$0x3FB5]  }
0x2c: {  	s7 =	sld [smem:$0x3FB6]  }
0x2d: {  	s3 =	simm.s32 $0x108;
	s8 =	sld [smem:$0x3FB7]  }
0x2e: {  	s3 =	simm.s32 @!p0 $0x1082;
	s9 =	sld [smem:$0x3FB8]  }
0x2f: {  	lr =	sadd.s32 s0, s3;
	s0 =	sld [smem:$0x3FAF]  }
0x30: {  	s3 =	sld [smem:$0x3FB2]  }
0x31: {  	[smem:$0x3FBB] =	sst s10  }
0x32: {  	s10 =	sld [smem:$0x3FB9];
	_ =	sdelay $0x3  }
0x33: {  	p0 =	seq.s32 s10, $0x1;
	s10 =	sld [smem:$0x3FBB];
	_ =	sdelay $0x3  }
0x34: {  	[smem:$0x3FBB] =	sst s10  }
0x35: {  	s10 =	sld [smem:$0x3FBA];
	_ =	sdelay $0x3  }
0x36: {  	p1 =	seq.s32 s10, $0x1;
	s10 =	sld [smem:$0x3FBB];
	_ =	sdelay $0x3  }
0x37: {  	[smem:$0x3FBB] =	sst s10  }
0x38: {  	s10 =	sld [smem:$0x3FBC]  }
0x39: {  	_ = 	snop;
	(pc) =	sbr.ind lr, $3  }
0x3a: {  	_ = 	snop  }
0x3b: {  	_ = 	snop  }
0x3c: {  	p2 =	seq.s32 s10, $0x1;
	s10 =	sld [smem:$0x3FBB]  }
0x3d: {  	_ =	shalt  }
0x3e: {  	_ =	shalt  }
0x3f: {  	_ =	shalt  }
0x40: {  	_ =	shalt  }
0x41: {  	_ =	shalt  }
0x42: {  	_ =	shalt  }
0x43: {  	_ =	shalt  }
0x44: {  	_ =	shalt  }
0x45: {  	_ =	shalt  }
0x46: {  	_ =	shalt  }
0x47: {  	_ =	shalt  }
0x48: {  	_ =	shalt  }
0x49: {  	_ =	shalt  }
0x4a: {  	_ =	shalt  }
0x4b: {  	_ =	shalt  }
0x4c: {  	_ =	shalt  }
0x4d: {  	_ =	shalt  }
0x4e: {  	_ =	shalt  }
0x4f: {  	_ =	shalt  }
0x50: {  	_ =	shalt  }
0x51: {  	_ =	shalt  }
0x52: {  	_ =	shalt  }
0x53: {  	_ =	shalt  }
0x54: {  	_ =	shalt  }
0x55: {  	_ =	shalt  }
0x56: {  	_ =	shalt  }
0x57: {  	_ =	shalt  }
0x58: {  	_ =	shalt  }
0x59: {  	_ =	shalt  }
0x5a: {  	_ =	shalt  }
0x5b: {  	_ =	shalt  }
0x5c: {  	_ =	shalt  }
0x5d: {  	_ =	shalt  }
0x5e: {  	_ =	shalt  }
0x5f: {  	_ =	shalt  }
0x60: {  	_ =	shalt  }
0x61: {  	_ =	shalt  }
0x62: {  	_ =	shalt  }
0x63: {  	_ =	shalt  }
0x64: {  	_ =	shalt  }
0x65: {  	_ =	shalt  }
0x66: {  	_ =	shalt  }
0x67: {  	_ =	shalt  }
0x68: {  	_ =	shalt  }
0x69: {  	_ =	shalt  }
0x6a: {  	_ =	shalt  }
0x6b: {  	_ =	shalt  }
0x6c: {  	_ =	shalt  }
0x6d: {  	_ =	shalt  }
0x6e: {  	_ =	shalt  }
0x6f: {  	_ =	shalt  }
0x70: {  	_ =	shalt  }
0x71: {  	_ =	shalt  }
0x72: {  	_ =	shalt  }
0x73: {  	_ =	shalt  }
0x74: {  	_ =	shalt  }
0x75: {  	_ =	shalt  }
0x76: {  	_ =	shalt  }
0x77: {  	_ =	shalt  }
0x78: {  	_ =	shalt  }
0x79: {  	_ =	shalt  }
0x7a: {  	_ =	shalt  }
0x7b: {  	_ =	shalt  }
0x7c: {  	_ =	shalt  }
0x7d: {  	_ =	shalt  }
0x7e: {  	_ =	shalt  }
0x7f: {  	_ =	shalt  }
0x80: {  	_ =	shalt  }
0x81: {  	_ =	shalt  }
0x82: {  	_ =	shalt  }
0x83: {  	_ =	shalt  }
0x84: {  	_ =	shalt  }
0x85: {  	_ =	shalt  }
0x86: {  	_ =	shalt  }
0x87: {  	_ =	shalt  }
.Lfunc_end0:
.L_simem_size_0:
called_computation_lowered:
.L_overlay_start_0:
0x88: {  	s2 =	sld [smem:$0x3FD9]  }
0x89: {  	s3 =	sld [smem:$0x3FFE];
	_ =	sdelay $0x1  }
0x8a: {  	s1 =	srdreg.scid  }
0x8b: {  	s0 =	sand.u32 $0x1, s1  }
0x8c: {  	s17 =	sshll.u32 s0, $0xA;
	s2 =	sadd.s32 s3, s2  }
0x8d: {  	s2 =	sadd.s32 s2, s17  }
0x8e: {  	[smem:$0x3FC7] =	sst s2  }
0x8f: {  	_ = 	snop  }
0x90: {  	s2 =	sld [smem:$0x3FC9];
	(tm) =	ssettm $0x1  }
0x91: {  	s18 =	sld [smem:$0x3FFB];
	_ =	sdelay $0x3  }
0x92: {  	_ =	strace s18  }
0x93: {  	s3 =	sld [smem:$0x3FFC];
	_ =	sdelay $0x3  }
0x94: {  	_ =	strace s3  }
0x95: {  	s3 =	sld [smem:$0x3FFD];
	_ =	sdelay $0x3  }
0x96: {  	_ =	strace s3  }
0x97: {  	_ =	strace $0x8FFFFFFF  }
0x98: {  	s19 =	sld [smem:$0x3FDB];
	_ =	sdelay $0x1  }
0x99: {  	s4 =	simm.s32 $_scs_section_size  }
0x9a: {  	s5 =	simm.s32 $_size__tile_overlayer_lowered;
	s6 =	simm.s32 $_tile_overlayer_lowered  }
0x9b: {  	s22 =	simm.s32 $0x1BFF;
	s21 =	sshll.u32 s6, $0x1;
	s3 =	sadd.s32 s4, s19  }
0x9c: {  	s7 =	simm.s32 $0x0;
	s20 =	sshll.u32 s5, $0x1;
	s5 =	sadd.s32 s21, s3  }
0x9d: {  	[timem:s7], [sflag:s22] =	dma.local [hbm:s5], s20  }
0x9e: {  	_ =	swait.ge [sflag:s22], s20  }
0x9f: {  	s4 =	ssub.s32 $0x0, s20;
	[sflag:s22] =	ssyncset.done $0x0  }
0xa0: {  	[sflag:s22] =	ssyncadd.s32 s4;
	_ =	sdelay $0x1  }
0xa1: {  	s23 =	simm.s32 $0x1B8B  }
0xa2: {  	_ =	swait.ge [sflag:s23], $0x1  }
0xa3: {  	[sflag:s23] =	ssyncset.done $0x0  }
0xa4: {  	s25 =	simm.s32 $0x1B8E;
	s24 =	sld [smem:$0x3FFE];
	[sflag:s23] =	ssyncadd.s32 $0xFFFFFFFF  }
0xa5: {  	s26 =	simm.s32 $execute0_lowered;
	[smem:$0x3FD2] =	sst s25  }
0xa6: {  	s5 =	sshll.u32 s26, $0x1;
	_ =	strace $0x80000046;
	[dreg:$0x1] =	wrdreg $0xFFFFFFFF  }
0xa7: {  	s28 =	simm.s32 $_size_execute0_lowered;
	s3 =	sadd.s32 s3, s5;
	[dreg:$0x0] =	wrdreg $0x0  }
0xa8: {  	s5 =	sshll.u32 s28, $0x1;
	[dreg:$0x2] =	wrdreg s3  }
0xa9: {  	[dreg:$0x3] =	wrdreg s5  }
0xaa: {  	[dreg:$0x4] =	wrdreg $0xC0  }
0xab: {  	_ =	task [dreg:s7], $0x5FFFF  }
0xac: {  	[dreg:$0x1] =	wrdreg $0xFFFFFFFF  }
0xad: {  	[dreg:$0x0] =	wrdreg $0x60  }
0xae: {  	[dreg:$0x2] =	wrdreg s2  }
0xaf: {  	[dreg:$0x3] =	wrdreg s24  }
0xb0: {  	[dreg:$0x4] =	wrdreg $0x9  }
0xb1: {  	_ =	task.clear_ibuf [dreg:s7], $0x5FFFF;
	_ =	strace $0x90000046  }
0xb2: {  	s29 =	simm.s32 $0x9;
	_ =	strace $0x80000048  }
0xb3: {  	_ =	swait.ge [sflag:s29], $0x1  }
0xb4: {  	[sflag:s29] =	ssyncadd.s32 $0xFFFFFFFF  }
0xb5: {  	_ =	strace $0x90000048  }
0xb6: {  	_ =	sfence  }
0xb7: {  	s30 =	sld [smem:$0x0];
	_ =	sdelay $0x2  }
0xb8: {  	s31 =	sshll.u32 s1, $0xD;
	s1 =	sshrl.u32 s1, $0x2  }
0xb9: {  	s3 =	sand.u32 $0x4000, s31;
	s1 =	sadd.s32 s1, s30  }
0xba: {  	s0 =	sor.u32 s3, s0;
	s1 =	sshll.u32 s1, $0x11  }
0xbb: {  	s0 =	sor.u32 s1, s0  }
0xbc: {  	s0 =	sadd.s32 $0x8F2B, s0  }
0xbd: {  	[sflag:s0] =	ssyncadd.remote.s32 $0x1  }
0xbe: {  	_ =	sfence.sel $0xFFFF  }
0xbf: {  	[dreg:$0x0] =	wrdreg $0xFFFFFFFF;
	(pc) =	sbr.abs _section_cstart, $3  }
0xc0: {  	[dreg:$0x1] =	wrdreg $0xFFFFFFFF  }
0xc1: {  	_ =	task.clear_ibuf [dreg:s7], $0x2FFFF;
	_ =	strace $0x9FFFFFFF  }
0xc2: {  	(tm) =	ssettm $0x7FFFFFFF  }
0xc3: {  	_ =	shalt  }
tec
execute0_lowered:
.L_overlay_start_1:
0x0: {  	(tag) =	ssettag $0x1  }
0x1: {  	s1 =	srdreg.scid;
	s0 =	stileid.u32  }
0x2: {  	s2 =	sand.u32 $0x1, s1;
	s21 =	sshll.u32 s0, $0x1  }
0x3: {  	s1 =	sor.u32 s2, s21  }
0x4: {  	s29 =	smul.u32 $0xC, s1  }
0x5: {  	[dreg:$0x4] =	wrdreg s2;
	s2 =	smul.u32 $0x958, s1  }
0x6: {  	s12 =	smul.u32 $0x15000, s1  }
0x7: {  	s1 =	smul.u32 $0x40008, s1;
	s3 =	sor.u32 $0x1, s29  }
0x8: {  	s2 =	sadd.s32 $0x7E, s2;
	s4 =	smul.u32 $0x5556, s3  }
0x9: {  	s23 =	sor.u32 $0x2, s29;
	s2 =	smulhi.u32 $0x1020409, s2  }
0xa: {  	s26 =	sor.u32 $0x3, s29;
	s24 =	smul.u32 $0x5556, s23  }
0xb: {  	s13 =	smul.u32 $0x5556, s26  }
0xc: {  	s5 =	sshrl.u32 s4, $0x10;
	s7 =	smul.u32 $0x5400, s2  }
0xd: {  	s4 =	smul.u32 $0x256, s5  }
0xe: {  	s13 =	sshrl.u32 s13, $0x10;
	s6 =	smul.u32 $0x3, s5  }
0xf: {  	s17 =	smul.u32 $0x256, s13  }
0x10: {  	s9 =	rddreg [dreg:$0x1];
	s14 =	smul.u32 $0x3, s13  }
0x11: {  	s0 =	sadd.s32 $0x400, s9;
	s18 =	smul.u32 $0x2A000, s5  }
0x12: {  	s31 =	sadd.s32 $0x30006, s1;
	s13 =	smul.u32 $0x2A000, s13;
	s22 =	sadd.s32 $0x7E, s4  }
0x13: {  	s3 =	ssub.s32 s3, s6;
	s6 =	sshrl.u32 s24, $0x10;
	s2 =	smulhi.u32 $0x4081021, s22  }
0x14: {  	s21 =	rddreg [dreg:$0x0];
	s31 =	sshrl.u32 s31, $0x10;
	s10 =	smul.u32 $0x256, s6  }
0x15: {  	s16 =	sadd.s32 s21, s7;
	s3 =	sand.u32 $0xFFFF, s3;
	s11 =	smul.u32 $0x3, s6  }
0x16: {  	s19 =	sadd.s32 $0x7E, s17;
	s22 =	ssub.s32 s26, s14;
	s8 =	smul.u32 $0xE000, s3  }
0x17: {  	s2 =	sshrl.u32 s2, $0x2;
	s4 =	ssub.s32 s23, s11;
	s23 =	smulhi.u32 $0x4081021, s19  }
0x18: {  	s10 =	sadd.s32 $0x7E, s10;
	s11 =	sadd.s32 $0x15558, s1;
	s25 =	smul.u32 $0x2A000, s2  }
0x19: {  	s2 =	simm.s32 $0x0;
	s10 =	smulhi.u32 $0x4081021, s10;
	s4 =	sand.u32 $0xFFFF, s4  }
0x1a: {  	[smem:$0x7FF] =	sst s2;
	s9 =	smul.u32 $0xE000, s4;
	s4 =	sadd.s32 s0, s12  }
0x1b: {  	s12 =	smul.u32 $0x2A000, s6;
	_ =	strace $0x80000047;
	s15 =	sshrl.u32 s10, $0x2  }
0x1c: {  	s3 =	sadd.s32 s8, s25;
	[dreg:$0x3] =	wrdreg s16;
	s25 =	sand.u32 $0xFFFF, s22  }
0x1d: {  	s8 =	sadd.s32 s8, s18;
	s22 =	sadd.s32 $0x1AAAE, s1;
	s10 =	smul.u32 $0x2A000, s15  }
0x1e: {  	s3 =	sshrl.u32 s3, $0x3;
	s26 =	smul.u32 $0xE000, s25;
	s8 =	sshrl.u32 s8, $0x3  }
0x1f: {  	s15 =	sshrl.u32 s11, $0x10;
	s16 =	rddreg [dreg:$0x3];
	s17 =	sadd.s32 s9, s12  }
0x20: {  	s12 =	simm.s32 $0x2;
	s25 =	sadd.s32 $0x20004, s1;
	s3 =	sadd.s32 s21, s3  }
0x21: {  	[tilespmem:s2], [sflag:$0x1] =	stream.linear.gather [hbm4b:s16+s2], $0xE000, $0x38;
	[tilespmem:$0x1C000] =	vst v63  }
0x22: {  	s16 =	smul.u32 $0x256, s15;
	s20 =	sadd.s32 s9, s10;
	s10 =	sshrl.u32 s23, $0x2  }
0x23: {  	s6 =	sadd.s32 s0, s8;
	s11 =	sshrl.u32 s17, $0x3;
	s7 =	smul.u32 $0x2A000, s10  }
0x24: {  	s8 =	simm.s32 $0xE000;
	s9 =	simm.s32 $0x1;
	s10 =	smul.u32 $0x3, s15  }
0x25: {  	[tilespmem:s8], [sflag:$0x2] =	stream.linear.gather [hbm4b:s3+s2], $0xE000, $0x38;
	[tilespmem:$0x1C000] =	vst v63  }
0x26: {  	s24 =	sshrl.u32 s20, $0x3;
	s20 =	sadd.s32 $0x7E, s16;
	s15 =	smul.u32 $0x2A000, s15  }
0x27: {  	s5 =	sadd.s32 s21, s24;
	_ =	swait.ge [sflag:s9], $0xE000;
	s16 =	smulhi.u32 $0x4081021, s20  }
0x28: {  	s7 =	sadd.s32 s26, s7;
	s18 =	ssub.s32 s29, s10;
	[sflag:s9] =	ssyncset.done $0x0  }
0x29: {  	s10 =	sadd.s32 $0x4, s18;
	[sflag:s9] =	ssyncadd.s32 $0xFFFF2000;
	s18 =	sshrl.u32 s22, $0x10  }
0x2a: {  	[hbm4b:s4+s2] =	stream.linear.scatter [tilespmem:s2], [sflag:$0x3], $0xE000, $0x38;
	[tilespmem:$0x1C000] =	vst v63  }
0x2b: {  	s7 =	sshrl.u32 s7, $0x3;
	s16 =	sshrl.u32 s16, $0x2;
	s20 =	smul.u32 $0x256, s18  }
0x2c: {  	s22 =	sadd.s32 s26, s13;
	s19 =	sand.u32 $0xFFFF, s10;
	s16 =	smul.u32 $0x2A000, s16  }
0x2d: {  	s10 =	sadd.s32 s0, s11;
	s11 =	simm.s32 $0x3;
	s17 =	smul.u32 $0xE000, s19  }
0x2e: {  	s13 =	simm.s32 $0x4;
	_ =	swait.ge [sflag:s11], $0xE000;
	s19 =	smul.u32 $0x3, s18  }
0x2f: {  	s18 =	smul.u32 $0x2A000, s18;
	[sflag:s11] =	ssyncset.done $0x0;
	s24 =	sadd.s32 $0x7E, s20  }
0x30: {  	s20 =	sshrl.u32 s25, $0x10;
	s25 =	sshrl.u32 s22, $0x3;
	[sflag:s11] =	ssyncadd.s32 $0xFFFF2000  }
0x31: {  	s23 =	ssub.s32 s29, s19;
	s19 =	smulhi.u32 $0x4081021, s24;
	s16 =	sadd.s32 s17, s16  }
0x32: {  	[tilespmem:s2], [sflag:$0x1] =	stream.linear.gather [hbm4b:s5+s2], $0xE000, $0x38;
	[tilespmem:$0x1C000] =	vst v63  }
0x33: {  	s17 =	sadd.s32 s17, s15;
	s26 =	smul.u32 $0x3, s20;
	s14 =	sadd.s32 $0x5, s23  }
0x34: {  	_ =	swait.ge [sflag:s12], $0xE000;
	s14 =	sand.u32 $0xFFFF, s14;
	s19 =	sshrl.u32 s19, $0x2  }
0x35: {  	s15 =	ssub.s32 s29, s26;
	[sflag:s12] =	ssyncset.done $0x0;
	s14 =	smul.u32 $0xE000, s14  }
0x36: {  	s19 =	smul.u32 $0x2A000, s19;
	s26 =	sadd.s32 $0x6, s15;
	[sflag:s12] =	ssyncadd.s32 $0xFFFF2000  }
0x37: {  	[hbm4b:s6+s2] =	stream.linear.scatter [tilespmem:s8], [sflag:$0x4], $0xE000, $0x38;
	[tilespmem:$0x1C000] =	vst v63  }
0x38: {  	s24 =	sshrl.u32 s16, $0x3;
	s22 =	sand.u32 $0xFFFF, s26;
	s19 =	sadd.s32 s14, s19  }
0x39: {  	s23 =	sadd.s32 s14, s18;
	s14 =	sadd.s32 s21, s24;
	s24 =	smul.u32 $0x256, s20  }
0x3a: {  	s7 =	sadd.s32 s21, s7;
	s26 =	sadd.s32 $0x2555A, s1;
	s22 =	smul.u32 $0xE000, s22  }
0x3b: {  	s17 =	sshrl.u32 s17, $0x3;
	s28 =	sshrl.u32 s26, $0x10;
	s20 =	smul.u32 $0x2A000, s20  }
0x3c: {  	s17 =	sadd.s32 s0, s17;
	s15 =	sadd.s32 s0, s25;
	s18 =	smul.u32 $0x3, s28  }
0x3d: {  	_ =	swait.ge [sflag:s13], $0xE000;
	s19 =	sshrl.u32 s19, $0x3;
	s26 =	smul.u32 $0x256, s28  }
0x3e: {  	[sflag:s13] =	ssyncset.done $0x0;
	s25 =	sadd.s32 $0x7E, s24;
	s16 =	sadd.s32 s21, s19  }
0x3f: {  	[sflag:s13] =	ssyncadd.s32 $0xFFFF2000;
	s24 =	smulhi.u32 $0x4081021, s25;
	s18 =	ssub.s32 s29, s18  }
0x40: {  	[tilespmem:s8], [sflag:$0x2] =	stream.linear.gather [hbm4b:s7+s2], $0xE000, $0x38;
	[tilespmem:$0x1C000] =	vst v63  }
0x41: {  	s18 =	sadd.s32 $0x7, s18;
	_ =	swait.ge [sflag:s9], $0xE000;
	s25 =	sshrl.u32 s24, $0x2  }
0x42: {  	s24 =	sadd.s32 $0x7E, s26;
	[sflag:s9] =	ssyncset.done $0x0;
	s19 =	smul.u32 $0x2A000, s25  }
0x43: {  	s18 =	sand.u32 $0xFFFF, s18;
	s24 =	smulhi.u32 $0x4081021, s24;
	[sflag:s9] =	ssyncadd.s32 $0xFFFF2000  }
0x44: {  	[hbm4b:s10+s2] =	stream.linear.scatter [tilespmem:s2], [sflag:$0x3], $0xE000, $0x38;
	[tilespmem:$0x1C000] =	vst v63  }
0x45: {  	s23 =	sshrl.u32 s23, $0x3;
	s30 =	smul.u32 $0xE000, s18;
	_ =	swait.ge [sflag:s11], $0xE000  }
0x46: {  	s25 =	sshrl.u32 s24, $0x2;
	s19 =	sadd.s32 s22, s19;
	[sflag:s11] =	ssyncset.done $0x0  }
0x47: {  	s22 =	sadd.s32 s22, s20;
	s24 =	smul.u32 $0x2A000, s25;
	[sflag:s11] =	ssyncadd.s32 $0xFFFF2000  }
0x48: {  	[tilespmem:s2], [sflag:$0x1] =	stream.linear.gather [hbm4b:s14+s2], $0xE000, $0x38;
	[tilespmem:$0x1C000] =	vst v63  }
0x49: {  	s26 =	sshrl.u32 s19, $0x3;
	s25 =	sadd.s32 $0x2AAB0, s1;
	_ =	swait.ge [sflag:s12], $0xE000  }
0x4a: {  	s19 =	sadd.s32 s0, s23;
	s22 =	sshrl.u32 s22, $0x3;
	[sflag:s12] =	ssyncset.done $0x0  }
0x4b: {  	s1 =	sadd.s32 $0x3555C, s1;
	s18 =	sadd.s32 s21, s26;
	[sflag:s12] =	ssyncadd.s32 $0xFFFF2000  }
0x4c: {  	[hbm4b:s15+s2] =	stream.linear.scatter [tilespmem:s8], [sflag:$0x4], $0xE000, $0x38;
	[tilespmem:$0x1C000] =	vst v63  }
0x4d: {  	s26 =	smul.u32 $0x2A000, s28;
	s1 =	sshrl.u32 s1, $0x10;
	_ =	swait.ge [sflag:s13], $0xE000  }
0x4e: {  	s20 =	sadd.s32 s30, s24;
	s24 =	sshrl.u32 s25, $0x10;
	[sflag:s13] =	ssyncset.done $0x0  }
0x4f: {  	s28 =	sadd.s32 s30, s26;
	s25 =	smul.u32 $0x3, s24;
	[sflag:s13] =	ssyncadd.s32 $0xFFFF2000  }
0x50: {  	[tilespmem:s8], [sflag:$0x2] =	stream.linear.gather [hbm4b:s16+s2], $0xE000, $0x38;
	[tilespmem:$0x1C000] =	vst v63  }
0x51: {  	s26 =	smov.u32 s0;
	s30 =	smul.u32 $0x256, s24;
	_ =	swait.ge [sflag:s9], $0xE000  }
0x52: {  	s20 =	sshrl.u32 s20, $0x3;
	s24 =	smul.u32 $0x2A000, s24;
	[sflag:s9] =	ssyncset.done $0x0  }
0x53: {  	s23 =	ssub.s32 s29, s25;
	s30 =	sadd.s32 $0x7E, s30;
	[sflag:s9] =	ssyncadd.s32 $0xFFFF2000  }
0x54: {  	[hbm4b:s17+s2] =	stream.linear.scatter [tilespmem:s2], [sflag:$0x3], $0xE000, $0x38;
	[tilespmem:$0x1C000] =	vst v63  }
0x55: {  	s23 =	sadd.s32 $0x8, s23;
	s30 =	smulhi.u32 $0x4081021, s30;
	_ =	swait.ge [sflag:s11], $0xE000  }
0x56: {  	s0 =	smul.u32 $0x3, s31;
	s23 =	sand.u32 $0xFFFF, s23;
	[sflag:s11] =	ssyncset.done $0x0  }
0x57: {  	s23 =	smul.u32 $0xE000, s23;
	s30 =	sshrl.u32 s30, $0x2;
	[sflag:s11] =	ssyncadd.s32 $0xFFFF2000  }
0x58: {  	[tilespmem:s2], [sflag:$0x1] =	stream.linear.gather [hbm4b:s18+s2], $0xE000, $0x38;
	[tilespmem:$0x1C000] =	vst v63  }
0x59: {  	s0 =	ssub.s32 s29, s0;
	s30 =	smul.u32 $0x2A000, s30;
	_ =	swait.ge [sflag:s12], $0xE000  }
0x5a: {  	s0 =	sadd.s32 $0x9, s0;
	s25 =	sadd.s32 s23, s24;
	[sflag:s12] =	ssyncset.done $0x0  }
0x5b: {  	s30 =	sadd.s32 s23, s30;
	s23 =	smul.u32 $0x256, s31;
	[sflag:s12] =	ssyncadd.s32 $0xFFFF2000  }
0x5c: {  	[hbm4b:s19+s2] =	stream.linear.scatter [tilespmem:s8], [sflag:$0x4], $0xE000, $0x38;
	[tilespmem:$0x1C000] =	vst v63  }
0x5d: {  	s20 =	sadd.s32 s21, s20;
	s0 =	sand.u32 $0xFFFF, s0;
	_ =	swait.ge [sflag:s13], $0xE000  }
0x5e: {  	s0 =	smul.u32 $0xE000, s0;
	s23 =	sadd.s32 $0x7E, s23;
	[sflag:s13] =	ssyncset.done $0x0  }
0x5f: {  	s24 =	sshrl.u32 s30, $0x3;
	s30 =	smulhi.u32 $0x4081021, s23;
	[sflag:s13] =	ssyncadd.s32 $0xFFFF2000  }
0x60: {  	[tilespmem:s8], [sflag:$0x2] =	stream.linear.gather [hbm4b:s20+s2], $0xE000, $0x38;
	[tilespmem:$0x1C000] =	vst v63  }
0x61: {  	s23 =	sadd.s32 s21, s24;
	s24 =	sshrl.u32 s30, $0x2;
	_ =	swait.ge [sflag:s9], $0xE000  }
0x62: {  	s22 =	sadd.s32 s26, s22;
	s30 =	smul.u32 $0x2A000, s24;
	[sflag:s9] =	ssyncset.done $0x0  }
0x63: {  	s24 =	sshrl.u32 s28, $0x3;
	[dreg:$0x6] =	wrdreg s0;
	[sflag:s9] =	ssyncadd.s32 $0xFFFF2000  }
0x64: {  	[hbm4b:s22+s2] =	stream.linear.scatter [tilespmem:s2], [sflag:$0x3], $0xE000, $0x38;
	[tilespmem:$0x1C000] =	vst v63  }
0x65: {  	s28 =	smul.u32 $0x3, s1;
	s30 =	sadd.s32 s0, s30;
	_ =	swait.ge [sflag:s11], $0xE000  }
0x66: {  	s25 =	sshrl.u32 s25, $0x3;
	s30 =	sshrl.u32 s30, $0x3;
	[sflag:s11] =	ssyncset.done $0x0  }
0x67: {  	s0 =	ssub.s32 s29, s28;
	[dreg:$0x5] =	wrdreg s1;
	[sflag:s11] =	ssyncadd.s32 $0xFFFF2000  }
0x68: {  	[tilespmem:s2], [sflag:$0x1] =	stream.linear.gather [hbm4b:s23+s2], $0xE000, $0x38;
	[tilespmem:$0x1C000] =	vst v63  }
0x69: {  	s28 =	sadd.s32 s21, s30;
	s30 =	smul.u32 $0x256, s1;
	_ =	swait.ge [sflag:s12], $0xE000  }
0x6a: {  	s24 =	sadd.s32 s26, s24;
	s0 =	sadd.s32 $0xA, s0;
	[sflag:s12] =	ssyncset.done $0x0  }
0x6b: {  	s30 =	sadd.s32 $0x7E, s30;
	[dreg:$0x7] =	wrdreg s26;
	[sflag:s12] =	ssyncadd.s32 $0xFFFF2000  }
0x6c: {  	[hbm4b:s24+s2] =	stream.linear.scatter [tilespmem:s8], [sflag:$0x4], $0xE000, $0x38;
	[tilespmem:$0x1C000] =	vst v63  }
0x6d: {  	s0 =	sand.u32 $0xFFFF, s0;
	s30 =	smulhi.u32 $0x4081021, s30;
	_ =	swait.ge [sflag:s13], $0xE000  }
0x6e: {  	s21 =	smul.u32 $0xE000, s0;
	s0 =	sadd.s32 $0xB, s29;
	[sflag:s13] =	ssyncset.done $0x0  }
0x6f: {  	s1 =	smul.u32 $0x5556, s0;
	s30 =	sshrl.u32 s30, $0x2;
	[sflag:s13] =	ssyncadd.s32 $0xFFFF2000  }
0x70: {  	[tilespmem:s8], [sflag:$0x2] =	stream.linear.gather [hbm4b:s28+s2], $0xE000, $0x38;
	[tilespmem:$0x1C000] =	vst v63  }
0x71: {  	s29 =	sadd.s32 s26, s25;
	s25 =	smul.u32 $0x2A000, s30;
	_ =	swait.ge [sflag:s9], $0xE000  }
0x72: {  	s30 =	smul.u32 $0x2A000, s31;
	s26 =	sshrl.u32 s1, $0x10;
	[sflag:s9] =	ssyncset.done $0x0  }
0x73: {  	s1 =	smul.u32 $0x3, s26;
	s31 =	rddreg [dreg:$0x6];
	[sflag:s9] =	ssyncadd.s32 $0xFFFF2000  }
0x74: {  	[hbm4b:s29+s2] =	stream.linear.scatter [tilespmem:s2], [sflag:$0x3], $0xE000, $0x38;
	[tilespmem:$0x1C000] =	vst v63  }
0x75: {  	s31 =	sadd.s32 s31, s30;
	s30 =	smul.u32 $0x256, s26;
	_ =	swait.ge [sflag:s11], $0xE000  }
0x76: {  	s25 =	sadd.s32 s21, s25;
	s0 =	ssub.s32 s0, s1;
	[sflag:s11] =	ssyncset.done $0x0  }
0x77: {  	s1 =	sshrl.u32 s25, $0x3;
	s25 =	sadd.s32 $0x7E, s30;
	s30 =	rddreg [dreg:$0x0]  }
0x78: {  	s0 =	sand.u32 $0xFFFF, s0;
	s30 =	sadd.s32 s30, s1;
	s1 =	smulhi.u32 $0x4081021, s25  }
0x79: {  	[sflag:s11] =	ssyncadd.s32 $0xFFFF2000;
	s25 =	smul.u32 $0xE000, s0  }
0x7a: {  	[tilespmem:s2], [sflag:$0x1] =	stream.linear.gather [hbm4b:s30+s2], $0xE000, $0x38;
	[tilespmem:$0x1C000] =	vst v63  }
0x7b: {  	s31 =	sshrl.u32 s31, $0x3;
	_ =	swait.ge [sflag:s12], $0xE000;
	[dreg:$0x8] =	wrdreg s25  }
0x7c: {  	s1 =	sshrl.u32 s1, $0x2;
	[sflag:s12] =	ssyncset.done $0x0;
	s0 =	rddreg [dreg:$0x7]  }
0x7d: {  	s1 =	smul.u32 $0x2A000, s1;
	s31 =	sadd.s32 s0, s31;
	[sflag:s12] =	ssyncadd.s32 $0xFFFF2000  }
0x7e: {  	[hbm4b:s31+s2] =	stream.linear.scatter [tilespmem:s8], [sflag:$0x4], $0xE000, $0x38;
	[tilespmem:$0x1C000] =	vst v63  }
0x7f: {  	_ =	swait.ge [sflag:s13], $0xE000  }
0x80: {  	s1 =	sadd.s32 s25, s1;
	[sflag:s13] =	ssyncset.done $0x0  }
0x81: {  	s1 =	sshrl.u32 s1, $0x3;
	s25 =	rddreg [dreg:$0x0]  }
0x82: {  	s25 =	sadd.s32 s25, s1;
	s1 =	rddreg [dreg:$0x5]  }
0x83: {  	[sflag:s13] =	ssyncadd.s32 $0xFFFF2000;
	s1 =	smul.u32 $0x2A000, s1  }
0x84: {  	[tilespmem:s8], [sflag:$0x2] =	stream.linear.gather [hbm4b:s25+s2], $0xE000, $0x38;
	[tilespmem:$0x1C000] =	vst v63  }
0x85: {  	_ =	swait.ge [sflag:s9], $0xE000;
	s1 =	sadd.s32 s21, s1  }
0x86: {  	[sflag:s9] =	ssyncset.done $0x0;
	s1 =	sshrl.u32 s1, $0x3  }
0x87: {  	[sflag:s9] =	ssyncadd.s32 $0xFFFF2000;
	s1 =	sadd.s32 s0, s1;
	s0 =	smul.u32 $0x2A000, s26  }
0x88: {  	[hbm4b:s1+s2] =	stream.linear.scatter [tilespmem:s2], [sflag:$0x3], $0xE000, $0x38;
	[tilespmem:$0x1C000] =	vst v63  }
0x89: {  	s26 =	rddreg [dreg:$0x8];
	_ =	swait.ge [sflag:s12], $0xE000  }
0x8a: {  	s0 =	sadd.s32 s26, s0;
	s26 =	rddreg [dreg:$0x7]  }
0x8b: {  	s0 =	sshrl.u32 s0, $0x3;
	[sflag:s12] =	ssyncset.done $0x0;
	s21 =	rddreg [dreg:$0x4]  }
0x8c: {  	s26 =	sadd.s32 s26, s0;
	s0 =	ssub.s32 $0x2, s21;
	[sflag:s12] =	ssyncadd.s32 $0xFFFF2000  }
0x8d: {  	[hbm4b:s26+s2] =	stream.linear.scatter [tilespmem:s8], [sflag:$0x4], $0xE000, $0x38;
	[tilespmem:$0x1C000] =	vst v63  }
0x8e: {  	s21 =	sshrl.u32 s0, $0x1  }
0x8f: {  	s0 =	ssub.s32 s0, s21  }
0x90: {  	s0 =	smax.u32 s0, $0x1  }
0x91: {  	p0 =	sne.s32 s0, $0x1  }
.Ltmp0:
0x92: {  	_ =	swait.ge [sflag:s11], $0xE000;
	(pc) =	sbr.rel @!p0 .LBB2_2-.Ltmp0, $4  }
0x93: {  	[sflag:s11] =	ssyncset.done $0x0  }
0x94: {  	[sflag:s11] =	ssyncadd.s32 $0xFFFF2000  }
0x95: {  	_ =	swait.ge [sflag:s13], $0xE000  }
0x96: {  	s21 =	sadd.s32 $0xFFFFFFFF, s0;
	[sflag:s13] =	ssyncset.done $0x0  }
.LBB2_1:
0x97: {  	s0 =	rddreg [dreg:$0x3];
	[sflag:s13] =	ssyncadd.s32 $0xFFFF2000  }
0x98: {  	[tilespmem:s2], [sflag:$0x1] =	stream.linear.gather [hbm4b:s0+s2], $0xE000, $0x38;
	[tilespmem:$0x1C000] =	vst v63  }
0x99: {  	_ = 	snop  }
0x9a: {  	[tilespmem:s8], [sflag:$0x2] =	stream.linear.gather [hbm4b:s3+s2], $0xE000, $0x38;
	[tilespmem:$0x1C000] =	vst v63  }
0x9b: {  	_ =	swait.ge [sflag:s9], $0xE000  }
0x9c: {  	[sflag:s9] =	ssyncset.done $0x0  }
0x9d: {  	[sflag:s9] =	ssyncadd.s32 $0xFFFF2000  }
0x9e: {  	[hbm4b:s4+s2] =	stream.linear.scatter [tilespmem:s2], [sflag:$0x3], $0xE000, $0x38;
	[tilespmem:$0x1C000] =	vst v63  }
0x9f: {  	_ =	swait.ge [sflag:s11], $0xE000  }
0xa0: {  	[sflag:s11] =	ssyncset.done $0x0  }
0xa1: {  	[sflag:s11] =	ssyncadd.s32 $0xFFFF2000  }
0xa2: {  	[tilespmem:s2], [sflag:$0x1] =	stream.linear.gather [hbm4b:s5+s2], $0xE000, $0x38;
	[tilespmem:$0x1C000] =	vst v63  }
0xa3: {  	_ =	swait.ge [sflag:s12], $0xE000  }
0xa4: {  	[sflag:s12] =	ssyncset.done $0x0  }
0xa5: {  	[sflag:s12] =	ssyncadd.s32 $0xFFFF2000  }
0xa6: {  	[hbm4b:s6+s2] =	stream.linear.scatter [tilespmem:s8], [sflag:$0x4], $0xE000, $0x38;
	[tilespmem:$0x1C000] =	vst v63  }
0xa7: {  	_ =	swait.ge [sflag:s13], $0xE000  }
0xa8: {  	[sflag:s13] =	ssyncset.done $0x0  }
0xa9: {  	[sflag:s13] =	ssyncadd.s32 $0xFFFF2000  }
0xaa: {  	[tilespmem:s8], [sflag:$0x2] =	stream.linear.gather [hbm4b:s7+s2], $0xE000, $0x38;
	[tilespmem:$0x1C000] =	vst v63  }
0xab: {  	_ =	swait.ge [sflag:s9], $0xE000  }
0xac: {  	[sflag:s9] =	ssyncset.done $0x0  }
0xad: {  	[sflag:s9] =	ssyncadd.s32 $0xFFFF2000  }
0xae: {  	[hbm4b:s10+s2] =	stream.linear.scatter [tilespmem:s2], [sflag:$0x3], $0xE000, $0x38;
	[tilespmem:$0x1C000] =	vst v63  }
0xaf: {  	_ =	swait.ge [sflag:s11], $0xE000  }
0xb0: {  	[sflag:s11] =	ssyncset.done $0x0  }
0xb1: {  	[sflag:s11] =	ssyncadd.s32 $0xFFFF2000  }
0xb2: {  	[tilespmem:s2], [sflag:$0x1] =	stream.linear.gather [hbm4b:s14+s2], $0xE000, $0x38;
	[tilespmem:$0x1C000] =	vst v63  }
0xb3: {  	_ =	swait.ge [sflag:s12], $0xE000  }
0xb4: {  	[sflag:s12] =	ssyncset.done $0x0  }
0xb5: {  	[sflag:s12] =	ssyncadd.s32 $0xFFFF2000  }
0xb6: {  	[hbm4b:s15+s2] =	stream.linear.scatter [tilespmem:s8], [sflag:$0x4], $0xE000, $0x38;
	[tilespmem:$0x1C000] =	vst v63  }
0xb7: {  	_ =	swait.ge [sflag:s13], $0xE000  }
0xb8: {  	[sflag:s13] =	ssyncset.done $0x0  }
0xb9: {  	[sflag:s13] =	ssyncadd.s32 $0xFFFF2000  }
0xba: {  	[tilespmem:s8], [sflag:$0x2] =	stream.linear.gather [hbm4b:s16+s2], $0xE000, $0x38;
	[tilespmem:$0x1C000] =	vst v63  }
0xbb: {  	_ =	swait.ge [sflag:s9], $0xE000  }
0xbc: {  	[sflag:s9] =	ssyncset.done $0x0  }
0xbd: {  	[sflag:s9] =	ssyncadd.s32 $0xFFFF2000  }
0xbe: {  	[hbm4b:s17+s2] =	stream.linear.scatter [tilespmem:s2], [sflag:$0x3], $0xE000, $0x38;
	[tilespmem:$0x1C000] =	vst v63  }
0xbf: {  	_ =	swait.ge [sflag:s11], $0xE000  }
0xc0: {  	[sflag:s11] =	ssyncset.done $0x0  }
0xc1: {  	[sflag:s11] =	ssyncadd.s32 $0xFFFF2000  }
0xc2: {  	[tilespmem:s2], [sflag:$0x1] =	stream.linear.gather [hbm4b:s18+s2], $0xE000, $0x38;
	[tilespmem:$0x1C000] =	vst v63  }
0xc3: {  	_ =	swait.ge [sflag:s12], $0xE000  }
0xc4: {  	[sflag:s12] =	ssyncset.done $0x0  }
0xc5: {  	[sflag:s12] =	ssyncadd.s32 $0xFFFF2000  }
0xc6: {  	[hbm4b:s19+s2] =	stream.linear.scatter [tilespmem:s8], [sflag:$0x4], $0xE000, $0x38;
	[tilespmem:$0x1C000] =	vst v63  }
0xc7: {  	_ =	swait.ge [sflag:s13], $0xE000  }
0xc8: {  	[sflag:s13] =	ssyncset.done $0x0  }
0xc9: {  	[sflag:s13] =	ssyncadd.s32 $0xFFFF2000  }
0xca: {  	[tilespmem:s8], [sflag:$0x2] =	stream.linear.gather [hbm4b:s20+s2], $0xE000, $0x38;
	[tilespmem:$0x1C000] =	vst v63  }
0xcb: {  	_ =	swait.ge [sflag:s9], $0xE000  }
0xcc: {  	[sflag:s9] =	ssyncset.done $0x0  }
0xcd: {  	[sflag:s9] =	ssyncadd.s32 $0xFFFF2000  }
0xce: {  	[hbm4b:s22+s2] =	stream.linear.scatter [tilespmem:s2], [sflag:$0x3], $0xE000, $0x38;
	[tilespmem:$0x1C000] =	vst v63  }
0xcf: {  	_ =	swait.ge [sflag:s11], $0xE000  }
0xd0: {  	[sflag:s11] =	ssyncset.done $0x0  }
0xd1: {  	[sflag:s11] =	ssyncadd.s32 $0xFFFF2000  }
0xd2: {  	[tilespmem:s2], [sflag:$0x1] =	stream.linear.gather [hbm4b:s23+s2], $0xE000, $0x38;
	[tilespmem:$0x1C000] =	vst v63  }
0xd3: {  	_ =	swait.ge [sflag:s12], $0xE000  }
0xd4: {  	[sflag:s12] =	ssyncset.done $0x0  }
0xd5: {  	[sflag:s12] =	ssyncadd.s32 $0xFFFF2000  }
0xd6: {  	[hbm4b:s24+s2] =	stream.linear.scatter [tilespmem:s8], [sflag:$0x4], $0xE000, $0x38;
	[tilespmem:$0x1C000] =	vst v63  }
0xd7: {  	_ =	swait.ge [sflag:s13], $0xE000  }
0xd8: {  	[sflag:s13] =	ssyncset.done $0x0  }
0xd9: {  	[sflag:s13] =	ssyncadd.s32 $0xFFFF2000  }
0xda: {  	[tilespmem:s8], [sflag:$0x2] =	stream.linear.gather [hbm4b:s28+s2], $0xE000, $0x38;
	[tilespmem:$0x1C000] =	vst v63  }
0xdb: {  	_ =	swait.ge [sflag:s9], $0xE000  }
0xdc: {  	[sflag:s9] =	ssyncset.done $0x0  }
0xdd: {  	[sflag:s9] =	ssyncadd.s32 $0xFFFF2000  }
0xde: {  	[hbm4b:s29+s2] =	stream.linear.scatter [tilespmem:s2], [sflag:$0x3], $0xE000, $0x38;
	[tilespmem:$0x1C000] =	vst v63  }
0xdf: {  	_ =	swait.ge [sflag:s11], $0xE000  }
0xe0: {  	[sflag:s11] =	ssyncset.done $0x0  }
0xe1: {  	[sflag:s11] =	ssyncadd.s32 $0xFFFF2000  }
0xe2: {  	[tilespmem:s2], [sflag:$0x1] =	stream.linear.gather [hbm4b:s30+s2], $0xE000, $0x38;
	[tilespmem:$0x1C000] =	vst v63  }
0xe3: {  	_ =	swait.ge [sflag:s12], $0xE000  }
0xe4: {  	[sflag:s12] =	ssyncset.done $0x0  }
0xe5: {  	[sflag:s12] =	ssyncadd.s32 $0xFFFF2000  }
0xe6: {  	[hbm4b:s31+s2] =	stream.linear.scatter [tilespmem:s8], [sflag:$0x4], $0xE000, $0x38;
	[tilespmem:$0x1C000] =	vst v63  }
0xe7: {  	_ =	swait.ge [sflag:s13], $0xE000  }
0xe8: {  	[sflag:s13] =	ssyncset.done $0x0  }
0xe9: {  	[sflag:s13] =	ssyncadd.s32 $0xFFFF2000  }
0xea: {  	[tilespmem:s8], [sflag:$0x2] =	stream.linear.gather [hbm4b:s25+s2], $0xE000, $0x38;
	[tilespmem:$0x1C000] =	vst v63  }
0xeb: {  	_ =	swait.ge [sflag:s9], $0xE000  }
0xec: {  	[sflag:s9] =	ssyncset.done $0x0  }
0xed: {  	[sflag:s9] =	ssyncadd.s32 $0xFFFF2000  }
0xee: {  	[hbm4b:s1+s2] =	stream.linear.scatter [tilespmem:s2], [sflag:$0x3], $0xE000, $0x38;
	[tilespmem:$0x1C000] =	vst v63  }
0xef: {  	_ =	swait.ge [sflag:s12], $0xE000  }
0xf0: {  	[sflag:s12] =	ssyncset.done $0x0  }
0xf1: {  	p0 =	sne.s32 s21, $0x1;
	[sflag:s12] =	ssyncadd.s32 $0xFFFF2000  }
0xf2: {  	[hbm4b:s26+s2] =	stream.linear.scatter [tilespmem:s8], [sflag:$0x4], $0xE000, $0x38;
	[tilespmem:$0x1C000] =	vst v63  }
.Ltmp1:
0xf3: {  	_ =	swait.ge [sflag:s11], $0xE000;
	(pc) =	sbr.rel @p0 .LBB2_1-.Ltmp1, $4  }
0xf4: {  	[sflag:s11] =	ssyncset.done $0x0  }
0xf5: {  	[sflag:s11] =	ssyncadd.s32 $0xFFFF2000  }
0xf6: {  	_ =	swait.ge [sflag:s13], $0xE000  }
0xf7: {  	s21 =	sadd.s32 $0xFFFFFFFF, s21;
	[sflag:s13] =	ssyncset.done $0x0  }
.LBB2_2:
0xf8: {  	[sflag:s13] =	ssyncadd.s32 $0xFFFF2000  }
0xf9: {  	_ =	sfence.sel $0x180000  }
0xfa: {  	[bflag:$0x0] =	sbarrier.arrive $0xFFFF  }
0xfb: {  	_ =	strace $0x90000047  }
0xfc: {  	s0 =	stileid.u32;
	[bflag:$0x2] =	sbarrier.arrive $0xFFFF  }
0xfd: {  	p0 =	sne.s32 s0, $0x0;
	s0 =	rddreg [dreg:$0x2]  }
0xfe: {  	s0 =	sadd.s32 @!p0 $0x100000, s0  }
0xff: {  	[sflag:s0] =	ssyncadd.tile.s32 @!p0 $0x1;
	_ =	shalt  }
.Lfunc_end2:
_tile_overlayer_lowered:
.L_overlay_start_2:
0x100: {  	(tag) =	ssettag $0x2  }
0x101: {  	s0 =	rddreg [dreg:$0x0];
	s2 =	stileid.u32  }
0x102: {  	s1 =	rddreg [dreg:$0x1];
	p0 =	sne.s32 s2, $0x0  }
0x103: {  	s3 =	rddreg [dreg:$0x2];
	[bflag:$0x3] =	sbarrier.arrive $0xFFFF;
	s2 =	simm.s32 @!p0 $0x1C05  }
0x104: {  	[timem:s3], [sflag:s2] =	dma.local @!p0 [hbm:s0], s1  }
0x105: {  	s0 =	simm.s32 @!p0 $0x5  }
0x106: {  	_ =	swait.ge @!p0 [sflag:s0], s1  }
0x107: {  	s1 =	ssub.s32 @!p0 $0x0, s1;
	[sflag:s0] =	ssyncset.done @!p0 $0x0  }
0x108: {  	[sflag:s0] =	ssyncadd.s32 @!p0 s1  }
0x109: {  	[bflag:$0x3] =	sbarrier.arrive $0xFFFF  }
0x10a: {  	_ =	shalt  }

</sc_bundles>
